<compile_context>
chip_gen: v7x
topology: tpu7x:2x2x1
jax: 0.10.2.dev20260603
libtpu: 0.0.44.dev20260713+nightly
codegen_flags: <defaults>
</compile_context>

<pallas_src>
import functools

import jax
import jax.numpy as jnp
from jax import lax
from jax.experimental import pallas as pl
from jax.experimental.pallas import tpu as pltpu
from jax.experimental.pallas import tpu_sc as plsc

FEAT = 1024
NCLS = 1000
BATCH = 16384


def _transpose_body(p_ref, t_ref):
    t_ref[...] = p_ref[...].T


def _transpose(proto):
    return pl.pallas_call(
        _transpose_body,
        out_shape=jax.ShapeDtypeStruct((NCLS, FEAT), jnp.float32),
    )(proto)


_info = plsc.get_sparse_core_info()
_NC = _info.num_cores
_NS = _info.num_subcores
_NW = _NC * _NS
_BPW = BATCH // _NW
_NBUF = 4
_CH = 24
_CHUNKS = [24] * 21 + [8]
assert sum(_CHUNKS) == _BPW

_mesh = plsc.VectorSubcoreMesh(core_axis_name="c", subcore_axis_name="s")


@functools.partial(
    pl.kernel,
    mesh=_mesh,
    out_type=jax.ShapeDtypeStruct((BATCH, FEAT), jnp.float32),
    scratch_types=[
        pltpu.VMEM((_BPW,), jnp.int32),
        pltpu.VMEM((_NBUF, _CH, FEAT), jnp.float32),
        pltpu.SemaphoreType.DMA,
        pltpu.SemaphoreType.DMA,
    ],
)
def _gather(table_hbm, idx_hbm, out_hbm, idx_v, bufs, gsem, ssem):
    wid = lax.axis_index("s") * _NC + lax.axis_index("c")
    base = wid * _BPW
    pltpu.sync_copy(idx_hbm.at[pl.ds(base, _BPW)], idx_v)
    n = len(_CHUNKS)
    offs = [sum(_CHUNKS[:i]) for i in range(n)]
    gathers = [None] * n
    stores = [None] * n

    def start_gather(i):
        return pltpu.async_copy(
            table_hbm.at[idx_v.at[pl.ds(offs[i], _CHUNKS[i])]],
            bufs.at[i % _NBUF, pl.ds(0, _CHUNKS[i])],
            gsem,
        )

    for i in range(min(_NBUF - 1, n)):
        gathers[i] = start_gather(i)
    for i in range(n):
        gathers[i].wait()
        stores[i] = pltpu.async_copy(
            bufs.at[i % _NBUF, pl.ds(0, _CHUNKS[i])],
            out_hbm.at[pl.ds(base + offs[i], _CHUNKS[i])],
            ssem,
        )
        j = i + _NBUF - 1
        if j < n:
            if i >= 1:
                stores[i - 1].wait()
            gathers[j] = start_gather(j)
    for i in range(max(0, n - _NBUF), n):
        stores[i].wait()


def kernel(label, proto):
    table = _transpose(proto)
    return _gather(table, label)

# --- scband reference (transcript-rebuilt; emitter-appended) ---
"""Pipeline reference for scband-proto-classifier-52123723104923 (READ-ONLY COPY).

The authoritative reference and input builder live on the scoring server;
editing this copy changes nothing except your own understanding.
"""

import jax, jax.numpy as jnp
import numpy as np

FEAT_IN = 1024
NUM_CLASSES = 1000
BATCH = 16384


def _build_proto():
    # Faithful port of Proto_Classifier.__init__ (ETF simplex construction)
    np.random.seed(0)
    a = np.random.random(size=(FEAT_IN, NUM_CLASSES))
    P, _ = np.linalg.qr(a)  # [feat_in, num_classes], orthonormal columns
    P = jnp.asarray(P, dtype=jnp.float32)
    I = jnp.eye(NUM_CLASSES, dtype=jnp.float32)
    one = jnp.ones((NUM_CLASSES, NUM_CLASSES), dtype=jnp.float32)
    M = jnp.sqrt(NUM_CLASSES / (NUM_CLASSES - 1.0)) * (P @ (I - one / NUM_CLASSES))
    return M  # [feat_in, num_classes]


def setup_inputs(seed: int = 0) -> dict:
    key = jax.random.key(seed)
    label = jax.random.randint(key, (BATCH,), 0, NUM_CLASSES, dtype=jnp.int32)
    proto = _build_proto()
    return {"label": label, "proto": proto}


def reference(label, proto):
    # target = self.proto[:, label].T  -> gather columns by class id, transpose
    target = jnp.take(proto, label, axis=1).T  # [B, feat_in]
    return target

if __name__ == "__main__":
    import jax
    _d = setup_inputs()
    print(jax.jit(kernel)(*tuple(_d.values())))

</pallas_src>

<mosaic_0001>
#map = affine_map<(d0, d1) -> (0, 0)>
#map1 = affine_map<(d0, d1) -> (0)>
module attributes {stable_mosaic.version = 14 : i64} {
  func.func @_gather(%arg0: i32, %arg1: i32, %arg2: memref<1000x1024xf32, #tpu.memory_space<hbm>>, %arg3: memref<16384xi32, #tpu.memory_space<hbm>>, %arg4: memref<16384x1024xf32, #tpu.memory_space<hbm>>, %arg5: memref<512xi32, #tpu.memory_space<vmem>>, %arg6: memref<4x24x1024xf32, #tpu.memory_space<vmem>>, %arg7: memref<!tpu.dma_semaphore, #tpu.memory_space<semaphore_mem>>, %arg8: memref<!tpu.dma_semaphore, #tpu.memory_space<semaphore_mem>>) attributes {dimension_semantics = [#tpu.dimension_semantics<core_parallel>, #tpu.dimension_semantics<subcore_parallel>], iteration_bounds = array<i64: 2, 16>, scalar_prefetch = 0 : i64, scratch_operands = 4 : i64, tpu.core_type = #tpu.core_type<sc_vector_subcore>, window_params = [{transform_indices = #map}, {transform_indices = #map1}, {transform_indices = #map}]} {
    %mul3A = arith.constant 2 : i32
    %mul3A_0 = arith.muli %arg1, %mul3A : i32
    %add3A = arith.addi %mul3A_0, %arg0 : i32
    %mul3A_1 = arith.constant 512 : i32
    %mul3A_2 = arith.muli %add3A, %mul3A_1 : i32
    "tpu.region"() ({
      %run_scoped3A = tpu.sem_alloc : memref<!tpu.dma_semaphore, #tpu.memory_space<semaphore_mem>>
      %dma_start3A_1057 = tpu.memref_slice %arg3[%mul3A_2] : memref<16384xi32, #tpu.memory_space<hbm>> -> memref<512xi32, #tpu.memory_space<hbm>>
      %dma_start3A_1058 = tpu.memref_slice %arg3[%mul3A_2] : memref<16384xi32, #tpu.memory_space<hbm>> -> memref<512xi32, #tpu.memory_space<hbm>>
      tpu.enqueue_dma source(%dma_start3A_1058 : memref<512xi32, #tpu.memory_space<hbm>>) target(%arg5 : memref<512xi32, #tpu.memory_space<vmem>>) target_semaphore(%run_scoped3A : memref<!tpu.dma_semaphore, #tpu.memory_space<semaphore_mem>>)
      %dma_wait3A_1059 = tpu.memref_slice %arg3[%mul3A_2] : memref<16384xi32, #tpu.memory_space<hbm>> -> memref<512xi32, #tpu.memory_space<hbm>>
      %dma_wait3A_1060 = tpu.memref_slice %arg3[%mul3A_2] : memref<16384xi32, #tpu.memory_space<hbm>> -> memref<512xi32, #tpu.memory_space<hbm>>
      tpu.wait_dma2 semaphore(%run_scoped3A : memref<!tpu.dma_semaphore, #tpu.memory_space<semaphore_mem>>) src(%dma_wait3A_1060 : memref<512xi32, #tpu.memory_space<hbm>>) dst(%arg5 : memref<512xi32, #tpu.memory_space<vmem>>)
      tpu.yield
    }) : () -> ()
    %dma_start3A = arith.constant 0 : i32
    %dma_start3A_3 = arith.constant 0 : i32
    %dma_start3A_4 = arith.constant 0 : i32
    %dma_start3A_5 = tpu.memref_slice %arg6[%dma_start3A, %dma_start3A_3, %dma_start3A_4] : memref<4x24x1024xf32, #tpu.memory_space<vmem>> -> memref<1x24x1024xf32, #tpu.memory_space<vmem>>
    %dma_start3A_6 = tpu.memref_squeeze %dma_start3A_5 : memref<1x24x1024xf32, #tpu.memory_space<vmem>> -> memref<24x1024xf32, #tpu.memory_space<vmem>>
    %dma_start3A_7 = arith.constant 0 : i32
    %dma_start3A_8 = tpu.memref_slice %arg5[%dma_start3A_7] : memref<512xi32, #tpu.memory_space<vmem>> -> memref<24xi32, #tpu.memory_space<vmem>>
    %dma_start3A_9 = arith.constant 0 : i32
    %dma_start3A_10 = arith.constant 0 : i32
    %dma_start3A_11 = tpu.memref_slice %arg2[%dma_start3A_9, %dma_start3A_10] : memref<1000x1024xf32, #tpu.memory_space<hbm>> -> memref<1000x1024xf32, #tpu.memory_space<hbm>>
    tpu.enqueue_indirect_dma source(%dma_start3A_11 : memref<1000x1024xf32, #tpu.memory_space<hbm>>) target(%dma_start3A_6 : memref<24x1024xf32, #tpu.memory_space<vmem>>) offsets(%dma_start3A_8 : memref<24xi32, #tpu.memory_space<vmem>>) semaphore(%arg7 : memref<!tpu.dma_semaphore, #tpu.memory_space<semaphore_mem>>)
    %dma_start3A_12 = arith.constant 1 : i32
    %dma_start3A_13 = arith.constant 0 : i32
    %dma_start3A_14 = arith.constant 0 : i32
    %dma_start3A_15 = tpu.memref_slice %arg6[%dma_start3A_12, %dma_start3A_13, %dma_start3A_14] : memref<4x24x1024xf32, #tpu.memory_space<vmem>> -> memref<1x24x1024xf32, #tpu.memory_space<vmem>>
    %dma_start3A_16 = tpu.memref_squeeze %dma_start3A_15 : memref<1x24x1024xf32, #tpu.memory_space<vmem>> -> memref<24x1024xf32, #tpu.memory_space<vmem>>
    %dma_start3A_17 = arith.constant 24 : i32
    %dma_start3A_18 = tpu.memref_slice %arg5[%dma_start3A_17] : memref<512xi32, #tpu.memory_space<vmem>> -> memref<24xi32, #tpu.memory_space<vmem>>
    %dma_start3A_19 = arith.constant 0 : i32
    %dma_start3A_20 = arith.constant 0 : i32
    %dma_start3A_21 = tpu.memref_slice %arg2[%dma_start3A_19, %dma_start3A_20] : memref<1000x1024xf32, #tpu.memory_space<hbm>> -> memref<1000x1024xf32, #tpu.memory_space<hbm>>
    tpu.enqueue_indirect_dma source(%dma_start3A_21 : memref<1000x1024xf32, #tpu.memory_space<hbm>>) target(%dma_start3A_16 : memref<24x1024xf32, #tpu.memory_space<vmem>>) offsets(%dma_start3A_18 : memref<24xi32, #tpu.memory_space<vmem>>) semaphore(%arg7 : memref<!tpu.dma_semaphore, #tpu.memory_space<semaphore_mem>>)
    %dma_start3A_22 = arith.constant 2 : i32
    %dma_start3A_23 = arith.constant 0 : i32
    %dma_start3A_24 = arith.constant 0 : i32
    %dma_start3A_25 = tpu.memref_slice %arg6[%dma_start3A_22, %dma_start3A_23, %dma_start3A_24] : memref<4x24x1024xf32, #tpu.memory_space<vmem>> -> memref<1x24x1024xf32, #tpu.memory_space<vmem>>
    %dma_start3A_26 = tpu.memref_squeeze %dma_start3A_25 : memref<1x24x1024xf32, #tpu.memory_space<vmem>> -> memref<24x1024xf32, #tpu.memory_space<vmem>>
    %dma_start3A_27 = arith.constant 48 : i32
    %dma_start3A_28 = tpu.memref_slice %arg5[%dma_start3A_27] : memref<512xi32, #tpu.memory_space<vmem>> -> memref<24xi32, #tpu.memory_space<vmem>>
    %dma_start3A_29 = arith.constant 0 : i32
    %dma_start3A_30 = arith.constant 0 : i32
    %dma_start3A_31 = tpu.memref_slice %arg2[%dma_start3A_29, %dma_start3A_30] : memref<1000x1024xf32, #tpu.memory_space<hbm>> -> memref<1000x1024xf32, #tpu.memory_space<hbm>>
    tpu.enqueue_indirect_dma source(%dma_start3A_31 : memref<1000x1024xf32, #tpu.memory_space<hbm>>) target(%dma_start3A_26 : memref<24x1024xf32, #tpu.memory_space<vmem>>) offsets(%dma_start3A_28 : memref<24xi32, #tpu.memory_space<vmem>>) semaphore(%arg7 : memref<!tpu.dma_semaphore, #tpu.memory_space<semaphore_mem>>)
    %dma_wait3A = arith.constant 0 : i32
    %dma_wait3A_32 = arith.constant 0 : i32
    %dma_wait3A_33 = arith.constant 0 : i32
    %dma_wait3A_34 = tpu.memref_slice %arg6[%dma_wait3A, %dma_wait3A_32, %dma_wait3A_33] : memref<4x24x1024xf32, #tpu.memory_space<vmem>> -> memref<1x24x1024xf32, #tpu.memory_space<vmem>>
    %dma_wait3A_35 = tpu.memref_squeeze %dma_wait3A_34 : memref<1x24x1024xf32, #tpu.memory_space<vmem>> -> memref<24x1024xf32, #tpu.memory_space<vmem>>
    %dma_wait3A_36 = arith.constant 0 : i32
    %dma_wait3A_37 = tpu.memref_slice %arg5[%dma_wait3A_36] : memref<512xi32, #tpu.memory_space<vmem>> -> memref<24xi32, #tpu.memory_space<vmem>>
    %dma_wait3A_38 = arith.constant 0 : i32
    %dma_wait3A_39 = arith.constant 0 : i32
    %dma_wait3A_40 = tpu.memref_slice %arg2[%dma_wait3A_38, %dma_wait3A_39] : memref<1000x1024xf32, #tpu.memory_space<hbm>> -> memref<1000x1024xf32, #tpu.memory_space<hbm>>
    tpu.wait_indirect_dma semaphore(%arg7 : memref<!tpu.dma_semaphore, #tpu.memory_space<semaphore_mem>>) src(%dma_wait3A_40 : memref<1000x1024xf32, #tpu.memory_space<hbm>>) dst(%dma_wait3A_35 : memref<24x1024xf32, #tpu.memory_space<vmem>>)
    %add3A_41 = arith.constant 0 : i32
    %add3A_42 = arith.addi %mul3A_2, %add3A_41 : i32
    %dma_start3A_43 = arith.constant 0 : i32
    %dma_start3A_44 = arith.constant 0 : i32
    %dma_start3A_45 = arith.constant 0 : i32
    %dma_start3A_46 = tpu.memref_slice %arg6[%dma_start3A_43, %dma_start3A_44, %dma_start3A_45] : memref<4x24x1024xf32, #tpu.memory_space<vmem>> -> memref<1x24x1024xf32, #tpu.memory_space<vmem>>
    %dma_start3A_47 = tpu.memref_squeeze %dma_start3A_46 : memref<1x24x1024xf32, #tpu.memory_space<vmem>> -> memref<24x1024xf32, #tpu.memory_space<vmem>>
    %dma_start3A_48 = arith.constant 0 : i32
    %dma_start3A_49 = tpu.memref_slice %arg4[%add3A_42, %dma_start3A_48] : memref<16384x1024xf32, #tpu.memory_space<hbm>> -> memref<24x1024xf32, #tpu.memory_space<hbm>>
    %dma_start3A_50 = arith.constant 0 : i32
    %dma_start3A_51 = tpu.memref_slice %arg4[%add3A_42, %dma_start3A_50] : memref<16384x1024xf32, #tpu.memory_space<hbm>> -> memref<24x1024xf32, #tpu.memory_space<hbm>>
    %dma_start3A_52 = arith.constant 0 : i32
    %dma_start3A_53 = arith.constant 0 : i32
    %dma_start3A_54 = tpu.memref_slice %arg6[%dma_start3A_43, %dma_start3A_52, %dma_start3A_53] : memref<4x24x1024xf32, #tpu.memory_space<vmem>> -> memref<1x24x1024xf32, #tpu.memory_space<vmem>>
    %dma_start3A_55 = tpu.memref_squeeze %dma_start3A_54 : memref<1x24x1024xf32, #tpu.memory_space<vmem>> -> memref<24x1024xf32, #tpu.memory_space<vmem>>
    tpu.enqueue_dma source(%dma_start3A_55 : memref<24x1024xf32, #tpu.memory_space<vmem>>) target(%dma_start3A_51 : memref<24x1024xf32, #tpu.memory_space<hbm>>) target_semaphore(%arg8 : memref<!tpu.dma_semaphore, #tpu.memory_space<semaphore_mem>>)
    %dma_start3A_56 = arith.constant 3 : i32
    %dma_start3A_57 = arith.constant 0 : i32
    %dma_start3A_58 = arith.constant 0 : i32
    %dma_start3A_59 = tpu.memref_slice %arg6[%dma_start3A_56, %dma_start3A_57, %dma_start3A_58] : memref<4x24x1024xf32, #tpu.memory_space<vmem>> -> memref<1x24x1024xf32, #tpu.memory_space<vmem>>
    %dma_start3A_60 = tpu.memref_squeeze %dma_start3A_59 : memref<1x24x1024xf32, #tpu.memory_space<vmem>> -> memref<24x1024xf32, #tpu.memory_space<vmem>>
    %dma_start3A_61 = arith.constant 72 : i32
    %dma_start3A_62 = tpu.memref_slice %arg5[%dma_start3A_61] : memref<512xi32, #tpu.memory_space<vmem>> -> memref<24xi32, #tpu.memory_space<vmem>>
    %dma_start3A_63 = arith.constant 0 : i32
    %dma_start3A_64 = arith.constant 0 : i32
    %dma_start3A_65 = tpu.memref_slice %arg2[%dma_start3A_63, %dma_start3A_64] : memref<1000x1024xf32, #tpu.memory_space<hbm>> -> memref<1000x1024xf32, #tpu.memory_space<hbm>>
    tpu.enqueue_indirect_dma source(%dma_start3A_65 : memref<1000x1024xf32, #tpu.memory_space<hbm>>) target(%dma_start3A_60 : memref<24x1024xf32, #tpu.memory_space<vmem>>) offsets(%dma_start3A_62 : memref<24xi32, #tpu.memory_space<vmem>>) semaphore(%arg7 : memref<!tpu.dma_semaphore, #tpu.memory_space<semaphore_mem>>)
    %dma_wait3A_66 = arith.constant 1 : i32
    %dma_wait3A_67 = arith.constant 0 : i32
    %dma_wait3A_68 = arith.constant 0 : i32
    %dma_wait3A_69 = tpu.memref_slice %arg6[%dma_wait3A_66, %dma_wait3A_67, %dma_wait3A_68] : memref<4x24x1024xf32, #tpu.memory_space<vmem>> -> memref<1x24x1024xf32, #tpu.memory_space<vmem>>
    %dma_wait3A_70 = tpu.memref_squeeze %dma_wait3A_69 : memref<1x24x1024xf32, #tpu.memory_space<vmem>> -> memref<24x1024xf32, #tpu.memory_space<vmem>>
    %dma_wait3A_71 = arith.constant 24 : i32
    %dma_wait3A_72 = tpu.memref_slice %arg5[%dma_wait3A_71] : memref<512xi32, #tpu.memory_space<vmem>> -> memref<24xi32, #tpu.memory_space<vmem>>
    %dma_wait3A_73 = arith.constant 0 : i32
    %dma_wait3A_74 = arith.constant 0 : i32
    %dma_wait3A_75 = tpu.memref_slice %arg2[%dma_wait3A_73, %dma_wait3A_74] : memref<1000x1024xf32, #tpu.memory_space<hbm>> -> memref<1000x1024xf32, #tpu.memory_space<hbm>>
    tpu.wait_indirect_dma semaphore(%arg7 : memref<!tpu.dma_semaphore, #tpu.memory_space<semaphore_mem>>) src(%dma_wait3A_75 : memref<1000x1024xf32, #tpu.memory_space<hbm>>) dst(%dma_wait3A_70 : memref<24x1024xf32, #tpu.memory_space<vmem>>)
    %add3A_76 = arith.constant 24 : i32
    %add3A_77 = arith.addi %mul3A_2, %add3A_76 : i32
    %dma_start3A_78 = arith.constant 1 : i32
    %dma_start3A_79 = arith.constant 0 : i32
    %dma_start3A_80 = arith.constant 0 : i32
    %dma_start3A_81 = tpu.memref_slice %arg6[%dma_start3A_78, %dma_start3A_79, %dma_start3A_80] : memref<4x24x1024xf32, #tpu.memory_space<vmem>> -> memref<1x24x1024xf32, #tpu.memory_space<vmem>>
    %dma_start3A_82 = tpu.memref_squeeze %dma_start3A_81 : memref<1x24x1024xf32, #tpu.memory_space<vmem>> -> memref<24x1024xf32, #tpu.memory_space<vmem>>
    %dma_start3A_83 = arith.constant 0 : i32
    %dma_start3A_84 = tpu.memref_slice %arg4[%add3A_77, %dma_start3A_83] : memref<16384x1024xf32, #tpu.memory_space<hbm>> -> memref<24x1024xf32, #tpu.memory_space<hbm>>
    %dma_start3A_85 = arith.constant 0 : i32
    %dma_start3A_86 = tpu.memref_slice %arg4[%add3A_77, %dma_start3A_85] : memref<16384x1024xf32, #tpu.memory_space<hbm>> -> memref<24x1024xf32, #tpu.memory_space<hbm>>
    %dma_start3A_87 = arith.constant 0 : i32
    %dma_start3A_88 = arith.constant 0 : i32
    %dma_start3A_89 = tpu.memref_slice %arg6[%dma_start3A_78, %dma_start3A_87, %dma_start3A_88] : memref<4x24x1024xf32, #tpu.memory_space<vmem>> -> memref<1x24x1024xf32, #tpu.memory_space<vmem>>
    %dma_start3A_90 = tpu.memref_squeeze %dma_start3A_89 : memref<1x24x1024xf32, #tpu.memory_space<vmem>> -> memref<24x1024xf32, #tpu.memory_space<vmem>>
    tpu.enqueue_dma source(%dma_start3A_90 : memref<24x1024xf32, #tpu.memory_space<vmem>>) target(%dma_start3A_86 : memref<24x1024xf32, #tpu.memory_space<hbm>>) target_semaphore(%arg8 : memref<!tpu.dma_semaphore, #tpu.memory_space<semaphore_mem>>)
    %dma_wait3A_91 = arith.constant 0 : i32
    %dma_wait3A_92 = arith.constant 0 : i32
    %dma_wait3A_93 = arith.constant 0 : i32
    %dma_wait3A_94 = tpu.memref_slice %arg6[%dma_wait3A_91, %dma_wait3A_92, %dma_wait3A_93] : memref<4x24x1024xf32, #tpu.memory_space<vmem>> -> memref<1x24x1024xf32, #tpu.memory_space<vmem>>
    %dma_wait3A_95 = tpu.memref_squeeze %dma_wait3A_94 : memref<1x24x1024xf32, #tpu.memory_space<vmem>> -> memref<24x1024xf32, #tpu.memory_space<vmem>>
    %dma_wait3A_96 = arith.constant 0 : i32
    %dma_wait3A_97 = tpu.memref_slice %arg4[%add3A_42, %dma_wait3A_96] : memref<16384x1024xf32, #tpu.memory_space<hbm>> -> memref<24x1024xf32, #tpu.memory_space<hbm>>
    %dma_wait3A_98 = arith.constant 0 : i32
    %dma_wait3A_99 = tpu.memref_slice %arg4[%add3A_42, %dma_wait3A_98] : memref<16384x1024xf32, #tpu.memory_space<hbm>> -> memref<24x1024xf32, #tpu.memory_space<hbm>>
    %dma_wait3A_100 = arith.constant 0 : i32
    %dma_wait3A_101 = arith.constant 0 : i32
    %dma_wait3A_102 = tpu.memref_slice %arg6[%dma_wait3A_91, %dma_wait3A_100, %dma_wait3A_101] : memref<4x24x1024xf32, #tpu.memory_space<vmem>> -> memref<1x24x1024xf32, #tpu.memory_space<vmem>>
    %dma_wait3A_103 = tpu.memref_squeeze %dma_wait3A_102 : memref<1x24x1024xf32, #tpu.memory_space<vmem>> -> memref<24x1024xf32, #tpu.memory_space<vmem>>
    tpu.wait_dma2 semaphore(%arg8 : memref<!tpu.dma_semaphore, #tpu.memory_space<semaphore_mem>>) src(%dma_wait3A_103 : memref<24x1024xf32, #tpu.memory_space<vmem>>) dst(%dma_wait3A_99 : memref<24x1024xf32, #tpu.memory_space<hbm>>)
    %dma_start3A_104 = arith.constant 0 : i32
    %dma_start3A_105 = arith.constant 0 : i32
    %dma_start3A_106 = arith.constant 0 : i32
    %dma_start3A_107 = tpu.memref_slice %arg6[%dma_start3A_104, %dma_start3A_105, %dma_start3A_106] : memref<4x24x1024xf32, #tpu.memory_space<vmem>> -> memref<1x24x1024xf32, #tpu.memory_space<vmem>>
    %dma_start3A_108 = tpu.memref_squeeze %dma_start3A_107 : memref<1x24x1024xf32, #tpu.memory_space<vmem>> -> memref<24x1024xf32, #tpu.memory_space<vmem>>
    %dma_start3A_109 = arith.constant 96 : i32
    %dma_start3A_110 = tpu.memref_slice %arg5[%dma_start3A_109] : memref<512xi32, #tpu.memory_space<vmem>> -> memref<24xi32, #tpu.memory_space<vmem>>
    %dma_start3A_111 = arith.constant 0 : i32
    %dma_start3A_112 = arith.constant 0 : i32
    %dma_start3A_113 = tpu.memref_slice %arg2[%dma_start3A_111, %dma_start3A_112] : memref<1000x1024xf32, #tpu.memory_space<hbm>> -> memref<1000x1024xf32, #tpu.memory_space<hbm>>
    tpu.enqueue_indirect_dma source(%dma_start3A_113 : memref<1000x1024xf32, #tpu.memory_space<hbm>>) target(%dma_start3A_108 : memref<24x1024xf32, #tpu.memory_space<vmem>>) offsets(%dma_start3A_110 : memref<24xi32, #tpu.memory_space<vmem>>) semaphore(%arg7 : memref<!tpu.dma_semaphore, #tpu.memory_space<semaphore_mem>>)
    %dma_wait3A_114 = arith.constant 2 : i32
    %dma_wait3A_115 = arith.constant 0 : i32
    %dma_wait3A_116 = arith.constant 0 : i32
    %dma_wait3A_117 = tpu.memref_slice %arg6[%dma_wait3A_114, %dma_wait3A_115, %dma_wait3A_116] : memref<4x24x1024xf32, #tpu.memory_space<vmem>> -> memref<1x24x1024xf32, #tpu.memory_space<vmem>>
    %dma_wait3A_118 = tpu.memref_squeeze %dma_wait3A_117 : memref<1x24x1024xf32, #tpu.memory_space<vmem>> -> memref<24x1024xf32, #tpu.memory_space<vmem>>
    %dma_wait3A_119 = arith.constant 48 : i32
    %dma_wait3A_120 = tpu.memref_slice %arg5[%dma_wait3A_119] : memref<512xi32, #tpu.memory_space<vmem>> -> memref<24xi32, #tpu.memory_space<vmem>>
    %dma_wait3A_121 = arith.constant 0 : i32
    %dma_wait3A_122 = arith.constant 0 : i32
    %dma_wait3A_123 = tpu.memref_slice %arg2[%dma_wait3A_121, %dma_wait3A_122] : memref<1000x1024xf32, #tpu.memory_space<hbm>> -> memref<1000x1024xf32, #tpu.memory_space<hbm>>
    tpu.wait_indirect_dma semaphore(%arg7 : memref<!tpu.dma_semaphore, #tpu.memory_space<semaphore_mem>>) src(%dma_wait3A_123 : memref<1000x1024xf32, #tpu.memory_space<hbm>>) dst(%dma_wait3A_118 : memref<24x1024xf32, #tpu.memory_space<vmem>>)
    %add3A_124 = arith.constant 48 : i32
    %add3A_125 = arith.addi %mul3A_2, %add3A_124 : i32
    %dma_start3A_126 = arith.constant 2 : i32
    %dma_start3A_127 = arith.constant 0 : i32
    %dma_start3A_128 = arith.constant 0 : i32
    %dma_start3A_129 = tpu.memref_slice %arg6[%dma_start3A_126, %dma_start3A_127, %dma_start3A_128] : memref<4x24x1024xf32, #tpu.memory_space<vmem>> -> memref<1x24x1024xf32, #tpu.memory_space<vmem>>
    %dma_start3A_130 = tpu.memref_squeeze %dma_start3A_129 : memref<1x24x1024xf32, #tpu.memory_space<vmem>> -> memref<24x1024xf32, #tpu.memory_space<vmem>>
    %dma_start3A_131 = arith.constant 0 : i32
    %dma_start3A_132 = tpu.memref_slice %arg4[%add3A_125, %dma_start3A_131] : memref<16384x1024xf32, #tpu.memory_space<hbm>> -> memref<24x1024xf32, #tpu.memory_space<hbm>>
    %dma_start3A_133 = arith.constant 0 : i32
    %dma_start3A_134 = tpu.memref_slice %arg4[%add3A_125, %dma_start3A_133] : memref<16384x1024xf32, #tpu.memory_space<hbm>> -> memref<24x1024xf32, #tpu.memory_space<hbm>>
    %dma_start3A_135 = arith.constant 0 : i32
    %dma_start3A_136 = arith.constant 0 : i32
    %dma_start3A_137 = tpu.memref_slice %arg6[%dma_start3A_126, %dma_start3A_135, %dma_start3A_136] : memref<4x24x1024xf32, #tpu.memory_space<vmem>> -> memref<1x24x1024xf32, #tpu.memory_space<vmem>>
    %dma_start3A_138 = tpu.memref_squeeze %dma_start3A_137 : memref<1x24x1024xf32, #tpu.memory_space<vmem>> -> memref<24x1024xf32, #tpu.memory_space<vmem>>
    tpu.enqueue_dma source(%dma_start3A_138 : memref<24x1024xf32, #tpu.memory_space<vmem>>) target(%dma_start3A_134 : memref<24x1024xf32, #tpu.memory_space<hbm>>) target_semaphore(%arg8 : memref<!tpu.dma_semaphore, #tpu.memory_space<semaphore_mem>>)
    %dma_wait3A_139 = arith.constant 1 : i32
    %dma_wait3A_140 = arith.constant 0 : i32
    %dma_wait3A_141 = arith.constant 0 : i32
    %dma_wait3A_142 = tpu.memref_slice %arg6[%dma_wait3A_139, %dma_wait3A_140, %dma_wait3A_141] : memref<4x24x1024xf32, #tpu.memory_space<vmem>> -> memref<1x24x1024xf32, #tpu.memory_space<vmem>>
    %dma_wait3A_143 = tpu.memref_squeeze %dma_wait3A_142 : memref<1x24x1024xf32, #tpu.memory_space<vmem>> -> memref<24x1024xf32, #tpu.memory_space<vmem>>
    %dma_wait3A_144 = arith.constant 0 : i32
    %dma_wait3A_145 = tpu.memref_slice %arg4[%add3A_77, %dma_wait3A_144] : memref<16384x1024xf32, #tpu.memory_space<hbm>> -> memref<24x1024xf32, #tpu.memory_space<hbm>>
    %dma_wait3A_146 = arith.constant 0 : i32
    %dma_wait3A_147 = tpu.memref_slice %arg4[%add3A_77, %dma_wait3A_146] : memref<16384x1024xf32, #tpu.memory_space<hbm>> -> memref<24x1024xf32, #tpu.memory_space<hbm>>
    %dma_wait3A_148 = arith.constant 0 : i32
    %dma_wait3A_149 = arith.constant 0 : i32
    %dma_wait3A_150 = tpu.memref_slice %arg6[%dma_wait3A_139, %dma_wait3A_148, %dma_wait3A_149] : memref<4x24x1024xf32, #tpu.memory_space<vmem>> -> memref<1x24x1024xf32, #tpu.memory_space<vmem>>
    %dma_wait3A_151 = tpu.memref_squeeze %dma_wait3A_150 : memref<1x24x1024xf32, #tpu.memory_space<vmem>> -> memref<24x1024xf32, #tpu.memory_space<vmem>>
    tpu.wait_dma2 semaphore(%arg8 : memref<!tpu.dma_semaphore, #tpu.memory_space<semaphore_mem>>) src(%dma_wait3A_151 : memref<24x1024xf32, #tpu.memory_space<vmem>>) dst(%dma_wait3A_147 : memref<24x1024xf32, #tpu.memory_space<hbm>>)
    %dma_start3A_152 = arith.constant 1 : i32
    %dma_start3A_153 = arith.constant 0 : i32
    %dma_start3A_154 = arith.constant 0 : i32
    %dma_start3A_155 = tpu.memref_slice %arg6[%dma_start3A_152, %dma_start3A_153, %dma_start3A_154] : memref<4x24x1024xf32, #tpu.memory_space<vmem>> -> memref<1x24x1024xf32, #tpu.memory_space<vmem>>
    %dma_start3A_156 = tpu.memref_squeeze %dma_start3A_155 : memref<1x24x1024xf32, #tpu.memory_space<vmem>> -> memref<24x1024xf32, #tpu.memory_space<vmem>>
    %dma_start3A_157 = arith.constant 120 : i32
    %dma_start3A_158 = tpu.memref_slice %arg5[%dma_start3A_157] : memref<512xi32, #tpu.memory_space<vmem>> -> memref<24xi32, #tpu.memory_space<vmem>>
    %dma_start3A_159 = arith.constant 0 : i32
    %dma_start3A_160 = arith.constant 0 : i32
    %dma_start3A_161 = tpu.memref_slice %arg2[%dma_start3A_159, %dma_start3A_160] : memref<1000x1024xf32, #tpu.memory_space<hbm>> -> memref<1000x1024xf32, #tpu.memory_space<hbm>>
    tpu.enqueue_indirect_dma source(%dma_start3A_161 : memref<1000x1024xf32, #tpu.memory_space<hbm>>) target(%dma_start3A_156 : memref<24x1024xf32, #tpu.memory_space<vmem>>) offsets(%dma_start3A_158 : memref<24xi32, #tpu.memory_space<vmem>>) semaphore(%arg7 : memref<!tpu.dma_semaphore, #tpu.memory_space<semaphore_mem>>)
    %dma_wait3A_162 = arith.constant 3 : i32
    %dma_wait3A_163 = arith.constant 0 : i32
    %dma_wait3A_164 = arith.constant 0 : i32
    %dma_wait3A_165 = tpu.memref_slice %arg6[%dma_wait3A_162, %dma_wait3A_163, %dma_wait3A_164] : memref<4x24x1024xf32, #tpu.memory_space<vmem>> -> memref<1x24x1024xf32, #tpu.memory_space<vmem>>
    %dma_wait3A_166 = tpu.memref_squeeze %dma_wait3A_165 : memref<1x24x1024xf32, #tpu.memory_space<vmem>> -> memref<24x1024xf32, #tpu.memory_space<vmem>>
    %dma_wait3A_167 = arith.constant 72 : i32
    %dma_wait3A_168 = tpu.memref_slice %arg5[%dma_wait3A_167] : memref<512xi32, #tpu.memory_space<vmem>> -> memref<24xi32, #tpu.memory_space<vmem>>
    %dma_wait3A_169 = arith.constant 0 : i32
    %dma_wait3A_170 = arith.constant 0 : i32
    %dma_wait3A_171 = tpu.memref_slice %arg2[%dma_wait3A_169, %dma_wait3A_170] : memref<1000x1024xf32, #tpu.memory_space<hbm>> -> memref<1000x1024xf32, #tpu.memory_space<hbm>>
    tpu.wait_indirect_dma semaphore(%arg7 : memref<!tpu.dma_semaphore, #tpu.memory_space<semaphore_mem>>) src(%dma_wait3A_171 : memref<1000x1024xf32, #tpu.memory_space<hbm>>) dst(%dma_wait3A_166 : memref<24x1024xf32, #tpu.memory_space<vmem>>)
    %add3A_172 = arith.constant 72 : i32
    %add3A_173 = arith.addi %mul3A_2, %add3A_172 : i32
    %dma_start3A_174 = arith.constant 3 : i32
    %dma_start3A_175 = arith.constant 0 : i32
    %dma_start3A_176 = arith.constant 0 : i32
    %dma_start3A_177 = tpu.memref_slice %arg6[%dma_start3A_174, %dma_start3A_175, %dma_start3A_176] : memref<4x24x1024xf32, #tpu.memory_space<vmem>> -> memref<1x24x1024xf32, #tpu.memory_space<vmem>>
    %dma_start3A_178 = tpu.memref_squeeze %dma_start3A_177 : memref<1x24x1024xf32, #tpu.memory_space<vmem>> -> memref<24x1024xf32, #tpu.memory_space<vmem>>
    %dma_start3A_179 = arith.constant 0 : i32
    %dma_start3A_180 = tpu.memref_slice %arg4[%add3A_173, %dma_start3A_179] : memref<16384x1024xf32, #tpu.memory_space<hbm>> -> memref<24x1024xf32, #tpu.memory_space<hbm>>
    %dma_start3A_181 = arith.constant 0 : i32
    %dma_start3A_182 = tpu.memref_slice %arg4[%add3A_173, %dma_start3A_181] : memref<16384x1024xf32, #tpu.memory_space<hbm>> -> memref<24x1024xf32, #tpu.memory_space<hbm>>
    %dma_start3A_183 = arith.constant 0 : i32
    %dma_start3A_184 = arith.constant 0 : i32
    %dma_start3A_185 = tpu.memref_slice %arg6[%dma_start3A_174, %dma_start3A_183, %dma_start3A_184] : memref<4x24x1024xf32, #tpu.memory_space<vmem>> -> memref<1x24x1024xf32, #tpu.memory_space<vmem>>
    %dma_start3A_186 = tpu.memref_squeeze %dma_start3A_185 : memref<1x24x1024xf32, #tpu.memory_space<vmem>> -> memref<24x1024xf32, #tpu.memory_space<vmem>>
    tpu.enqueue_dma source(%dma_start3A_186 : memref<24x1024xf32, #tpu.memory_space<vmem>>) target(%dma_start3A_182 : memref<24x1024xf32, #tpu.memory_space<hbm>>) target_semaphore(%arg8 : memref<!tpu.dma_semaphore, #tpu.memory_space<semaphore_mem>>)
    %dma_wait3A_187 = arith.constant 2 : i32
    %dma_wait3A_188 = arith.constant 0 : i32
    %dma_wait3A_189 = arith.constant 0 : i32
    %dma_wait3A_190 = tpu.memref_slice %arg6[%dma_wait3A_187, %dma_wait3A_188, %dma_wait3A_189] : memref<4x24x1024xf32, #tpu.memory_space<vmem>> -> memref<1x24x1024xf32, #tpu.memory_space<vmem>>
    %dma_wait3A_191 = tpu.memref_squeeze %dma_wait3A_190 : memref<1x24x1024xf32, #tpu.memory_space<vmem>> -> memref<24x1024xf32, #tpu.memory_space<vmem>>
    %dma_wait3A_192 = arith.constant 0 : i32
    %dma_wait3A_193 = tpu.memref_slice %arg4[%add3A_125, %dma_wait3A_192] : memref<16384x1024xf32, #tpu.memory_space<hbm>> -> memref<24x1024xf32, #tpu.memory_space<hbm>>
    %dma_wait3A_194 = arith.constant 0 : i32
    %dma_wait3A_195 = tpu.memref_slice %arg4[%add3A_125, %dma_wait3A_194] : memref<16384x1024xf32, #tpu.memory_space<hbm>> -> memref<24x1024xf32, #tpu.memory_space<hbm>>
    %dma_wait3A_196 = arith.constant 0 : i32
    %dma_wait3A_197 = arith.constant 0 : i32
    %dma_wait3A_198 = tpu.memref_slice %arg6[%dma_wait3A_187, %dma_wait3A_196, %dma_wait3A_197] : memref<4x24x1024xf32, #tpu.memory_space<vmem>> -> memref<1x24x1024xf32, #tpu.memory_space<vmem>>
    %dma_wait3A_199 = tpu.memref_squeeze %dma_wait3A_198 : memref<1x24x1024xf32, #tpu.memory_space<vmem>> -> memref<24x1024xf32, #tpu.memory_space<vmem>>
    tpu.wait_dma2 semaphore(%arg8 : memref<!tpu.dma_semaphore, #tpu.memory_space<semaphore_mem>>) src(%dma_wait3A_199 : memref<24x1024xf32, #tpu.memory_space<vmem>>) dst(%dma_wait3A_195 : memref<24x1024xf32, #tpu.memory_space<hbm>>)
    %dma_start3A_200 = arith.constant 2 : i32
    %dma_start3A_201 = arith.constant 0 : i32
    %dma_start3A_202 = arith.constant 0 : i32
    %dma_start3A_203 = tpu.memref_slice %arg6[%dma_start3A_200, %dma_start3A_201, %dma_start3A_202] : memref<4x24x1024xf32, #tpu.memory_space<vmem>> -> memref<1x24x1024xf32, #tpu.memory_space<vmem>>
    %dma_start3A_204 = tpu.memref_squeeze %dma_start3A_203 : memref<1x24x1024xf32, #tpu.memory_space<vmem>> -> memref<24x1024xf32, #tpu.memory_space<vmem>>
    %dma_start3A_205 = arith.constant 144 : i32
    %dma_start3A_206 = tpu.memref_slice %arg5[%dma_start3A_205] : memref<512xi32, #tpu.memory_space<vmem>> -> memref<24xi32, #tpu.memory_space<vmem>>
    %dma_start3A_207 = arith.constant 0 : i32
    %dma_start3A_208 = arith.constant 0 : i32
    %dma_start3A_209 = tpu.memref_slice %arg2[%dma_start3A_207, %dma_start3A_208] : memref<1000x1024xf32, #tpu.memory_space<hbm>> -> memref<1000x1024xf32, #tpu.memory_space<hbm>>
    tpu.enqueue_indirect_dma source(%dma_start3A_209 : memref<1000x1024xf32, #tpu.memory_space<hbm>>) target(%dma_start3A_204 : memref<24x1024xf32, #tpu.memory_space<vmem>>) offsets(%dma_start3A_206 : memref<24xi32, #tpu.memory_space<vmem>>) semaphore(%arg7 : memref<!tpu.dma_semaphore, #tpu.memory_space<semaphore_mem>>)
    %dma_wait3A_210 = arith.constant 0 : i32
    %dma_wait3A_211 = arith.constant 0 : i32
    %dma_wait3A_212 = arith.constant 0 : i32
    %dma_wait3A_213 = tpu.memref_slice %arg6[%dma_wait3A_210, %dma_wait3A_211, %dma_wait3A_212] : memref<4x24x1024xf32, #tpu.memory_space<vmem>> -> memref<1x24x1024xf32, #tpu.memory_space<vmem>>
    %dma_wait3A_214 = tpu.memref_squeeze %dma_wait3A_213 : memref<1x24x1024xf32, #tpu.memory_space<vmem>> -> memref<24x1024xf32, #tpu.memory_space<vmem>>
    %dma_wait3A_215 = arith.constant 96 : i32
    %dma_wait3A_216 = tpu.memref_slice %arg5[%dma_wait3A_215] : memref<512xi32, #tpu.memory_space<vmem>> -> memref<24xi32, #tpu.memory_space<vmem>>
    %dma_wait3A_217 = arith.constant 0 : i32
    %dma_wait3A_218 = arith.constant 0 : i32
    %dma_wait3A_219 = tpu.memref_slice %arg2[%dma_wait3A_217, %dma_wait3A_218] : memref<1000x1024xf32, #tpu.memory_space<hbm>> -> memref<1000x1024xf32, #tpu.memory_space<hbm>>
    tpu.wait_indirect_dma semaphore(%arg7 : memref<!tpu.dma_semaphore, #tpu.memory_space<semaphore_mem>>) src(%dma_wait3A_219 : memref<1000x1024xf32, #tpu.memory_space<hbm>>) dst(%dma_wait3A_214 : memref<24x1024xf32, #tpu.memory_space<vmem>>)
    %add3A_220 = arith.constant 96 : i32
    %add3A_221 = arith.addi %mul3A_2, %add3A_220 : i32
    %dma_start3A_222 = arith.constant 0 : i32
    %dma_start3A_223 = arith.constant 0 : i32
    %dma_start3A_224 = arith.constant 0 : i32
    %dma_start3A_225 = tpu.memref_slice %arg6[%dma_start3A_222, %dma_start3A_223, %dma_start3A_224] : memref<4x24x1024xf32, #tpu.memory_space<vmem>> -> memref<1x24x1024xf32, #tpu.memory_space<vmem>>
    %dma_start3A_226 = tpu.memref_squeeze %dma_start3A_225 : memref<1x24x1024xf32, #tpu.memory_space<vmem>> -> memref<24x1024xf32, #tpu.memory_space<vmem>>
    %dma_start3A_227 = arith.constant 0 : i32
    %dma_start3A_228 = tpu.memref_slice %arg4[%add3A_221, %dma_start3A_227] : memref<16384x1024xf32, #tpu.memory_space<hbm>> -> memref<24x1024xf32, #tpu.memory_space<hbm>>
    %dma_start3A_229 = arith.constant 0 : i32
    %dma_start3A_230 = tpu.memref_slice %arg4[%add3A_221, %dma_start3A_229] : memref<16384x1024xf32, #tpu.memory_space<hbm>> -> memref<24x1024xf32, #tpu.memory_space<hbm>>
    %dma_start3A_231 = arith.constant 0 : i32
    %dma_start3A_232 = arith.constant 0 : i32
    %dma_start3A_233 = tpu.memref_slice %arg6[%dma_start3A_222, %dma_start3A_231, %dma_start3A_232] : memref<4x24x1024xf32, #tpu.memory_space<vmem>> -> memref<1x24x1024xf32, #tpu.memory_space<vmem>>
    %dma_start3A_234 = tpu.memref_squeeze %dma_start3A_233 : memref<1x24x1024xf32, #tpu.memory_space<vmem>> -> memref<24x1024xf32, #tpu.memory_space<vmem>>
    tpu.enqueue_dma source(%dma_start3A_234 : memref<24x1024xf32, #tpu.memory_space<vmem>>) target(%dma_start3A_230 : memref<24x1024xf32, #tpu.memory_space<hbm>>) target_semaphore(%arg8 : memref<!tpu.dma_semaphore, #tpu.memory_space<semaphore_mem>>)
    %dma_wait3A_235 = arith.constant 3 : i32
    %dma_wait3A_236 = arith.constant 0 : i32
    %dma_wait3A_237 = arith.constant 0 : i32
    %dma_wait3A_238 = tpu.memref_slice %arg6[%dma_wait3A_235, %dma_wait3A_236, %dma_wait3A_237] : memref<4x24x1024xf32, #tpu.memory_space<vmem>> -> memref<1x24x1024xf32, #tpu.memory_space<vmem>>
    %dma_wait3A_239 = tpu.memref_squeeze %dma_wait3A_238 : memref<1x24x1024xf32, #tpu.memory_space<vmem>> -> memref<24x1024xf32, #tpu.memory_space<vmem>>
    %dma_wait3A_240 = arith.constant 0 : i32
    %dma_wait3A_241 = tpu.memref_slice %arg4[%add3A_173, %dma_wait3A_240] : memref<16384x1024xf32, #tpu.memory_space<hbm>> -> memref<24x1024xf32, #tpu.memory_space<hbm>>
    %dma_wait3A_242 = arith.constant 0 : i32
    %dma_wait3A_243 = tpu.memref_slice %arg4[%add3A_173, %dma_wait3A_242] : memref<16384x1024xf32, #tpu.memory_space<hbm>> -> memref<24x1024xf32, #tpu.memory_space<hbm>>
    %dma_wait3A_244 = arith.constant 0 : i32
    %dma_wait3A_245 = arith.constant 0 : i32
    %dma_wait3A_246 = tpu.memref_slice %arg6[%dma_wait3A_235, %dma_wait3A_244, %dma_wait3A_245] : memref<4x24x1024xf32, #tpu.memory_space<vmem>> -> memref<1x24x1024xf32, #tpu.memory_space<vmem>>
    %dma_wait3A_247 = tpu.memref_squeeze %dma_wait3A_246 : memref<1x24x1024xf32, #tpu.memory_space<vmem>> -> memref<24x1024xf32, #tpu.memory_space<vmem>>
    tpu.wait_dma2 semaphore(%arg8 : memref<!tpu.dma_semaphore, #tpu.memory_space<semaphore_mem>>) src(%dma_wait3A_247 : memref<24x1024xf32, #tpu.memory_space<vmem>>) dst(%dma_wait3A_243 : memref<24x1024xf32, #tpu.memory_space<hbm>>)
    %dma_start3A_248 = arith.constant 3 : i32
    %dma_start3A_249 = arith.constant 0 : i32
    %dma_start3A_250 = arith.constant 0 : i32
    %dma_start3A_251 = tpu.memref_slice %arg6[%dma_start3A_248, %dma_start3A_249, %dma_start3A_250] : memref<4x24x1024xf32, #tpu.memory_space<vmem>> -> memref<1x24x1024xf32, #tpu.memory_space<vmem>>
    %dma_start3A_252 = tpu.memref_squeeze %dma_start3A_251 : memref<1x24x1024xf32, #tpu.memory_space<vmem>> -> memref<24x1024xf32, #tpu.memory_space<vmem>>
    %dma_start3A_253 = arith.constant 168 : i32
    %dma_start3A_254 = tpu.memref_slice %arg5[%dma_start3A_253] : memref<512xi32, #tpu.memory_space<vmem>> -> memref<24xi32, #tpu.memory_space<vmem>>
    %dma_start3A_255 = arith.constant 0 : i32
    %dma_start3A_256 = arith.constant 0 : i32
    %dma_start3A_257 = tpu.memref_slice %arg2[%dma_start3A_255, %dma_start3A_256] : memref<1000x1024xf32, #tpu.memory_space<hbm>> -> memref<1000x1024xf32, #tpu.memory_space<hbm>>
    tpu.enqueue_indirect_dma source(%dma_start3A_257 : memref<1000x1024xf32, #tpu.memory_space<hbm>>) target(%dma_start3A_252 : memref<24x1024xf32, #tpu.memory_space<vmem>>) offsets(%dma_start3A_254 : memref<24xi32, #tpu.memory_space<vmem>>) semaphore(%arg7 : memref<!tpu.dma_semaphore, #tpu.memory_space<semaphore_mem>>)
    %dma_wait3A_258 = arith.constant 1 : i32
    %dma_wait3A_259 = arith.constant 0 : i32
    %dma_wait3A_260 = arith.constant 0 : i32
    %dma_wait3A_261 = tpu.memref_slice %arg6[%dma_wait3A_258, %dma_wait3A_259, %dma_wait3A_260] : memref<4x24x1024xf32, #tpu.memory_space<vmem>> -> memref<1x24x1024xf32, #tpu.memory_space<vmem>>
    %dma_wait3A_262 = tpu.memref_squeeze %dma_wait3A_261 : memref<1x24x1024xf32, #tpu.memory_space<vmem>> -> memref<24x1024xf32, #tpu.memory_space<vmem>>
    %dma_wait3A_263 = arith.constant 120 : i32
    %dma_wait3A_264 = tpu.memref_slice %arg5[%dma_wait3A_263] : memref<512xi32, #tpu.memory_space<vmem>> -> memref<24xi32, #tpu.memory_space<vmem>>
    %dma_wait3A_265 = arith.constant 0 : i32
    %dma_wait3A_266 = arith.constant 0 : i32
    %dma_wait3A_267 = tpu.memref_slice %arg2[%dma_wait3A_265, %dma_wait3A_266] : memref<1000x1024xf32, #tpu.memory_space<hbm>> -> memref<1000x1024xf32, #tpu.memory_space<hbm>>
    tpu.wait_indirect_dma semaphore(%arg7 : memref<!tpu.dma_semaphore, #tpu.memory_space<semaphore_mem>>) src(%dma_wait3A_267 : memref<1000x1024xf32, #tpu.memory_space<hbm>>) dst(%dma_wait3A_262 : memref<24x1024xf32, #tpu.memory_space<vmem>>)
    %add3A_268 = arith.constant 120 : i32
    %add3A_269 = arith.addi %mul3A_2, %add3A_268 : i32
    %dma_start3A_270 = arith.constant 1 : i32
    %dma_start3A_271 = arith.constant 0 : i32
    %dma_start3A_272 = arith.constant 0 : i32
    %dma_start3A_273 = tpu.memref_slice %arg6[%dma_start3A_270, %dma_start3A_271, %dma_start3A_272] : memref<4x24x1024xf32, #tpu.memory_space<vmem>> -> memref<1x24x1024xf32, #tpu.memory_space<vmem>>
    %dma_start3A_274 = tpu.memref_squeeze %dma_start3A_273 : memref<1x24x1024xf32, #tpu.memory_space<vmem>> -> memref<24x1024xf32, #tpu.memory_space<vmem>>
    %dma_start3A_275 = arith.constant 0 : i32
    %dma_start3A_276 = tpu.memref_slice %arg4[%add3A_269, %dma_start3A_275] : memref<16384x1024xf32, #tpu.memory_space<hbm>> -> memref<24x1024xf32, #tpu.memory_space<hbm>>
    %dma_start3A_277 = arith.constant 0 : i32
    %dma_start3A_278 = tpu.memref_slice %arg4[%add3A_269, %dma_start3A_277] : memref<16384x1024xf32, #tpu.memory_space<hbm>> -> memref<24x1024xf32, #tpu.memory_space<hbm>>
    %dma_start3A_279 = arith.constant 0 : i32
    %dma_start3A_280 = arith.constant 0 : i32
    %dma_start3A_281 = tpu.memref_slice %arg6[%dma_start3A_270, %dma_start3A_279, %dma_start3A_280] : memref<4x24x1024xf32, #tpu.memory_space<vmem>> -> memref<1x24x1024xf32, #tpu.memory_space<vmem>>
    %dma_start3A_282 = tpu.memref_squeeze %dma_start3A_281 : memref<1x24x1024xf32, #tpu.memory_space<vmem>> -> memref<24x1024xf32, #tpu.memory_space<vmem>>
    tpu.enqueue_dma source(%dma_start3A_282 : memref<24x1024xf32, #tpu.memory_space<vmem>>) target(%dma_start3A_278 : memref<24x1024xf32, #tpu.memory_space<hbm>>) target_semaphore(%arg8 : memref<!tpu.dma_semaphore, #tpu.memory_space<semaphore_mem>>)
    %dma_wait3A_283 = arith.constant 0 : i32
    %dma_wait3A_284 = arith.constant 0 : i32
    %dma_wait3A_285 = arith.constant 0 : i32
    %dma_wait3A_286 = tpu.memref_slice %arg6[%dma_wait3A_283, %dma_wait3A_284, %dma_wait3A_285] : memref<4x24x1024xf32, #tpu.memory_space<vmem>> -> memref<1x24x1024xf32, #tpu.memory_space<vmem>>
    %dma_wait3A_287 = tpu.memref_squeeze %dma_wait3A_286 : memref<1x24x1024xf32, #tpu.memory_space<vmem>> -> memref<24x1024xf32, #tpu.memory_space<vmem>>
    %dma_wait3A_288 = arith.constant 0 : i32
    %dma_wait3A_289 = tpu.memref_slice %arg4[%add3A_221, %dma_wait3A_288] : memref<16384x1024xf32, #tpu.memory_space<hbm>> -> memref<24x1024xf32, #tpu.memory_space<hbm>>
    %dma_wait3A_290 = arith.constant 0 : i32
    %dma_wait3A_291 = tpu.memref_slice %arg4[%add3A_221, %dma_wait3A_290] : memref<16384x1024xf32, #tpu.memory_space<hbm>> -> memref<24x1024xf32, #tpu.memory_space<hbm>>
    %dma_wait3A_292 = arith.constant 0 : i32
    %dma_wait3A_293 = arith.constant 0 : i32
    %dma_wait3A_294 = tpu.memref_slice %arg6[%dma_wait3A_283, %dma_wait3A_292, %dma_wait3A_293] : memref<4x24x1024xf32, #tpu.memory_space<vmem>> -> memref<1x24x1024xf32, #tpu.memory_space<vmem>>
    %dma_wait3A_295 = tpu.memref_squeeze %dma_wait3A_294 : memref<1x24x1024xf32, #tpu.memory_space<vmem>> -> memref<24x1024xf32, #tpu.memory_space<vmem>>
    tpu.wait_dma2 semaphore(%arg8 : memref<!tpu.dma_semaphore, #tpu.memory_space<semaphore_mem>>) src(%dma_wait3A_295 : memref<24x1024xf32, #tpu.memory_space<vmem>>) dst(%dma_wait3A_291 : memref<24x1024xf32, #tpu.memory_space<hbm>>)
    %dma_start3A_296 = arith.constant 0 : i32
    %dma_start3A_297 = arith.constant 0 : i32
    %dma_start3A_298 = arith.constant 0 : i32
    %dma_start3A_299 = tpu.memref_slice %arg6[%dma_start3A_296, %dma_start3A_297, %dma_start3A_298] : memref<4x24x1024xf32, #tpu.memory_space<vmem>> -> memref<1x24x1024xf32, #tpu.memory_space<vmem>>
    %dma_start3A_300 = tpu.memref_squeeze %dma_start3A_299 : memref<1x24x1024xf32, #tpu.memory_space<vmem>> -> memref<24x1024xf32, #tpu.memory_space<vmem>>
    %dma_start3A_301 = arith.constant 192 : i32
    %dma_start3A_302 = tpu.memref_slice %arg5[%dma_start3A_301] : memref<512xi32, #tpu.memory_space<vmem>> -> memref<24xi32, #tpu.memory_space<vmem>>
    %dma_start3A_303 = arith.constant 0 : i32
    %dma_start3A_304 = arith.constant 0 : i32
    %dma_start3A_305 = tpu.memref_slice %arg2[%dma_start3A_303, %dma_start3A_304] : memref<1000x1024xf32, #tpu.memory_space<hbm>> -> memref<1000x1024xf32, #tpu.memory_space<hbm>>
    tpu.enqueue_indirect_dma source(%dma_start3A_305 : memref<1000x1024xf32, #tpu.memory_space<hbm>>) target(%dma_start3A_300 : memref<24x1024xf32, #tpu.memory_space<vmem>>) offsets(%dma_start3A_302 : memref<24xi32, #tpu.memory_space<vmem>>) semaphore(%arg7 : memref<!tpu.dma_semaphore, #tpu.memory_space<semaphore_mem>>)
    %dma_wait3A_306 = arith.constant 2 : i32
    %dma_wait3A_307 = arith.constant 0 : i32
    %dma_wait3A_308 = arith.constant 0 : i32
    %dma_wait3A_309 = tpu.memref_slice %arg6[%dma_wait3A_306, %dma_wait3A_307, %dma_wait3A_308] : memref<4x24x1024xf32, #tpu.memory_space<vmem>> -> memref<1x24x1024xf32, #tpu.memory_space<vmem>>
    %dma_wait3A_310 = tpu.memref_squeeze %dma_wait3A_309 : memref<1x24x1024xf32, #tpu.memory_space<vmem>> -> memref<24x1024xf32, #tpu.memory_space<vmem>>
    %dma_wait3A_311 = arith.constant 144 : i32
    %dma_wait3A_312 = tpu.memref_slice %arg5[%dma_wait3A_311] : memref<512xi32, #tpu.memory_space<vmem>> -> memref<24xi32, #tpu.memory_space<vmem>>
    %dma_wait3A_313 = arith.constant 0 : i32
    %dma_wait3A_314 = arith.constant 0 : i32
    %dma_wait3A_315 = tpu.memref_slice %arg2[%dma_wait3A_313, %dma_wait3A_314] : memref<1000x1024xf32, #tpu.memory_space<hbm>> -> memref<1000x1024xf32, #tpu.memory_space<hbm>>
    tpu.wait_indirect_dma semaphore(%arg7 : memref<!tpu.dma_semaphore, #tpu.memory_space<semaphore_mem>>) src(%dma_wait3A_315 : memref<1000x1024xf32, #tpu.memory_space<hbm>>) dst(%dma_wait3A_310 : memref<24x1024xf32, #tpu.memory_space<vmem>>)
    %add3A_316 = arith.constant 144 : i32
    %add3A_317 = arith.addi %mul3A_2, %add3A_316 : i32
    %dma_start3A_318 = arith.constant 2 : i32
    %dma_start3A_319 = arith.constant 0 : i32
    %dma_start3A_320 = arith.constant 0 : i32
    %dma_start3A_321 = tpu.memref_slice %arg6[%dma_start3A_318, %dma_start3A_319, %dma_start3A_320] : memref<4x24x1024xf32, #tpu.memory_space<vmem>> -> memref<1x24x1024xf32, #tpu.memory_space<vmem>>
    %dma_start3A_322 = tpu.memref_squeeze %dma_start3A_321 : memref<1x24x1024xf32, #tpu.memory_space<vmem>> -> memref<24x1024xf32, #tpu.memory_space<vmem>>
    %dma_start3A_323 = arith.constant 0 : i32
    %dma_start3A_324 = tpu.memref_slice %arg4[%add3A_317, %dma_start3A_323] : memref<16384x1024xf32, #tpu.memory_space<hbm>> -> memref<24x1024xf32, #tpu.memory_space<hbm>>
    %dma_start3A_325 = arith.constant 0 : i32
    %dma_start3A_326 = tpu.memref_slice %arg4[%add3A_317, %dma_start3A_325] : memref<16384x1024xf32, #tpu.memory_space<hbm>> -> memref<24x1024xf32, #tpu.memory_space<hbm>>
    %dma_start3A_327 = arith.constant 0 : i32
    %dma_start3A_328 = arith.constant 0 : i32
    %dma_start3A_329 = tpu.memref_slice %arg6[%dma_start3A_318, %dma_start3A_327, %dma_start3A_328] : memref<4x24x1024xf32, #tpu.memory_space<vmem>> -> memref<1x24x1024xf32, #tpu.memory_space<vmem>>
    %dma_start3A_330 = tpu.memref_squeeze %dma_start3A_329 : memref<1x24x1024xf32, #tpu.memory_space<vmem>> -> memref<24x1024xf32, #tpu.memory_space<vmem>>
    tpu.enqueue_dma source(%dma_start3A_330 : memref<24x1024xf32, #tpu.memory_space<vmem>>) target(%dma_start3A_326 : memref<24x1024xf32, #tpu.memory_space<hbm>>) target_semaphore(%arg8 : memref<!tpu.dma_semaphore, #tpu.memory_space<semaphore_mem>>)
    %dma_wait3A_331 = arith.constant 1 : i32
    %dma_wait3A_332 = arith.constant 0 : i32
    %dma_wait3A_333 = arith.constant 0 : i32
    %dma_wait3A_334 = tpu.memref_slice %arg6[%dma_wait3A_331, %dma_wait3A_332, %dma_wait3A_333] : memref<4x24x1024xf32, #tpu.memory_space<vmem>> -> memref<1x24x1024xf32, #tpu.memory_space<vmem>>
    %dma_wait3A_335 = tpu.memref_squeeze %dma_wait3A_334 : memref<1x24x1024xf32, #tpu.memory_space<vmem>> -> memref<24x1024xf32, #tpu.memory_space<vmem>>
    %dma_wait3A_336 = arith.constant 0 : i32
    %dma_wait3A_337 = tpu.memref_slice %arg4[%add3A_269, %dma_wait3A_336] : memref<16384x1024xf32, #tpu.memory_space<hbm>> -> memref<24x1024xf32, #tpu.memory_space<hbm>>
    %dma_wait3A_338 = arith.constant 0 : i32
    %dma_wait3A_339 = tpu.memref_slice %arg4[%add3A_269, %dma_wait3A_338] : memref<16384x1024xf32, #tpu.memory_space<hbm>> -> memref<24x1024xf32, #tpu.memory_space<hbm>>
    %dma_wait3A_340 = arith.constant 0 : i32
    %dma_wait3A_341 = arith.constant 0 : i32
    %dma_wait3A_342 = tpu.memref_slice %arg6[%dma_wait3A_331, %dma_wait3A_340, %dma_wait3A_341] : memref<4x24x1024xf32, #tpu.memory_space<vmem>> -> memref<1x24x1024xf32, #tpu.memory_space<vmem>>
    %dma_wait3A_343 = tpu.memref_squeeze %dma_wait3A_342 : memref<1x24x1024xf32, #tpu.memory_space<vmem>> -> memref<24x1024xf32, #tpu.memory_space<vmem>>
    tpu.wait_dma2 semaphore(%arg8 : memref<!tpu.dma_semaphore, #tpu.memory_space<semaphore_mem>>) src(%dma_wait3A_343 : memref<24x1024xf32, #tpu.memory_space<vmem>>) dst(%dma_wait3A_339 : memref<24x1024xf32, #tpu.memory_space<hbm>>)
    %dma_start3A_344 = arith.constant 1 : i32
    %dma_start3A_345 = arith.constant 0 : i32
    %dma_start3A_346 = arith.constant 0 : i32
    %dma_start3A_347 = tpu.memref_slice %arg6[%dma_start3A_344, %dma_start3A_345, %dma_start3A_346] : memref<4x24x1024xf32, #tpu.memory_space<vmem>> -> memref<1x24x1024xf32, #tpu.memory_space<vmem>>
    %dma_start3A_348 = tpu.memref_squeeze %dma_start3A_347 : memref<1x24x1024xf32, #tpu.memory_space<vmem>> -> memref<24x1024xf32, #tpu.memory_space<vmem>>
    %dma_start3A_349 = arith.constant 216 : i32
    %dma_start3A_350 = tpu.memref_slice %arg5[%dma_start3A_349] : memref<512xi32, #tpu.memory_space<vmem>> -> memref<24xi32, #tpu.memory_space<vmem>>
    %dma_start3A_351 = arith.constant 0 : i32
    %dma_start3A_352 = arith.constant 0 : i32
    %dma_start3A_353 = tpu.memref_slice %arg2[%dma_start3A_351, %dma_start3A_352] : memref<1000x1024xf32, #tpu.memory_space<hbm>> -> memref<1000x1024xf32, #tpu.memory_space<hbm>>
    tpu.enqueue_indirect_dma source(%dma_start3A_353 : memref<1000x1024xf32, #tpu.memory_space<hbm>>) target(%dma_start3A_348 : memref<24x1024xf32, #tpu.memory_space<vmem>>) offsets(%dma_start3A_350 : memref<24xi32, #tpu.memory_space<vmem>>) semaphore(%arg7 : memref<!tpu.dma_semaphore, #tpu.memory_space<semaphore_mem>>)
    %dma_wait3A_354 = arith.constant 3 : i32
    %dma_wait3A_355 = arith.constant 0 : i32
    %dma_wait3A_356 = arith.constant 0 : i32
    %dma_wait3A_357 = tpu.memref_slice %arg6[%dma_wait3A_354, %dma_wait3A_355, %dma_wait3A_356] : memref<4x24x1024xf32, #tpu.memory_space<vmem>> -> memref<1x24x1024xf32, #tpu.memory_space<vmem>>
    %dma_wait3A_358 = tpu.memref_squeeze %dma_wait3A_357 : memref<1x24x1024xf32, #tpu.memory_space<vmem>> -> memref<24x1024xf32, #tpu.memory_space<vmem>>
    %dma_wait3A_359 = arith.constant 168 : i32
    %dma_wait3A_360 = tpu.memref_slice %arg5[%dma_wait3A_359] : memref<512xi32, #tpu.memory_space<vmem>> -> memref<24xi32, #tpu.memory_space<vmem>>
    %dma_wait3A_361 = arith.constant 0 : i32
    %dma_wait3A_362 = arith.constant 0 : i32
    %dma_wait3A_363 = tpu.memref_slice %arg2[%dma_wait3A_361, %dma_wait3A_362] : memref<1000x1024xf32, #tpu.memory_space<hbm>> -> memref<1000x1024xf32, #tpu.memory_space<hbm>>
    tpu.wait_indirect_dma semaphore(%arg7 : memref<!tpu.dma_semaphore, #tpu.memory_space<semaphore_mem>>) src(%dma_wait3A_363 : memref<1000x1024xf32, #tpu.memory_space<hbm>>) dst(%dma_wait3A_358 : memref<24x1024xf32, #tpu.memory_space<vmem>>)
    %add3A_364 = arith.constant 168 : i32
    %add3A_365 = arith.addi %mul3A_2, %add3A_364 : i32
    %dma_start3A_366 = arith.constant 3 : i32
    %dma_start3A_367 = arith.constant 0 : i32
    %dma_start3A_368 = arith.constant 0 : i32
    %dma_start3A_369 = tpu.memref_slice %arg6[%dma_start3A_366, %dma_start3A_367, %dma_start3A_368] : memref<4x24x1024xf32, #tpu.memory_space<vmem>> -> memref<1x24x1024xf32, #tpu.memory_space<vmem>>
    %dma_start3A_370 = tpu.memref_squeeze %dma_start3A_369 : memref<1x24x1024xf32, #tpu.memory_space<vmem>> -> memref<24x1024xf32, #tpu.memory_space<vmem>>
    %dma_start3A_371 = arith.constant 0 : i32
    %dma_start3A_372 = tpu.memref_slice %arg4[%add3A_365, %dma_start3A_371] : memref<16384x1024xf32, #tpu.memory_space<hbm>> -> memref<24x1024xf32, #tpu.memory_space<hbm>>
    %dma_start3A_373 = arith.constant 0 : i32
    %dma_start3A_374 = tpu.memref_slice %arg4[%add3A_365, %dma_start3A_373] : memref<16384x1024xf32, #tpu.memory_space<hbm>> -> memref<24x1024xf32, #tpu.memory_space<hbm>>
    %dma_start3A_375 = arith.constant 0 : i32
    %dma_start3A_376 = arith.constant 0 : i32
    %dma_start3A_377 = tpu.memref_slice %arg6[%dma_start3A_366, %dma_start3A_375, %dma_start3A_376] : memref<4x24x1024xf32, #tpu.memory_space<vmem>> -> memref<1x24x1024xf32, #tpu.memory_space<vmem>>
    %dma_start3A_378 = tpu.memref_squeeze %dma_start3A_377 : memref<1x24x1024xf32, #tpu.memory_space<vmem>> -> memref<24x1024xf32, #tpu.memory_space<vmem>>
    tpu.enqueue_dma source(%dma_start3A_378 : memref<24x1024xf32, #tpu.memory_space<vmem>>) target(%dma_start3A_374 : memref<24x1024xf32, #tpu.memory_space<hbm>>) target_semaphore(%arg8 : memref<!tpu.dma_semaphore, #tpu.memory_space<semaphore_mem>>)
    %dma_wait3A_379 = arith.constant 2 : i32
    %dma_wait3A_380 = arith.constant 0 : i32
    %dma_wait3A_381 = arith.constant 0 : i32
    %dma_wait3A_382 = tpu.memref_slice %arg6[%dma_wait3A_379, %dma_wait3A_380, %dma_wait3A_381] : memref<4x24x1024xf32, #tpu.memory_space<vmem>> -> memref<1x24x1024xf32, #tpu.memory_space<vmem>>
    %dma_wait3A_383 = tpu.memref_squeeze %dma_wait3A_382 : memref<1x24x1024xf32, #tpu.memory_space<vmem>> -> memref<24x1024xf32, #tpu.memory_space<vmem>>
    %dma_wait3A_384 = arith.constant 0 : i32
    %dma_wait3A_385 = tpu.memref_slice %arg4[%add3A_317, %dma_wait3A_384] : memref<16384x1024xf32, #tpu.memory_space<hbm>> -> memref<24x1024xf32, #tpu.memory_space<hbm>>
    %dma_wait3A_386 = arith.constant 0 : i32
    %dma_wait3A_387 = tpu.memref_slice %arg4[%add3A_317, %dma_wait3A_386] : memref<16384x1024xf32, #tpu.memory_space<hbm>> -> memref<24x1024xf32, #tpu.memory_space<hbm>>
    %dma_wait3A_388 = arith.constant 0 : i32
    %dma_wait3A_389 = arith.constant 0 : i32
    %dma_wait3A_390 = tpu.memref_slice %arg6[%dma_wait3A_379, %dma_wait3A_388, %dma_wait3A_389] : memref<4x24x1024xf32, #tpu.memory_space<vmem>> -> memref<1x24x1024xf32, #tpu.memory_space<vmem>>
    %dma_wait3A_391 = tpu.memref_squeeze %dma_wait3A_390 : memref<1x24x1024xf32, #tpu.memory_space<vmem>> -> memref<24x1024xf32, #tpu.memory_space<vmem>>
    tpu.wait_dma2 semaphore(%arg8 : memref<!tpu.dma_semaphore, #tpu.memory_space<semaphore_mem>>) src(%dma_wait3A_391 : memref<24x1024xf32, #tpu.memory_space<vmem>>) dst(%dma_wait3A_387 : memref<24x1024xf32, #tpu.memory_space<hbm>>)
    %dma_start3A_392 = arith.constant 2 : i32
    %dma_start3A_393 = arith.constant 0 : i32
    %dma_start3A_394 = arith.constant 0 : i32
    %dma_start3A_395 = tpu.memref_slice %arg6[%dma_start3A_392, %dma_start3A_393, %dma_start3A_394] : memref<4x24x1024xf32, #tpu.memory_space<vmem>> -> memref<1x24x1024xf32, #tpu.memory_space<vmem>>
    %dma_start3A_396 = tpu.memref_squeeze %dma_start3A_395 : memref<1x24x1024xf32, #tpu.memory_space<vmem>> -> memref<24x1024xf32, #tpu.memory_space<vmem>>
    %dma_start3A_397 = arith.constant 240 : i32
    %dma_start3A_398 = tpu.memref_slice %arg5[%dma_start3A_397] : memref<512xi32, #tpu.memory_space<vmem>> -> memref<24xi32, #tpu.memory_space<vmem>>
    %dma_start3A_399 = arith.constant 0 : i32
    %dma_start3A_400 = arith.constant 0 : i32
    %dma_start3A_401 = tpu.memref_slice %arg2[%dma_start3A_399, %dma_start3A_400] : memref<1000x1024xf32, #tpu.memory_space<hbm>> -> memref<1000x1024xf32, #tpu.memory_space<hbm>>
    tpu.enqueue_indirect_dma source(%dma_start3A_401 : memref<1000x1024xf32, #tpu.memory_space<hbm>>) target(%dma_start3A_396 : memref<24x1024xf32, #tpu.memory_space<vmem>>) offsets(%dma_start3A_398 : memref<24xi32, #tpu.memory_space<vmem>>) semaphore(%arg7 : memref<!tpu.dma_semaphore, #tpu.memory_space<semaphore_mem>>)
    %dma_wait3A_402 = arith.constant 0 : i32
    %dma_wait3A_403 = arith.constant 0 : i32
    %dma_wait3A_404 = arith.constant 0 : i32
    %dma_wait3A_405 = tpu.memref_slice %arg6[%dma_wait3A_402, %dma_wait3A_403, %dma_wait3A_404] : memref<4x24x1024xf32, #tpu.memory_space<vmem>> -> memref<1x24x1024xf32, #tpu.memory_space<vmem>>
    %dma_wait3A_406 = tpu.memref_squeeze %dma_wait3A_405 : memref<1x24x1024xf32, #tpu.memory_space<vmem>> -> memref<24x1024xf32, #tpu.memory_space<vmem>>
    %dma_wait3A_407 = arith.constant 192 : i32
    %dma_wait3A_408 = tpu.memref_slice %arg5[%dma_wait3A_407] : memref<512xi32, #tpu.memory_space<vmem>> -> memref<24xi32, #tpu.memory_space<vmem>>
    %dma_wait3A_409 = arith.constant 0 : i32
    %dma_wait3A_410 = arith.constant 0 : i32
    %dma_wait3A_411 = tpu.memref_slice %arg2[%dma_wait3A_409, %dma_wait3A_410] : memref<1000x1024xf32, #tpu.memory_space<hbm>> -> memref<1000x1024xf32, #tpu.memory_space<hbm>>
    tpu.wait_indirect_dma semaphore(%arg7 : memref<!tpu.dma_semaphore, #tpu.memory_space<semaphore_mem>>) src(%dma_wait3A_411 : memref<1000x1024xf32, #tpu.memory_space<hbm>>) dst(%dma_wait3A_406 : memref<24x1024xf32, #tpu.memory_space<vmem>>)
    %add3A_412 = arith.constant 192 : i32
    %add3A_413 = arith.addi %mul3A_2, %add3A_412 : i32
    %dma_start3A_414 = arith.constant 0 : i32
    %dma_start3A_415 = arith.constant 0 : i32
    %dma_start3A_416 = arith.constant 0 : i32
    %dma_start3A_417 = tpu.memref_slice %arg6[%dma_start3A_414, %dma_start3A_415, %dma_start3A_416] : memref<4x24x1024xf32, #tpu.memory_space<vmem>> -> memref<1x24x1024xf32, #tpu.memory_space<vmem>>
    %dma_start3A_418 = tpu.memref_squeeze %dma_start3A_417 : memref<1x24x1024xf32, #tpu.memory_space<vmem>> -> memref<24x1024xf32, #tpu.memory_space<vmem>>
    %dma_start3A_419 = arith.constant 0 : i32
    %dma_start3A_420 = tpu.memref_slice %arg4[%add3A_413, %dma_start3A_419] : memref<16384x1024xf32, #tpu.memory_space<hbm>> -> memref<24x1024xf32, #tpu.memory_space<hbm>>
    %dma_start3A_421 = arith.constant 0 : i32
    %dma_start3A_422 = tpu.memref_slice %arg4[%add3A_413, %dma_start3A_421] : memref<16384x1024xf32, #tpu.memory_space<hbm>> -> memref<24x1024xf32, #tpu.memory_space<hbm>>
    %dma_start3A_423 = arith.constant 0 : i32
    %dma_start3A_424 = arith.constant 0 : i32
    %dma_start3A_425 = tpu.memref_slice %arg6[%dma_start3A_414, %dma_start3A_423, %dma_start3A_424] : memref<4x24x1024xf32, #tpu.memory_space<vmem>> -> memref<1x24x1024xf32, #tpu.memory_space<vmem>>
    %dma_start3A_426 = tpu.memref_squeeze %dma_start3A_425 : memref<1x24x1024xf32, #tpu.memory_space<vmem>> -> memref<24x1024xf32, #tpu.memory_space<vmem>>
    tpu.enqueue_dma source(%dma_start3A_426 : memref<24x1024xf32, #tpu.memory_space<vmem>>) target(%dma_start3A_422 : memref<24x1024xf32, #tpu.memory_space<hbm>>) target_semaphore(%arg8 : memref<!tpu.dma_semaphore, #tpu.memory_space<semaphore_mem>>)
    %dma_wait3A_427 = arith.constant 3 : i32
    %dma_wait3A_428 = arith.constant 0 : i32
    %dma_wait3A_429 = arith.constant 0 : i32
    %dma_wait3A_430 = tpu.memref_slice %arg6[%dma_wait3A_427, %dma_wait3A_428, %dma_wait3A_429] : memref<4x24x1024xf32, #tpu.memory_space<vmem>> -> memref<1x24x1024xf32, #tpu.memory_space<vmem>>
    %dma_wait3A_431 = tpu.memref_squeeze %dma_wait3A_430 : memref<1x24x1024xf32, #tpu.memory_space<vmem>> -> memref<24x1024xf32, #tpu.memory_space<vmem>>
    %dma_wait3A_432 = arith.constant 0 : i32
    %dma_wait3A_433 = tpu.memref_slice %arg4[%add3A_365, %dma_wait3A_432] : memref<16384x1024xf32, #tpu.memory_space<hbm>> -> memref<24x1024xf32, #tpu.memory_space<hbm>>
    %dma_wait3A_434 = arith.constant 0 : i32
    %dma_wait3A_435 = tpu.memref_slice %arg4[%add3A_365, %dma_wait3A_434] : memref<16384x1024xf32, #tpu.memory_space<hbm>> -> memref<24x1024xf32, #tpu.memory_space<hbm>>
    %dma_wait3A_436 = arith.constant 0 : i32
    %dma_wait3A_437 = arith.constant 0 : i32
    %dma_wait3A_438 = tpu.memref_slice %arg6[%dma_wait3A_427, %dma_wait3A_436, %dma_wait3A_437] : memref<4x24x1024xf32, #tpu.memory_space<vmem>> -> memref<1x24x1024xf32, #tpu.memory_space<vmem>>
    %dma_wait3A_439 = tpu.memref_squeeze %dma_wait3A_438 : memref<1x24x1024xf32, #tpu.memory_space<vmem>> -> memref<24x1024xf32, #tpu.memory_space<vmem>>
    tpu.wait_dma2 semaphore(%arg8 : memref<!tpu.dma_semaphore, #tpu.memory_space<semaphore_mem>>) src(%dma_wait3A_439 : memref<24x1024xf32, #tpu.memory_space<vmem>>) dst(%dma_wait3A_435 : memref<24x1024xf32, #tpu.memory_space<hbm>>)
    %dma_start3A_440 = arith.constant 3 : i32
    %dma_start3A_441 = arith.constant 0 : i32
    %dma_start3A_442 = arith.constant 0 : i32
    %dma_start3A_443 = tpu.memref_slice %arg6[%dma_start3A_440, %dma_start3A_441, %dma_start3A_442] : memref<4x24x1024xf32, #tpu.memory_space<vmem>> -> memref<1x24x1024xf32, #tpu.memory_space<vmem>>
    %dma_start3A_444 = tpu.memref_squeeze %dma_start3A_443 : memref<1x24x1024xf32, #tpu.memory_space<vmem>> -> memref<24x1024xf32, #tpu.memory_space<vmem>>
    %dma_start3A_445 = arith.constant 264 : i32
    %dma_start3A_446 = tpu.memref_slice %arg5[%dma_start3A_445] : memref<512xi32, #tpu.memory_space<vmem>> -> memref<24xi32, #tpu.memory_space<vmem>>
    %dma_start3A_447 = arith.constant 0 : i32
    %dma_start3A_448 = arith.constant 0 : i32
    %dma_start3A_449 = tpu.memref_slice %arg2[%dma_start3A_447, %dma_start3A_448] : memref<1000x1024xf32, #tpu.memory_space<hbm>> -> memref<1000x1024xf32, #tpu.memory_space<hbm>>
    tpu.enqueue_indirect_dma source(%dma_start3A_449 : memref<1000x1024xf32, #tpu.memory_space<hbm>>) target(%dma_start3A_444 : memref<24x1024xf32, #tpu.memory_space<vmem>>) offsets(%dma_start3A_446 : memref<24xi32, #tpu.memory_space<vmem>>) semaphore(%arg7 : memref<!tpu.dma_semaphore, #tpu.memory_space<semaphore_mem>>)
    %dma_wait3A_450 = arith.constant 1 : i32
    %dma_wait3A_451 = arith.constant 0 : i32
    %dma_wait3A_452 = arith.constant 0 : i32
    %dma_wait3A_453 = tpu.memref_slice %arg6[%dma_wait3A_450, %dma_wait3A_451, %dma_wait3A_452] : memref<4x24x1024xf32, #tpu.memory_space<vmem>> -> memref<1x24x1024xf32, #tpu.memory_space<vmem>>
    %dma_wait3A_454 = tpu.memref_squeeze %dma_wait3A_453 : memref<1x24x1024xf32, #tpu.memory_space<vmem>> -> memref<24x1024xf32, #tpu.memory_space<vmem>>
    %dma_wait3A_455 = arith.constant 216 : i32
    %dma_wait3A_456 = tpu.memref_slice %arg5[%dma_wait3A_455] : memref<512xi32, #tpu.memory_space<vmem>> -> memref<24xi32, #tpu.memory_space<vmem>>
    %dma_wait3A_457 = arith.constant 0 : i32
    %dma_wait3A_458 = arith.constant 0 : i32
    %dma_wait3A_459 = tpu.memref_slice %arg2[%dma_wait3A_457, %dma_wait3A_458] : memref<1000x1024xf32, #tpu.memory_space<hbm>> -> memref<1000x1024xf32, #tpu.memory_space<hbm>>
    tpu.wait_indirect_dma semaphore(%arg7 : memref<!tpu.dma_semaphore, #tpu.memory_space<semaphore_mem>>) src(%dma_wait3A_459 : memref<1000x1024xf32, #tpu.memory_space<hbm>>) dst(%dma_wait3A_454 : memref<24x1024xf32, #tpu.memory_space<vmem>>)
    %add3A_460 = arith.constant 216 : i32
    %add3A_461 = arith.addi %mul3A_2, %add3A_460 : i32
    %dma_start3A_462 = arith.constant 1 : i32
    %dma_start3A_463 = arith.constant 0 : i32
    %dma_start3A_464 = arith.constant 0 : i32
    %dma_start3A_465 = tpu.memref_slice %arg6[%dma_start3A_462, %dma_start3A_463, %dma_start3A_464] : memref<4x24x1024xf32, #tpu.memory_space<vmem>> -> memref<1x24x1024xf32, #tpu.memory_space<vmem>>
    %dma_start3A_466 = tpu.memref_squeeze %dma_start3A_465 : memref<1x24x1024xf32, #tpu.memory_space<vmem>> -> memref<24x1024xf32, #tpu.memory_space<vmem>>
    %dma_start3A_467 = arith.constant 0 : i32
    %dma_start3A_468 = tpu.memref_slice %arg4[%add3A_461, %dma_start3A_467] : memref<16384x1024xf32, #tpu.memory_space<hbm>> -> memref<24x1024xf32, #tpu.memory_space<hbm>>
    %dma_start3A_469 = arith.constant 0 : i32
    %dma_start3A_470 = tpu.memref_slice %arg4[%add3A_461, %dma_start3A_469] : memref<16384x1024xf32, #tpu.memory_space<hbm>> -> memref<24x1024xf32, #tpu.memory_space<hbm>>
    %dma_start3A_471 = arith.constant 0 : i32
    %dma_start3A_472 = arith.constant 0 : i32
    %dma_start3A_473 = tpu.memref_slice %arg6[%dma_start3A_462, %dma_start3A_471, %dma_start3A_472] : memref<4x24x1024xf32, #tpu.memory_space<vmem>> -> memref<1x24x1024xf32, #tpu.memory_space<vmem>>
    %dma_start3A_474 = tpu.memref_squeeze %dma_start3A_473 : memref<1x24x1024xf32, #tpu.memory_space<vmem>> -> memref<24x1024xf32, #tpu.memory_space<vmem>>
    tpu.enqueue_dma source(%dma_start3A_474 : memref<24x1024xf32, #tpu.memory_space<vmem>>) target(%dma_start3A_470 : memref<24x1024xf32, #tpu.memory_space<hbm>>) target_semaphore(%arg8 : memref<!tpu.dma_semaphore, #tpu.memory_space<semaphore_mem>>)
    %dma_wait3A_475 = arith.constant 0 : i32
    %dma_wait3A_476 = arith.constant 0 : i32
    %dma_wait3A_477 = arith.constant 0 : i32
    %dma_wait3A_478 = tpu.memref_slice %arg6[%dma_wait3A_475, %dma_wait3A_476, %dma_wait3A_477] : memref<4x24x1024xf32, #tpu.memory_space<vmem>> -> memref<1x24x1024xf32, #tpu.memory_space<vmem>>
    %dma_wait3A_479 = tpu.memref_squeeze %dma_wait3A_478 : memref<1x24x1024xf32, #tpu.memory_space<vmem>> -> memref<24x1024xf32, #tpu.memory_space<vmem>>
    %dma_wait3A_480 = arith.constant 0 : i32
    %dma_wait3A_481 = tpu.memref_slice %arg4[%add3A_413, %dma_wait3A_480] : memref<16384x1024xf32, #tpu.memory_space<hbm>> -> memref<24x1024xf32, #tpu.memory_space<hbm>>
    %dma_wait3A_482 = arith.constant 0 : i32
    %dma_wait3A_483 = tpu.memref_slice %arg4[%add3A_413, %dma_wait3A_482] : memref<16384x1024xf32, #tpu.memory_space<hbm>> -> memref<24x1024xf32, #tpu.memory_space<hbm>>
    %dma_wait3A_484 = arith.constant 0 : i32
    %dma_wait3A_485 = arith.constant 0 : i32
    %dma_wait3A_486 = tpu.memref_slice %arg6[%dma_wait3A_475, %dma_wait3A_484, %dma_wait3A_485] : memref<4x24x1024xf32, #tpu.memory_space<vmem>> -> memref<1x24x1024xf32, #tpu.memory_space<vmem>>
    %dma_wait3A_487 = tpu.memref_squeeze %dma_wait3A_486 : memref<1x24x1024xf32, #tpu.memory_space<vmem>> -> memref<24x1024xf32, #tpu.memory_space<vmem>>
    tpu.wait_dma2 semaphore(%arg8 : memref<!tpu.dma_semaphore, #tpu.memory_space<semaphore_mem>>) src(%dma_wait3A_487 : memref<24x1024xf32, #tpu.memory_space<vmem>>) dst(%dma_wait3A_483 : memref<24x1024xf32, #tpu.memory_space<hbm>>)
    %dma_start3A_488 = arith.constant 0 : i32
    %dma_start3A_489 = arith.constant 0 : i32
    %dma_start3A_490 = arith.constant 0 : i32
    %dma_start3A_491 = tpu.memref_slice %arg6[%dma_start3A_488, %dma_start3A_489, %dma_start3A_490] : memref<4x24x1024xf32, #tpu.memory_space<vmem>> -> memref<1x24x1024xf32, #tpu.memory_space<vmem>>
    %dma_start3A_492 = tpu.memref_squeeze %dma_start3A_491 : memref<1x24x1024xf32, #tpu.memory_space<vmem>> -> memref<24x1024xf32, #tpu.memory_space<vmem>>
    %dma_start3A_493 = arith.constant 288 : i32
    %dma_start3A_494 = tpu.memref_slice %arg5[%dma_start3A_493] : memref<512xi32, #tpu.memory_space<vmem>> -> memref<24xi32, #tpu.memory_space<vmem>>
    %dma_start3A_495 = arith.constant 0 : i32
    %dma_start3A_496 = arith.constant 0 : i32
    %dma_start3A_497 = tpu.memref_slice %arg2[%dma_start3A_495, %dma_start3A_496] : memref<1000x1024xf32, #tpu.memory_space<hbm>> -> memref<1000x1024xf32, #tpu.memory_space<hbm>>
    tpu.enqueue_indirect_dma source(%dma_start3A_497 : memref<1000x1024xf32, #tpu.memory_space<hbm>>) target(%dma_start3A_492 : memref<24x1024xf32, #tpu.memory_space<vmem>>) offsets(%dma_start3A_494 : memref<24xi32, #tpu.memory_space<vmem>>) semaphore(%arg7 : memref<!tpu.dma_semaphore, #tpu.memory_space<semaphore_mem>>)
    %dma_wait3A_498 = arith.constant 2 : i32
    %dma_wait3A_499 = arith.constant 0 : i32
    %dma_wait3A_500 = arith.constant 0 : i32
    %dma_wait3A_501 = tpu.memref_slice %arg6[%dma_wait3A_498, %dma_wait3A_499, %dma_wait3A_500] : memref<4x24x1024xf32, #tpu.memory_space<vmem>> -> memref<1x24x1024xf32, #tpu.memory_space<vmem>>
    %dma_wait3A_502 = tpu.memref_squeeze %dma_wait3A_501 : memref<1x24x1024xf32, #tpu.memory_space<vmem>> -> memref<24x1024xf32, #tpu.memory_space<vmem>>
    %dma_wait3A_503 = arith.constant 240 : i32
    %dma_wait3A_504 = tpu.memref_slice %arg5[%dma_wait3A_503] : memref<512xi32, #tpu.memory_space<vmem>> -> memref<24xi32, #tpu.memory_space<vmem>>
    %dma_wait3A_505 = arith.constant 0 : i32
    %dma_wait3A_506 = arith.constant 0 : i32
    %dma_wait3A_507 = tpu.memref_slice %arg2[%dma_wait3A_505, %dma_wait3A_506] : memref<1000x1024xf32, #tpu.memory_space<hbm>> -> memref<1000x1024xf32, #tpu.memory_space<hbm>>
    tpu.wait_indirect_dma semaphore(%arg7 : memref<!tpu.dma_semaphore, #tpu.memory_space<semaphore_mem>>) src(%dma_wait3A_507 : memref<1000x1024xf32, #tpu.memory_space<hbm>>) dst(%dma_wait3A_502 : memref<24x1024xf32, #tpu.memory_space<vmem>>)
    %add3A_508 = arith.constant 240 : i32
    %add3A_509 = arith.addi %mul3A_2, %add3A_508 : i32
    %dma_start3A_510 = arith.constant 2 : i32
    %dma_start3A_511 = arith.constant 0 : i32
    %dma_start3A_512 = arith.constant 0 : i32
    %dma_start3A_513 = tpu.memref_slice %arg6[%dma_start3A_510, %dma_start3A_511, %dma_start3A_512] : memref<4x24x1024xf32, #tpu.memory_space<vmem>> -> memref<1x24x1024xf32, #tpu.memory_space<vmem>>
    %dma_start3A_514 = tpu.memref_squeeze %dma_start3A_513 : memref<1x24x1024xf32, #tpu.memory_space<vmem>> -> memref<24x1024xf32, #tpu.memory_space<vmem>>
    %dma_start3A_515 = arith.constant 0 : i32
    %dma_start3A_516 = tpu.memref_slice %arg4[%add3A_509, %dma_start3A_515] : memref<16384x1024xf32, #tpu.memory_space<hbm>> -> memref<24x1024xf32, #tpu.memory_space<hbm>>
    %dma_start3A_517 = arith.constant 0 : i32
    %dma_start3A_518 = tpu.memref_slice %arg4[%add3A_509, %dma_start3A_517] : memref<16384x1024xf32, #tpu.memory_space<hbm>> -> memref<24x1024xf32, #tpu.memory_space<hbm>>
    %dma_start3A_519 = arith.constant 0 : i32
    %dma_start3A_520 = arith.constant 0 : i32
    %dma_start3A_521 = tpu.memref_slice %arg6[%dma_start3A_510, %dma_start3A_519, %dma_start3A_520] : memref<4x24x1024xf32, #tpu.memory_space<vmem>> -> memref<1x24x1024xf32, #tpu.memory_space<vmem>>
    %dma_start3A_522 = tpu.memref_squeeze %dma_start3A_521 : memref<1x24x1024xf32, #tpu.memory_space<vmem>> -> memref<24x1024xf32, #tpu.memory_space<vmem>>
    tpu.enqueue_dma source(%dma_start3A_522 : memref<24x1024xf32, #tpu.memory_space<vmem>>) target(%dma_start3A_518 : memref<24x1024xf32, #tpu.memory_space<hbm>>) target_semaphore(%arg8 : memref<!tpu.dma_semaphore, #tpu.memory_space<semaphore_mem>>)
    %dma_wait3A_523 = arith.constant 1 : i32
    %dma_wait3A_524 = arith.constant 0 : i32
    %dma_wait3A_525 = arith.constant 0 : i32
    %dma_wait3A_526 = tpu.memref_slice %arg6[%dma_wait3A_523, %dma_wait3A_524, %dma_wait3A_525] : memref<4x24x1024xf32, #tpu.memory_space<vmem>> -> memref<1x24x1024xf32, #tpu.memory_space<vmem>>
    %dma_wait3A_527 = tpu.memref_squeeze %dma_wait3A_526 : memref<1x24x1024xf32, #tpu.memory_space<vmem>> -> memref<24x1024xf32, #tpu.memory_space<vmem>>
    %dma_wait3A_528 = arith.constant 0 : i32
    %dma_wait3A_529 = tpu.memref_slice %arg4[%add3A_461, %dma_wait3A_528] : memref<16384x1024xf32, #tpu.memory_space<hbm>> -> memref<24x1024xf32, #tpu.memory_space<hbm>>
    %dma_wait3A_530 = arith.constant 0 : i32
    %dma_wait3A_531 = tpu.memref_slice %arg4[%add3A_461, %dma_wait3A_530] : memref<16384x1024xf32, #tpu.memory_space<hbm>> -> memref<24x1024xf32, #tpu.memory_space<hbm>>
    %dma_wait3A_532 = arith.constant 0 : i32
    %dma_wait3A_533 = arith.constant 0 : i32
    %dma_wait3A_534 = tpu.memref_slice %arg6[%dma_wait3A_523, %dma_wait3A_532, %dma_wait3A_533] : memref<4x24x1024xf32, #tpu.memory_space<vmem>> -> memref<1x24x1024xf32, #tpu.memory_space<vmem>>
    %dma_wait3A_535 = tpu.memref_squeeze %dma_wait3A_534 : memref<1x24x1024xf32, #tpu.memory_space<vmem>> -> memref<24x1024xf32, #tpu.memory_space<vmem>>
    tpu.wait_dma2 semaphore(%arg8 : memref<!tpu.dma_semaphore, #tpu.memory_space<semaphore_mem>>) src(%dma_wait3A_535 : memref<24x1024xf32, #tpu.memory_space<vmem>>) dst(%dma_wait3A_531 : memref<24x1024xf32, #tpu.memory_space<hbm>>)
    %dma_start3A_536 = arith.constant 1 : i32
    %dma_start3A_537 = arith.constant 0 : i32
    %dma_start3A_538 = arith.constant 0 : i32
    %dma_start3A_539 = tpu.memref_slice %arg6[%dma_start3A_536, %dma_start3A_537, %dma_start3A_538] : memref<4x24x1024xf32, #tpu.memory_space<vmem>> -> memref<1x24x1024xf32, #tpu.memory_space<vmem>>
    %dma_start3A_540 = tpu.memref_squeeze %dma_start3A_539 : memref<1x24x1024xf32, #tpu.memory_space<vmem>> -> memref<24x1024xf32, #tpu.memory_space<vmem>>
    %dma_start3A_541 = arith.constant 312 : i32
    %dma_start3A_542 = tpu.memref_slice %arg5[%dma_start3A_541] : memref<512xi32, #tpu.memory_space<vmem>> -> memref<24xi32, #tpu.memory_space<vmem>>
    %dma_start3A_543 = arith.constant 0 : i32
    %dma_start3A_544 = arith.constant 0 : i32
    %dma_start3A_545 = tpu.memref_slice %arg2[%dma_start3A_543, %dma_start3A_544] : memref<1000x1024xf32, #tpu.memory_space<hbm>> -> memref<1000x1024xf32, #tpu.memory_space<hbm>>
    tpu.enqueue_indirect_dma source(%dma_start3A_545 : memref<1000x1024xf32, #tpu.memory_space<hbm>>) target(%dma_start3A_540 : memref<24x1024xf32, #tpu.memory_space<vmem>>) offsets(%dma_start3A_542 : memref<24xi32, #tpu.memory_space<vmem>>) semaphore(%arg7 : memref<!tpu.dma_semaphore, #tpu.memory_space<semaphore_mem>>)
    %dma_wait3A_546 = arith.constant 3 : i32
    %dma_wait3A_547 = arith.constant 0 : i32
    %dma_wait3A_548 = arith.constant 0 : i32
    %dma_wait3A_549 = tpu.memref_slice %arg6[%dma_wait3A_546, %dma_wait3A_547, %dma_wait3A_548] : memref<4x24x1024xf32, #tpu.memory_space<vmem>> -> memref<1x24x1024xf32, #tpu.memory_space<vmem>>
    %dma_wait3A_550 = tpu.memref_squeeze %dma_wait3A_549 : memref<1x24x1024xf32, #tpu.memory_space<vmem>> -> memref<24x1024xf32, #tpu.memory_space<vmem>>
    %dma_wait3A_551 = arith.constant 264 : i32
    %dma_wait3A_552 = tpu.memref_slice %arg5[%dma_wait3A_551] : memref<512xi32, #tpu.memory_space<vmem>> -> memref<24xi32, #tpu.memory_space<vmem>>
    %dma_wait3A_553 = arith.constant 0 : i32
    %dma_wait3A_554 = arith.constant 0 : i32
    %dma_wait3A_555 = tpu.memref_slice %arg2[%dma_wait3A_553, %dma_wait3A_554] : memref<1000x1024xf32, #tpu.memory_space<hbm>> -> memref<1000x1024xf32, #tpu.memory_space<hbm>>
    tpu.wait_indirect_dma semaphore(%arg7 : memref<!tpu.dma_semaphore, #tpu.memory_space<semaphore_mem>>) src(%dma_wait3A_555 : memref<1000x1024xf32, #tpu.memory_space<hbm>>) dst(%dma_wait3A_550 : memref<24x1024xf32, #tpu.memory_space<vmem>>)
    %add3A_556 = arith.constant 264 : i32
    %add3A_557 = arith.addi %mul3A_2, %add3A_556 : i32
    %dma_start3A_558 = arith.constant 3 : i32
    %dma_start3A_559 = arith.constant 0 : i32
    %dma_start3A_560 = arith.constant 0 : i32
    %dma_start3A_561 = tpu.memref_slice %arg6[%dma_start3A_558, %dma_start3A_559, %dma_start3A_560] : memref<4x24x1024xf32, #tpu.memory_space<vmem>> -> memref<1x24x1024xf32, #tpu.memory_space<vmem>>
    %dma_start3A_562 = tpu.memref_squeeze %dma_start3A_561 : memref<1x24x1024xf32, #tpu.memory_space<vmem>> -> memref<24x1024xf32, #tpu.memory_space<vmem>>
    %dma_start3A_563 = arith.constant 0 : i32
    %dma_start3A_564 = tpu.memref_slice %arg4[%add3A_557, %dma_start3A_563] : memref<16384x1024xf32, #tpu.memory_space<hbm>> -> memref<24x1024xf32, #tpu.memory_space<hbm>>
    %dma_start3A_565 = arith.constant 0 : i32
    %dma_start3A_566 = tpu.memref_slice %arg4[%add3A_557, %dma_start3A_565] : memref<16384x1024xf32, #tpu.memory_space<hbm>> -> memref<24x1024xf32, #tpu.memory_space<hbm>>
    %dma_start3A_567 = arith.constant 0 : i32
    %dma_start3A_568 = arith.constant 0 : i32
    %dma_start3A_569 = tpu.memref_slice %arg6[%dma_start3A_558, %dma_start3A_567, %dma_start3A_568] : memref<4x24x1024xf32, #tpu.memory_space<vmem>> -> memref<1x24x1024xf32, #tpu.memory_space<vmem>>
    %dma_start3A_570 = tpu.memref_squeeze %dma_start3A_569 : memref<1x24x1024xf32, #tpu.memory_space<vmem>> -> memref<24x1024xf32, #tpu.memory_space<vmem>>
    tpu.enqueue_dma source(%dma_start3A_570 : memref<24x1024xf32, #tpu.memory_space<vmem>>) target(%dma_start3A_566 : memref<24x1024xf32, #tpu.memory_space<hbm>>) target_semaphore(%arg8 : memref<!tpu.dma_semaphore, #tpu.memory_space<semaphore_mem>>)
    %dma_wait3A_571 = arith.constant 2 : i32
    %dma_wait3A_572 = arith.constant 0 : i32
    %dma_wait3A_573 = arith.constant 0 : i32
    %dma_wait3A_574 = tpu.memref_slice %arg6[%dma_wait3A_571, %dma_wait3A_572, %dma_wait3A_573] : memref<4x24x1024xf32, #tpu.memory_space<vmem>> -> memref<1x24x1024xf32, #tpu.memory_space<vmem>>
    %dma_wait3A_575 = tpu.memref_squeeze %dma_wait3A_574 : memref<1x24x1024xf32, #tpu.memory_space<vmem>> -> memref<24x1024xf32, #tpu.memory_space<vmem>>
    %dma_wait3A_576 = arith.constant 0 : i32
    %dma_wait3A_577 = tpu.memref_slice %arg4[%add3A_509, %dma_wait3A_576] : memref<16384x1024xf32, #tpu.memory_space<hbm>> -> memref<24x1024xf32, #tpu.memory_space<hbm>>
    %dma_wait3A_578 = arith.constant 0 : i32
    %dma_wait3A_579 = tpu.memref_slice %arg4[%add3A_509, %dma_wait3A_578] : memref<16384x1024xf32, #tpu.memory_space<hbm>> -> memref<24x1024xf32, #tpu.memory_space<hbm>>
    %dma_wait3A_580 = arith.constant 0 : i32
    %dma_wait3A_581 = arith.constant 0 : i32
    %dma_wait3A_582 = tpu.memref_slice %arg6[%dma_wait3A_571, %dma_wait3A_580, %dma_wait3A_581] : memref<4x24x1024xf32, #tpu.memory_space<vmem>> -> memref<1x24x1024xf32, #tpu.memory_space<vmem>>
    %dma_wait3A_583 = tpu.memref_squeeze %dma_wait3A_582 : memref<1x24x1024xf32, #tpu.memory_space<vmem>> -> memref<24x1024xf32, #tpu.memory_space<vmem>>
    tpu.wait_dma2 semaphore(%arg8 : memref<!tpu.dma_semaphore, #tpu.memory_space<semaphore_mem>>) src(%dma_wait3A_583 : memref<24x1024xf32, #tpu.memory_space<vmem>>) dst(%dma_wait3A_579 : memref<24x1024xf32, #tpu.memory_space<hbm>>)
    %dma_start3A_584 = arith.constant 2 : i32
    %dma_start3A_585 = arith.constant 0 : i32
    %dma_start3A_586 = arith.constant 0 : i32
    %dma_start3A_587 = tpu.memref_slice %arg6[%dma_start3A_584, %dma_start3A_585, %dma_start3A_586] : memref<4x24x1024xf32, #tpu.memory_space<vmem>> -> memref<1x24x1024xf32, #tpu.memory_space<vmem>>
    %dma_start3A_588 = tpu.memref_squeeze %dma_start3A_587 : memref<1x24x1024xf32, #tpu.memory_space<vmem>> -> memref<24x1024xf32, #tpu.memory_space<vmem>>
    %dma_start3A_589 = arith.constant 336 : i32
    %dma_start3A_590 = tpu.memref_slice %arg5[%dma_start3A_589] : memref<512xi32, #tpu.memory_space<vmem>> -> memref<24xi32, #tpu.memory_space<vmem>>
    %dma_start3A_591 = arith.constant 0 : i32
    %dma_start3A_592 = arith.constant 0 : i32
    %dma_start3A_593 = tpu.memref_slice %arg2[%dma_start3A_591, %dma_start3A_592] : memref<1000x1024xf32, #tpu.memory_space<hbm>> -> memref<1000x1024xf32, #tpu.memory_space<hbm>>
    tpu.enqueue_indirect_dma source(%dma_start3A_593 : memref<1000x1024xf32, #tpu.memory_space<hbm>>) target(%dma_start3A_588 : memref<24x1024xf32, #tpu.memory_space<vmem>>) offsets(%dma_start3A_590 : memref<24xi32, #tpu.memory_space<vmem>>) semaphore(%arg7 : memref<!tpu.dma_semaphore, #tpu.memory_space<semaphore_mem>>)
    %dma_wait3A_594 = arith.constant 0 : i32
    %dma_wait3A_595 = arith.constant 0 : i32
    %dma_wait3A_596 = arith.constant 0 : i32
    %dma_wait3A_597 = tpu.memref_slice %arg6[%dma_wait3A_594, %dma_wait3A_595, %dma_wait3A_596] : memref<4x24x1024xf32, #tpu.memory_space<vmem>> -> memref<1x24x1024xf32, #tpu.memory_space<vmem>>
    %dma_wait3A_598 = tpu.memref_squeeze %dma_wait3A_597 : memref<1x24x1024xf32, #tpu.memory_space<vmem>> -> memref<24x1024xf32, #tpu.memory_space<vmem>>
    %dma_wait3A_599 = arith.constant 288 : i32
    %dma_wait3A_600 = tpu.memref_slice %arg5[%dma_wait3A_599] : memref<512xi32, #tpu.memory_space<vmem>> -> memref<24xi32, #tpu.memory_space<vmem>>
    %dma_wait3A_601 = arith.constant 0 : i32
    %dma_wait3A_602 = arith.constant 0 : i32
    %dma_wait3A_603 = tpu.memref_slice %arg2[%dma_wait3A_601, %dma_wait3A_602] : memref<1000x1024xf32, #tpu.memory_space<hbm>> -> memref<1000x1024xf32, #tpu.memory_space<hbm>>
    tpu.wait_indirect_dma semaphore(%arg7 : memref<!tpu.dma_semaphore, #tpu.memory_space<semaphore_mem>>) src(%dma_wait3A_603 : memref<1000x1024xf32, #tpu.memory_space<hbm>>) dst(%dma_wait3A_598 : memref<24x1024xf32, #tpu.memory_space<vmem>>)
    %add3A_604 = arith.constant 288 : i32
    %add3A_605 = arith.addi %mul3A_2, %add3A_604 : i32
    %dma_start3A_606 = arith.constant 0 : i32
    %dma_start3A_607 = arith.constant 0 : i32
    %dma_start3A_608 = arith.constant 0 : i32
    %dma_start3A_609 = tpu.memref_slice %arg6[%dma_start3A_606, %dma_start3A_607, %dma_start3A_608] : memref<4x24x1024xf32, #tpu.memory_space<vmem>> -> memref<1x24x1024xf32, #tpu.memory_space<vmem>>
    %dma_start3A_610 = tpu.memref_squeeze %dma_start3A_609 : memref<1x24x1024xf32, #tpu.memory_space<vmem>> -> memref<24x1024xf32, #tpu.memory_space<vmem>>
    %dma_start3A_611 = arith.constant 0 : i32
    %dma_start3A_612 = tpu.memref_slice %arg4[%add3A_605, %dma_start3A_611] : memref<16384x1024xf32, #tpu.memory_space<hbm>> -> memref<24x1024xf32, #tpu.memory_space<hbm>>
    %dma_start3A_613 = arith.constant 0 : i32
    %dma_start3A_614 = tpu.memref_slice %arg4[%add3A_605, %dma_start3A_613] : memref<16384x1024xf32, #tpu.memory_space<hbm>> -> memref<24x1024xf32, #tpu.memory_space<hbm>>
    %dma_start3A_615 = arith.constant 0 : i32
    %dma_start3A_616 = arith.constant 0 : i32
    %dma_start3A_617 = tpu.memref_slice %arg6[%dma_start3A_606, %dma_start3A_615, %dma_start3A_616] : memref<4x24x1024xf32, #tpu.memory_space<vmem>> -> memref<1x24x1024xf32, #tpu.memory_space<vmem>>
    %dma_start3A_618 = tpu.memref_squeeze %dma_start3A_617 : memref<1x24x1024xf32, #tpu.memory_space<vmem>> -> memref<24x1024xf32, #tpu.memory_space<vmem>>
    tpu.enqueue_dma source(%dma_start3A_618 : memref<24x1024xf32, #tpu.memory_space<vmem>>) target(%dma_start3A_614 : memref<24x1024xf32, #tpu.memory_space<hbm>>) target_semaphore(%arg8 : memref<!tpu.dma_semaphore, #tpu.memory_space<semaphore_mem>>)
    %dma_wait3A_619 = arith.constant 3 : i32
    %dma_wait3A_620 = arith.constant 0 : i32
    %dma_wait3A_621 = arith.constant 0 : i32
    %dma_wait3A_622 = tpu.memref_slice %arg6[%dma_wait3A_619, %dma_wait3A_620, %dma_wait3A_621] : memref<4x24x1024xf32, #tpu.memory_space<vmem>> -> memref<1x24x1024xf32, #tpu.memory_space<vmem>>
    %dma_wait3A_623 = tpu.memref_squeeze %dma_wait3A_622 : memref<1x24x1024xf32, #tpu.memory_space<vmem>> -> memref<24x1024xf32, #tpu.memory_space<vmem>>
    %dma_wait3A_624 = arith.constant 0 : i32
    %dma_wait3A_625 = tpu.memref_slice %arg4[%add3A_557, %dma_wait3A_624] : memref<16384x1024xf32, #tpu.memory_space<hbm>> -> memref<24x1024xf32, #tpu.memory_space<hbm>>
    %dma_wait3A_626 = arith.constant 0 : i32
    %dma_wait3A_627 = tpu.memref_slice %arg4[%add3A_557, %dma_wait3A_626] : memref<16384x1024xf32, #tpu.memory_space<hbm>> -> memref<24x1024xf32, #tpu.memory_space<hbm>>
    %dma_wait3A_628 = arith.constant 0 : i32
    %dma_wait3A_629 = arith.constant 0 : i32
    %dma_wait3A_630 = tpu.memref_slice %arg6[%dma_wait3A_619, %dma_wait3A_628, %dma_wait3A_629] : memref<4x24x1024xf32, #tpu.memory_space<vmem>> -> memref<1x24x1024xf32, #tpu.memory_space<vmem>>
    %dma_wait3A_631 = tpu.memref_squeeze %dma_wait3A_630 : memref<1x24x1024xf32, #tpu.memory_space<vmem>> -> memref<24x1024xf32, #tpu.memory_space<vmem>>
    tpu.wait_dma2 semaphore(%arg8 : memref<!tpu.dma_semaphore, #tpu.memory_space<semaphore_mem>>) src(%dma_wait3A_631 : memref<24x1024xf32, #tpu.memory_space<vmem>>) dst(%dma_wait3A_627 : memref<24x1024xf32, #tpu.memory_space<hbm>>)
    %dma_start3A_632 = arith.constant 3 : i32
    %dma_start3A_633 = arith.constant 0 : i32
    %dma_start3A_634 = arith.constant 0 : i32
    %dma_start3A_635 = tpu.memref_slice %arg6[%dma_start3A_632, %dma_start3A_633, %dma_start3A_634] : memref<4x24x1024xf32, #tpu.memory_space<vmem>> -> memref<1x24x1024xf32, #tpu.memory_space<vmem>>
    %dma_start3A_636 = tpu.memref_squeeze %dma_start3A_635 : memref<1x24x1024xf32, #tpu.memory_space<vmem>> -> memref<24x1024xf32, #tpu.memory_space<vmem>>
    %dma_start3A_637 = arith.constant 360 : i32
    %dma_start3A_638 = tpu.memref_slice %arg5[%dma_start3A_637] : memref<512xi32, #tpu.memory_space<vmem>> -> memref<24xi32, #tpu.memory_space<vmem>>
    %dma_start3A_639 = arith.constant 0 : i32
    %dma_start3A_640 = arith.constant 0 : i32
    %dma_start3A_641 = tpu.memref_slice %arg2[%dma_start3A_639, %dma_start3A_640] : memref<1000x1024xf32, #tpu.memory_space<hbm>> -> memref<1000x1024xf32, #tpu.memory_space<hbm>>
    tpu.enqueue_indirect_dma source(%dma_start3A_641 : memref<1000x1024xf32, #tpu.memory_space<hbm>>) target(%dma_start3A_636 : memref<24x1024xf32, #tpu.memory_space<vmem>>) offsets(%dma_start3A_638 : memref<24xi32, #tpu.memory_space<vmem>>) semaphore(%arg7 : memref<!tpu.dma_semaphore, #tpu.memory_space<semaphore_mem>>)
    %dma_wait3A_642 = arith.constant 1 : i32
    %dma_wait3A_643 = arith.constant 0 : i32
    %dma_wait3A_644 = arith.constant 0 : i32
    %dma_wait3A_645 = tpu.memref_slice %arg6[%dma_wait3A_642, %dma_wait3A_643, %dma_wait3A_644] : memref<4x24x1024xf32, #tpu.memory_space<vmem>> -> memref<1x24x1024xf32, #tpu.memory_space<vmem>>
    %dma_wait3A_646 = tpu.memref_squeeze %dma_wait3A_645 : memref<1x24x1024xf32, #tpu.memory_space<vmem>> -> memref<24x1024xf32, #tpu.memory_space<vmem>>
    %dma_wait3A_647 = arith.constant 312 : i32
    %dma_wait3A_648 = tpu.memref_slice %arg5[%dma_wait3A_647] : memref<512xi32, #tpu.memory_space<vmem>> -> memref<24xi32, #tpu.memory_space<vmem>>
    %dma_wait3A_649 = arith.constant 0 : i32
    %dma_wait3A_650 = arith.constant 0 : i32
    %dma_wait3A_651 = tpu.memref_slice %arg2[%dma_wait3A_649, %dma_wait3A_650] : memref<1000x1024xf32, #tpu.memory_space<hbm>> -> memref<1000x1024xf32, #tpu.memory_space<hbm>>
    tpu.wait_indirect_dma semaphore(%arg7 : memref<!tpu.dma_semaphore, #tpu.memory_space<semaphore_mem>>) src(%dma_wait3A_651 : memref<1000x1024xf32, #tpu.memory_space<hbm>>) dst(%dma_wait3A_646 : memref<24x1024xf32, #tpu.memory_space<vmem>>)
    %add3A_652 = arith.constant 312 : i32
    %add3A_653 = arith.addi %mul3A_2, %add3A_652 : i32
    %dma_start3A_654 = arith.constant 1 : i32
    %dma_start3A_655 = arith.constant 0 : i32
    %dma_start3A_656 = arith.constant 0 : i32
    %dma_start3A_657 = tpu.memref_slice %arg6[%dma_start3A_654, %dma_start3A_655, %dma_start3A_656] : memref<4x24x1024xf32, #tpu.memory_space<vmem>> -> memref<1x24x1024xf32, #tpu.memory_space<vmem>>
    %dma_start3A_658 = tpu.memref_squeeze %dma_start3A_657 : memref<1x24x1024xf32, #tpu.memory_space<vmem>> -> memref<24x1024xf32, #tpu.memory_space<vmem>>
    %dma_start3A_659 = arith.constant 0 : i32
    %dma_start3A_660 = tpu.memref_slice %arg4[%add3A_653, %dma_start3A_659] : memref<16384x1024xf32, #tpu.memory_space<hbm>> -> memref<24x1024xf32, #tpu.memory_space<hbm>>
    %dma_start3A_661 = arith.constant 0 : i32
    %dma_start3A_662 = tpu.memref_slice %arg4[%add3A_653, %dma_start3A_661] : memref<16384x1024xf32, #tpu.memory_space<hbm>> -> memref<24x1024xf32, #tpu.memory_space<hbm>>
    %dma_start3A_663 = arith.constant 0 : i32
    %dma_start3A_664 = arith.constant 0 : i32
    %dma_start3A_665 = tpu.memref_slice %arg6[%dma_start3A_654, %dma_start3A_663, %dma_start3A_664] : memref<4x24x1024xf32, #tpu.memory_space<vmem>> -> memref<1x24x1024xf32, #tpu.memory_space<vmem>>
    %dma_start3A_666 = tpu.memref_squeeze %dma_start3A_665 : memref<1x24x1024xf32, #tpu.memory_space<vmem>> -> memref<24x1024xf32, #tpu.memory_space<vmem>>
    tpu.enqueue_dma source(%dma_start3A_666 : memref<24x1024xf32, #tpu.memory_space<vmem>>) target(%dma_start3A_662 : memref<24x1024xf32, #tpu.memory_space<hbm>>) target_semaphore(%arg8 : memref<!tpu.dma_semaphore, #tpu.memory_space<semaphore_mem>>)
    %dma_wait3A_667 = arith.constant 0 : i32
    %dma_wait3A_668 = arith.constant 0 : i32
    %dma_wait3A_669 = arith.constant 0 : i32
    %dma_wait3A_670 = tpu.memref_slice %arg6[%dma_wait3A_667, %dma_wait3A_668, %dma_wait3A_669] : memref<4x24x1024xf32, #tpu.memory_space<vmem>> -> memref<1x24x1024xf32, #tpu.memory_space<vmem>>
    %dma_wait3A_671 = tpu.memref_squeeze %dma_wait3A_670 : memref<1x24x1024xf32, #tpu.memory_space<vmem>> -> memref<24x1024xf32, #tpu.memory_space<vmem>>
    %dma_wait3A_672 = arith.constant 0 : i32
    %dma_wait3A_673 = tpu.memref_slice %arg4[%add3A_605, %dma_wait3A_672] : memref<16384x1024xf32, #tpu.memory_space<hbm>> -> memref<24x1024xf32, #tpu.memory_space<hbm>>
    %dma_wait3A_674 = arith.constant 0 : i32
    %dma_wait3A_675 = tpu.memref_slice %arg4[%add3A_605, %dma_wait3A_674] : memref<16384x1024xf32, #tpu.memory_space<hbm>> -> memref<24x1024xf32, #tpu.memory_space<hbm>>
    %dma_wait3A_676 = arith.constant 0 : i32
    %dma_wait3A_677 = arith.constant 0 : i32
    %dma_wait3A_678 = tpu.memref_slice %arg6[%dma_wait3A_667, %dma_wait3A_676, %dma_wait3A_677] : memref<4x24x1024xf32, #tpu.memory_space<vmem>> -> memref<1x24x1024xf32, #tpu.memory_space<vmem>>
    %dma_wait3A_679 = tpu.memref_squeeze %dma_wait3A_678 : memref<1x24x1024xf32, #tpu.memory_space<vmem>> -> memref<24x1024xf32, #tpu.memory_space<vmem>>
    tpu.wait_dma2 semaphore(%arg8 : memref<!tpu.dma_semaphore, #tpu.memory_space<semaphore_mem>>) src(%dma_wait3A_679 : memref<24x1024xf32, #tpu.memory_space<vmem>>) dst(%dma_wait3A_675 : memref<24x1024xf32, #tpu.memory_space<hbm>>)
    %dma_start3A_680 = arith.constant 0 : i32
    %dma_start3A_681 = arith.constant 0 : i32
    %dma_start3A_682 = arith.constant 0 : i32
    %dma_start3A_683 = tpu.memref_slice %arg6[%dma_start3A_680, %dma_start3A_681, %dma_start3A_682] : memref<4x24x1024xf32, #tpu.memory_space<vmem>> -> memref<1x24x1024xf32, #tpu.memory_space<vmem>>
    %dma_start3A_684 = tpu.memref_squeeze %dma_start3A_683 : memref<1x24x1024xf32, #tpu.memory_space<vmem>> -> memref<24x1024xf32, #tpu.memory_space<vmem>>
    %dma_start3A_685 = arith.constant 384 : i32
    %dma_start3A_686 = tpu.memref_slice %arg5[%dma_start3A_685] : memref<512xi32, #tpu.memory_space<vmem>> -> memref<24xi32, #tpu.memory_space<vmem>>
    %dma_start3A_687 = arith.constant 0 : i32
    %dma_start3A_688 = arith.constant 0 : i32
    %dma_start3A_689 = tpu.memref_slice %arg2[%dma_start3A_687, %dma_start3A_688] : memref<1000x1024xf32, #tpu.memory_space<hbm>> -> memref<1000x1024xf32, #tpu.memory_space<hbm>>
    tpu.enqueue_indirect_dma source(%dma_start3A_689 : memref<1000x1024xf32, #tpu.memory_space<hbm>>) target(%dma_start3A_684 : memref<24x1024xf32, #tpu.memory_space<vmem>>) offsets(%dma_start3A_686 : memref<24xi32, #tpu.memory_space<vmem>>) semaphore(%arg7 : memref<!tpu.dma_semaphore, #tpu.memory_space<semaphore_mem>>)
    %dma_wait3A_690 = arith.constant 2 : i32
    %dma_wait3A_691 = arith.constant 0 : i32
    %dma_wait3A_692 = arith.constant 0 : i32
    %dma_wait3A_693 = tpu.memref_slice %arg6[%dma_wait3A_690, %dma_wait3A_691, %dma_wait3A_692] : memref<4x24x1024xf32, #tpu.memory_space<vmem>> -> memref<1x24x1024xf32, #tpu.memory_space<vmem>>
    %dma_wait3A_694 = tpu.memref_squeeze %dma_wait3A_693 : memref<1x24x1024xf32, #tpu.memory_space<vmem>> -> memref<24x1024xf32, #tpu.memory_space<vmem>>
    %dma_wait3A_695 = arith.constant 336 : i32
    %dma_wait3A_696 = tpu.memref_slice %arg5[%dma_wait3A_695] : memref<512xi32, #tpu.memory_space<vmem>> -> memref<24xi32, #tpu.memory_space<vmem>>
    %dma_wait3A_697 = arith.constant 0 : i32
    %dma_wait3A_698 = arith.constant 0 : i32
    %dma_wait3A_699 = tpu.memref_slice %arg2[%dma_wait3A_697, %dma_wait3A_698] : memref<1000x1024xf32, #tpu.memory_space<hbm>> -> memref<1000x1024xf32, #tpu.memory_space<hbm>>
    tpu.wait_indirect_dma semaphore(%arg7 : memref<!tpu.dma_semaphore, #tpu.memory_space<semaphore_mem>>) src(%dma_wait3A_699 : memref<1000x1024xf32, #tpu.memory_space<hbm>>) dst(%dma_wait3A_694 : memref<24x1024xf32, #tpu.memory_space<vmem>>)
    %add3A_700 = arith.constant 336 : i32
    %add3A_701 = arith.addi %mul3A_2, %add3A_700 : i32
    %dma_start3A_702 = arith.constant 2 : i32
    %dma_start3A_703 = arith.constant 0 : i32
    %dma_start3A_704 = arith.constant 0 : i32
    %dma_start3A_705 = tpu.memref_slice %arg6[%dma_start3A_702, %dma_start3A_703, %dma_start3A_704] : memref<4x24x1024xf32, #tpu.memory_space<vmem>> -> memref<1x24x1024xf32, #tpu.memory_space<vmem>>
    %dma_start3A_706 = tpu.memref_squeeze %dma_start3A_705 : memref<1x24x1024xf32, #tpu.memory_space<vmem>> -> memref<24x1024xf32, #tpu.memory_space<vmem>>
    %dma_start3A_707 = arith.constant 0 : i32
    %dma_start3A_708 = tpu.memref_slice %arg4[%add3A_701, %dma_start3A_707] : memref<16384x1024xf32, #tpu.memory_space<hbm>> -> memref<24x1024xf32, #tpu.memory_space<hbm>>
    %dma_start3A_709 = arith.constant 0 : i32
    %dma_start3A_710 = tpu.memref_slice %arg4[%add3A_701, %dma_start3A_709] : memref<16384x1024xf32, #tpu.memory_space<hbm>> -> memref<24x1024xf32, #tpu.memory_space<hbm>>
    %dma_start3A_711 = arith.constant 0 : i32
    %dma_start3A_712 = arith.constant 0 : i32
    %dma_start3A_713 = tpu.memref_slice %arg6[%dma_start3A_702, %dma_start3A_711, %dma_start3A_712] : memref<4x24x1024xf32, #tpu.memory_space<vmem>> -> memref<1x24x1024xf32, #tpu.memory_space<vmem>>
    %dma_start3A_714 = tpu.memref_squeeze %dma_start3A_713 : memref<1x24x1024xf32, #tpu.memory_space<vmem>> -> memref<24x1024xf32, #tpu.memory_space<vmem>>
    tpu.enqueue_dma source(%dma_start3A_714 : memref<24x1024xf32, #tpu.memory_space<vmem>>) target(%dma_start3A_710 : memref<24x1024xf32, #tpu.memory_space<hbm>>) target_semaphore(%arg8 : memref<!tpu.dma_semaphore, #tpu.memory_space<semaphore_mem>>)
    %dma_wait3A_715 = arith.constant 1 : i32
    %dma_wait3A_716 = arith.constant 0 : i32
    %dma_wait3A_717 = arith.constant 0 : i32
    %dma_wait3A_718 = tpu.memref_slice %arg6[%dma_wait3A_715, %dma_wait3A_716, %dma_wait3A_717] : memref<4x24x1024xf32, #tpu.memory_space<vmem>> -> memref<1x24x1024xf32, #tpu.memory_space<vmem>>
    %dma_wait3A_719 = tpu.memref_squeeze %dma_wait3A_718 : memref<1x24x1024xf32, #tpu.memory_space<vmem>> -> memref<24x1024xf32, #tpu.memory_space<vmem>>
    %dma_wait3A_720 = arith.constant 0 : i32
    %dma_wait3A_721 = tpu.memref_slice %arg4[%add3A_653, %dma_wait3A_720] : memref<16384x1024xf32, #tpu.memory_space<hbm>> -> memref<24x1024xf32, #tpu.memory_space<hbm>>
    %dma_wait3A_722 = arith.constant 0 : i32
    %dma_wait3A_723 = tpu.memref_slice %arg4[%add3A_653, %dma_wait3A_722] : memref<16384x1024xf32, #tpu.memory_space<hbm>> -> memref<24x1024xf32, #tpu.memory_space<hbm>>
    %dma_wait3A_724 = arith.constant 0 : i32
    %dma_wait3A_725 = arith.constant 0 : i32
    %dma_wait3A_726 = tpu.memref_slice %arg6[%dma_wait3A_715, %dma_wait3A_724, %dma_wait3A_725] : memref<4x24x1024xf32, #tpu.memory_space<vmem>> -> memref<1x24x1024xf32, #tpu.memory_space<vmem>>
    %dma_wait3A_727 = tpu.memref_squeeze %dma_wait3A_726 : memref<1x24x1024xf32, #tpu.memory_space<vmem>> -> memref<24x1024xf32, #tpu.memory_space<vmem>>
    tpu.wait_dma2 semaphore(%arg8 : memref<!tpu.dma_semaphore, #tpu.memory_space<semaphore_mem>>) src(%dma_wait3A_727 : memref<24x1024xf32, #tpu.memory_space<vmem>>) dst(%dma_wait3A_723 : memref<24x1024xf32, #tpu.memory_space<hbm>>)
    %dma_start3A_728 = arith.constant 1 : i32
    %dma_start3A_729 = arith.constant 0 : i32
    %dma_start3A_730 = arith.constant 0 : i32
    %dma_start3A_731 = tpu.memref_slice %arg6[%dma_start3A_728, %dma_start3A_729, %dma_start3A_730] : memref<4x24x1024xf32, #tpu.memory_space<vmem>> -> memref<1x24x1024xf32, #tpu.memory_space<vmem>>
    %dma_start3A_732 = tpu.memref_squeeze %dma_start3A_731 : memref<1x24x1024xf32, #tpu.memory_space<vmem>> -> memref<24x1024xf32, #tpu.memory_space<vmem>>
    %dma_start3A_733 = arith.constant 408 : i32
    %dma_start3A_734 = tpu.memref_slice %arg5[%dma_start3A_733] : memref<512xi32, #tpu.memory_space<vmem>> -> memref<24xi32, #tpu.memory_space<vmem>>
    %dma_start3A_735 = arith.constant 0 : i32
    %dma_start3A_736 = arith.constant 0 : i32
    %dma_start3A_737 = tpu.memref_slice %arg2[%dma_start3A_735, %dma_start3A_736] : memref<1000x1024xf32, #tpu.memory_space<hbm>> -> memref<1000x1024xf32, #tpu.memory_space<hbm>>
    tpu.enqueue_indirect_dma source(%dma_start3A_737 : memref<1000x1024xf32, #tpu.memory_space<hbm>>) target(%dma_start3A_732 : memref<24x1024xf32, #tpu.memory_space<vmem>>) offsets(%dma_start3A_734 : memref<24xi32, #tpu.memory_space<vmem>>) semaphore(%arg7 : memref<!tpu.dma_semaphore, #tpu.memory_space<semaphore_mem>>)
    %dma_wait3A_738 = arith.constant 3 : i32
    %dma_wait3A_739 = arith.constant 0 : i32
    %dma_wait3A_740 = arith.constant 0 : i32
    %dma_wait3A_741 = tpu.memref_slice %arg6[%dma_wait3A_738, %dma_wait3A_739, %dma_wait3A_740] : memref<4x24x1024xf32, #tpu.memory_space<vmem>> -> memref<1x24x1024xf32, #tpu.memory_space<vmem>>
    %dma_wait3A_742 = tpu.memref_squeeze %dma_wait3A_741 : memref<1x24x1024xf32, #tpu.memory_space<vmem>> -> memref<24x1024xf32, #tpu.memory_space<vmem>>
    %dma_wait3A_743 = arith.constant 360 : i32
    %dma_wait3A_744 = tpu.memref_slice %arg5[%dma_wait3A_743] : memref<512xi32, #tpu.memory_space<vmem>> -> memref<24xi32, #tpu.memory_space<vmem>>
    %dma_wait3A_745 = arith.constant 0 : i32
    %dma_wait3A_746 = arith.constant 0 : i32
    %dma_wait3A_747 = tpu.memref_slice %arg2[%dma_wait3A_745, %dma_wait3A_746] : memref<1000x1024xf32, #tpu.memory_space<hbm>> -> memref<1000x1024xf32, #tpu.memory_space<hbm>>
    tpu.wait_indirect_dma semaphore(%arg7 : memref<!tpu.dma_semaphore, #tpu.memory_space<semaphore_mem>>) src(%dma_wait3A_747 : memref<1000x1024xf32, #tpu.memory_space<hbm>>) dst(%dma_wait3A_742 : memref<24x1024xf32, #tpu.memory_space<vmem>>)
    %add3A_748 = arith.constant 360 : i32
    %add3A_749 = arith.addi %mul3A_2, %add3A_748 : i32
    %dma_start3A_750 = arith.constant 3 : i32
    %dma_start3A_751 = arith.constant 0 : i32
    %dma_start3A_752 = arith.constant 0 : i32
    %dma_start3A_753 = tpu.memref_slice %arg6[%dma_start3A_750, %dma_start3A_751, %dma_start3A_752] : memref<4x24x1024xf32, #tpu.memory_space<vmem>> -> memref<1x24x1024xf32, #tpu.memory_space<vmem>>
    %dma_start3A_754 = tpu.memref_squeeze %dma_start3A_753 : memref<1x24x1024xf32, #tpu.memory_space<vmem>> -> memref<24x1024xf32, #tpu.memory_space<vmem>>
    %dma_start3A_755 = arith.constant 0 : i32
    %dma_start3A_756 = tpu.memref_slice %arg4[%add3A_749, %dma_start3A_755] : memref<16384x1024xf32, #tpu.memory_space<hbm>> -> memref<24x1024xf32, #tpu.memory_space<hbm>>
    %dma_start3A_757 = arith.constant 0 : i32
    %dma_start3A_758 = tpu.memref_slice %arg4[%add3A_749, %dma_start3A_757] : memref<16384x1024xf32, #tpu.memory_space<hbm>> -> memref<24x1024xf32, #tpu.memory_space<hbm>>
    %dma_start3A_759 = arith.constant 0 : i32
    %dma_start3A_760 = arith.constant 0 : i32
    %dma_start3A_761 = tpu.memref_slice %arg6[%dma_start3A_750, %dma_start3A_759, %dma_start3A_760] : memref<4x24x1024xf32, #tpu.memory_space<vmem>> -> memref<1x24x1024xf32, #tpu.memory_space<vmem>>
    %dma_start3A_762 = tpu.memref_squeeze %dma_start3A_761 : memref<1x24x1024xf32, #tpu.memory_space<vmem>> -> memref<24x1024xf32, #tpu.memory_space<vmem>>
    tpu.enqueue_dma source(%dma_start3A_762 : memref<24x1024xf32, #tpu.memory_space<vmem>>) target(%dma_start3A_758 : memref<24x1024xf32, #tpu.memory_space<hbm>>) target_semaphore(%arg8 : memref<!tpu.dma_semaphore, #tpu.memory_space<semaphore_mem>>)
    %dma_wait3A_763 = arith.constant 2 : i32
    %dma_wait3A_764 = arith.constant 0 : i32
    %dma_wait3A_765 = arith.constant 0 : i32
    %dma_wait3A_766 = tpu.memref_slice %arg6[%dma_wait3A_763, %dma_wait3A_764, %dma_wait3A_765] : memref<4x24x1024xf32, #tpu.memory_space<vmem>> -> memref<1x24x1024xf32, #tpu.memory_space<vmem>>
    %dma_wait3A_767 = tpu.memref_squeeze %dma_wait3A_766 : memref<1x24x1024xf32, #tpu.memory_space<vmem>> -> memref<24x1024xf32, #tpu.memory_space<vmem>>
    %dma_wait3A_768 = arith.constant 0 : i32
    %dma_wait3A_769 = tpu.memref_slice %arg4[%add3A_701, %dma_wait3A_768] : memref<16384x1024xf32, #tpu.memory_space<hbm>> -> memref<24x1024xf32, #tpu.memory_space<hbm>>
    %dma_wait3A_770 = arith.constant 0 : i32
    %dma_wait3A_771 = tpu.memref_slice %arg4[%add3A_701, %dma_wait3A_770] : memref<16384x1024xf32, #tpu.memory_space<hbm>> -> memref<24x1024xf32, #tpu.memory_space<hbm>>
    %dma_wait3A_772 = arith.constant 0 : i32
    %dma_wait3A_773 = arith.constant 0 : i32
    %dma_wait3A_774 = tpu.memref_slice %arg6[%dma_wait3A_763, %dma_wait3A_772, %dma_wait3A_773] : memref<4x24x1024xf32, #tpu.memory_space<vmem>> -> memref<1x24x1024xf32, #tpu.memory_space<vmem>>
    %dma_wait3A_775 = tpu.memref_squeeze %dma_wait3A_774 : memref<1x24x1024xf32, #tpu.memory_space<vmem>> -> memref<24x1024xf32, #tpu.memory_space<vmem>>
    tpu.wait_dma2 semaphore(%arg8 : memref<!tpu.dma_semaphore, #tpu.memory_space<semaphore_mem>>) src(%dma_wait3A_775 : memref<24x1024xf32, #tpu.memory_space<vmem>>) dst(%dma_wait3A_771 : memref<24x1024xf32, #tpu.memory_space<hbm>>)
    %dma_start3A_776 = arith.constant 2 : i32
    %dma_start3A_777 = arith.constant 0 : i32
    %dma_start3A_778 = arith.constant 0 : i32
    %dma_start3A_779 = tpu.memref_slice %arg6[%dma_start3A_776, %dma_start3A_777, %dma_start3A_778] : memref<4x24x1024xf32, #tpu.memory_space<vmem>> -> memref<1x24x1024xf32, #tpu.memory_space<vmem>>
    %dma_start3A_780 = tpu.memref_squeeze %dma_start3A_779 : memref<1x24x1024xf32, #tpu.memory_space<vmem>> -> memref<24x1024xf32, #tpu.memory_space<vmem>>
    %dma_start3A_781 = arith.constant 432 : i32
    %dma_start3A_782 = tpu.memref_slice %arg5[%dma_start3A_781] : memref<512xi32, #tpu.memory_space<vmem>> -> memref<24xi32, #tpu.memory_space<vmem>>
    %dma_start3A_783 = arith.constant 0 : i32
    %dma_start3A_784 = arith.constant 0 : i32
    %dma_start3A_785 = tpu.memref_slice %arg2[%dma_start3A_783, %dma_start3A_784] : memref<1000x1024xf32, #tpu.memory_space<hbm>> -> memref<1000x1024xf32, #tpu.memory_space<hbm>>
    tpu.enqueue_indirect_dma source(%dma_start3A_785 : memref<1000x1024xf32, #tpu.memory_space<hbm>>) target(%dma_start3A_780 : memref<24x1024xf32, #tpu.memory_space<vmem>>) offsets(%dma_start3A_782 : memref<24xi32, #tpu.memory_space<vmem>>) semaphore(%arg7 : memref<!tpu.dma_semaphore, #tpu.memory_space<semaphore_mem>>)
    %dma_wait3A_786 = arith.constant 0 : i32
    %dma_wait3A_787 = arith.constant 0 : i32
    %dma_wait3A_788 = arith.constant 0 : i32
    %dma_wait3A_789 = tpu.memref_slice %arg6[%dma_wait3A_786, %dma_wait3A_787, %dma_wait3A_788] : memref<4x24x1024xf32, #tpu.memory_space<vmem>> -> memref<1x24x1024xf32, #tpu.memory_space<vmem>>
    %dma_wait3A_790 = tpu.memref_squeeze %dma_wait3A_789 : memref<1x24x1024xf32, #tpu.memory_space<vmem>> -> memref<24x1024xf32, #tpu.memory_space<vmem>>
    %dma_wait3A_791 = arith.constant 384 : i32
    %dma_wait3A_792 = tpu.memref_slice %arg5[%dma_wait3A_791] : memref<512xi32, #tpu.memory_space<vmem>> -> memref<24xi32, #tpu.memory_space<vmem>>
    %dma_wait3A_793 = arith.constant 0 : i32
    %dma_wait3A_794 = arith.constant 0 : i32
    %dma_wait3A_795 = tpu.memref_slice %arg2[%dma_wait3A_793, %dma_wait3A_794] : memref<1000x1024xf32, #tpu.memory_space<hbm>> -> memref<1000x1024xf32, #tpu.memory_space<hbm>>
    tpu.wait_indirect_dma semaphore(%arg7 : memref<!tpu.dma_semaphore, #tpu.memory_space<semaphore_mem>>) src(%dma_wait3A_795 : memref<1000x1024xf32, #tpu.memory_space<hbm>>) dst(%dma_wait3A_790 : memref<24x1024xf32, #tpu.memory_space<vmem>>)
    %add3A_796 = arith.constant 384 : i32
    %add3A_797 = arith.addi %mul3A_2, %add3A_796 : i32
    %dma_start3A_798 = arith.constant 0 : i32
    %dma_start3A_799 = arith.constant 0 : i32
    %dma_start3A_800 = arith.constant 0 : i32
    %dma_start3A_801 = tpu.memref_slice %arg6[%dma_start3A_798, %dma_start3A_799, %dma_start3A_800] : memref<4x24x1024xf32, #tpu.memory_space<vmem>> -> memref<1x24x1024xf32, #tpu.memory_space<vmem>>
    %dma_start3A_802 = tpu.memref_squeeze %dma_start3A_801 : memref<1x24x1024xf32, #tpu.memory_space<vmem>> -> memref<24x1024xf32, #tpu.memory_space<vmem>>
    %dma_start3A_803 = arith.constant 0 : i32
    %dma_start3A_804 = tpu.memref_slice %arg4[%add3A_797, %dma_start3A_803] : memref<16384x1024xf32, #tpu.memory_space<hbm>> -> memref<24x1024xf32, #tpu.memory_space<hbm>>
    %dma_start3A_805 = arith.constant 0 : i32
    %dma_start3A_806 = tpu.memref_slice %arg4[%add3A_797, %dma_start3A_805] : memref<16384x1024xf32, #tpu.memory_space<hbm>> -> memref<24x1024xf32, #tpu.memory_space<hbm>>
    %dma_start3A_807 = arith.constant 0 : i32
    %dma_start3A_808 = arith.constant 0 : i32
    %dma_start3A_809 = tpu.memref_slice %arg6[%dma_start3A_798, %dma_start3A_807, %dma_start3A_808] : memref<4x24x1024xf32, #tpu.memory_space<vmem>> -> memref<1x24x1024xf32, #tpu.memory_space<vmem>>
    %dma_start3A_810 = tpu.memref_squeeze %dma_start3A_809 : memref<1x24x1024xf32, #tpu.memory_space<vmem>> -> memref<24x1024xf32, #tpu.memory_space<vmem>>
    tpu.enqueue_dma source(%dma_start3A_810 : memref<24x1024xf32, #tpu.memory_space<vmem>>) target(%dma_start3A_806 : memref<24x1024xf32, #tpu.memory_space<hbm>>) target_semaphore(%arg8 : memref<!tpu.dma_semaphore, #tpu.memory_space<semaphore_mem>>)
    %dma_wait3A_811 = arith.constant 3 : i32
    %dma_wait3A_812 = arith.constant 0 : i32
    %dma_wait3A_813 = arith.constant 0 : i32
    %dma_wait3A_814 = tpu.memref_slice %arg6[%dma_wait3A_811, %dma_wait3A_812, %dma_wait3A_813] : memref<4x24x1024xf32, #tpu.memory_space<vmem>> -> memref<1x24x1024xf32, #tpu.memory_space<vmem>>
    %dma_wait3A_815 = tpu.memref_squeeze %dma_wait3A_814 : memref<1x24x1024xf32, #tpu.memory_space<vmem>> -> memref<24x1024xf32, #tpu.memory_space<vmem>>
    %dma_wait3A_816 = arith.constant 0 : i32
    %dma_wait3A_817 = tpu.memref_slice %arg4[%add3A_749, %dma_wait3A_816] : memref<16384x1024xf32, #tpu.memory_space<hbm>> -> memref<24x1024xf32, #tpu.memory_space<hbm>>
    %dma_wait3A_818 = arith.constant 0 : i32
    %dma_wait3A_819 = tpu.memref_slice %arg4[%add3A_749, %dma_wait3A_818] : memref<16384x1024xf32, #tpu.memory_space<hbm>> -> memref<24x1024xf32, #tpu.memory_space<hbm>>
    %dma_wait3A_820 = arith.constant 0 : i32
    %dma_wait3A_821 = arith.constant 0 : i32
    %dma_wait3A_822 = tpu.memref_slice %arg6[%dma_wait3A_811, %dma_wait3A_820, %dma_wait3A_821] : memref<4x24x1024xf32, #tpu.memory_space<vmem>> -> memref<1x24x1024xf32, #tpu.memory_space<vmem>>
    %dma_wait3A_823 = tpu.memref_squeeze %dma_wait3A_822 : memref<1x24x1024xf32, #tpu.memory_space<vmem>> -> memref<24x1024xf32, #tpu.memory_space<vmem>>
    tpu.wait_dma2 semaphore(%arg8 : memref<!tpu.dma_semaphore, #tpu.memory_space<semaphore_mem>>) src(%dma_wait3A_823 : memref<24x1024xf32, #tpu.memory_space<vmem>>) dst(%dma_wait3A_819 : memref<24x1024xf32, #tpu.memory_space<hbm>>)
    %dma_start3A_824 = arith.constant 3 : i32
    %dma_start3A_825 = arith.constant 0 : i32
    %dma_start3A_826 = arith.constant 0 : i32
    %dma_start3A_827 = tpu.memref_slice %arg6[%dma_start3A_824, %dma_start3A_825, %dma_start3A_826] : memref<4x24x1024xf32, #tpu.memory_space<vmem>> -> memref<1x24x1024xf32, #tpu.memory_space<vmem>>
    %dma_start3A_828 = tpu.memref_squeeze %dma_start3A_827 : memref<1x24x1024xf32, #tpu.memory_space<vmem>> -> memref<24x1024xf32, #tpu.memory_space<vmem>>
    %dma_start3A_829 = arith.constant 456 : i32
    %dma_start3A_830 = tpu.memref_slice %arg5[%dma_start3A_829] : memref<512xi32, #tpu.memory_space<vmem>> -> memref<24xi32, #tpu.memory_space<vmem>>
    %dma_start3A_831 = arith.constant 0 : i32
    %dma_start3A_832 = arith.constant 0 : i32
    %dma_start3A_833 = tpu.memref_slice %arg2[%dma_start3A_831, %dma_start3A_832] : memref<1000x1024xf32, #tpu.memory_space<hbm>> -> memref<1000x1024xf32, #tpu.memory_space<hbm>>
    tpu.enqueue_indirect_dma source(%dma_start3A_833 : memref<1000x1024xf32, #tpu.memory_space<hbm>>) target(%dma_start3A_828 : memref<24x1024xf32, #tpu.memory_space<vmem>>) offsets(%dma_start3A_830 : memref<24xi32, #tpu.memory_space<vmem>>) semaphore(%arg7 : memref<!tpu.dma_semaphore, #tpu.memory_space<semaphore_mem>>)
    %dma_wait3A_834 = arith.constant 1 : i32
    %dma_wait3A_835 = arith.constant 0 : i32
    %dma_wait3A_836 = arith.constant 0 : i32
    %dma_wait3A_837 = tpu.memref_slice %arg6[%dma_wait3A_834, %dma_wait3A_835, %dma_wait3A_836] : memref<4x24x1024xf32, #tpu.memory_space<vmem>> -> memref<1x24x1024xf32, #tpu.memory_space<vmem>>
    %dma_wait3A_838 = tpu.memref_squeeze %dma_wait3A_837 : memref<1x24x1024xf32, #tpu.memory_space<vmem>> -> memref<24x1024xf32, #tpu.memory_space<vmem>>
    %dma_wait3A_839 = arith.constant 408 : i32
    %dma_wait3A_840 = tpu.memref_slice %arg5[%dma_wait3A_839] : memref<512xi32, #tpu.memory_space<vmem>> -> memref<24xi32, #tpu.memory_space<vmem>>
    %dma_wait3A_841 = arith.constant 0 : i32
    %dma_wait3A_842 = arith.constant 0 : i32
    %dma_wait3A_843 = tpu.memref_slice %arg2[%dma_wait3A_841, %dma_wait3A_842] : memref<1000x1024xf32, #tpu.memory_space<hbm>> -> memref<1000x1024xf32, #tpu.memory_space<hbm>>
    tpu.wait_indirect_dma semaphore(%arg7 : memref<!tpu.dma_semaphore, #tpu.memory_space<semaphore_mem>>) src(%dma_wait3A_843 : memref<1000x1024xf32, #tpu.memory_space<hbm>>) dst(%dma_wait3A_838 : memref<24x1024xf32, #tpu.memory_space<vmem>>)
    %add3A_844 = arith.constant 408 : i32
    %add3A_845 = arith.addi %mul3A_2, %add3A_844 : i32
    %dma_start3A_846 = arith.constant 1 : i32
    %dma_start3A_847 = arith.constant 0 : i32
    %dma_start3A_848 = arith.constant 0 : i32
    %dma_start3A_849 = tpu.memref_slice %arg6[%dma_start3A_846, %dma_start3A_847, %dma_start3A_848] : memref<4x24x1024xf32, #tpu.memory_space<vmem>> -> memref<1x24x1024xf32, #tpu.memory_space<vmem>>
    %dma_start3A_850 = tpu.memref_squeeze %dma_start3A_849 : memref<1x24x1024xf32, #tpu.memory_space<vmem>> -> memref<24x1024xf32, #tpu.memory_space<vmem>>
    %dma_start3A_851 = arith.constant 0 : i32
    %dma_start3A_852 = tpu.memref_slice %arg4[%add3A_845, %dma_start3A_851] : memref<16384x1024xf32, #tpu.memory_space<hbm>> -> memref<24x1024xf32, #tpu.memory_space<hbm>>
    %dma_start3A_853 = arith.constant 0 : i32
    %dma_start3A_854 = tpu.memref_slice %arg4[%add3A_845, %dma_start3A_853] : memref<16384x1024xf32, #tpu.memory_space<hbm>> -> memref<24x1024xf32, #tpu.memory_space<hbm>>
    %dma_start3A_855 = arith.constant 0 : i32
    %dma_start3A_856 = arith.constant 0 : i32
    %dma_start3A_857 = tpu.memref_slice %arg6[%dma_start3A_846, %dma_start3A_855, %dma_start3A_856] : memref<4x24x1024xf32, #tpu.memory_space<vmem>> -> memref<1x24x1024xf32, #tpu.memory_space<vmem>>
    %dma_start3A_858 = tpu.memref_squeeze %dma_start3A_857 : memref<1x24x1024xf32, #tpu.memory_space<vmem>> -> memref<24x1024xf32, #tpu.memory_space<vmem>>
    tpu.enqueue_dma source(%dma_start3A_858 : memref<24x1024xf32, #tpu.memory_space<vmem>>) target(%dma_start3A_854 : memref<24x1024xf32, #tpu.memory_space<hbm>>) target_semaphore(%arg8 : memref<!tpu.dma_semaphore, #tpu.memory_space<semaphore_mem>>)
    %dma_wait3A_859 = arith.constant 0 : i32
    %dma_wait3A_860 = arith.constant 0 : i32
    %dma_wait3A_861 = arith.constant 0 : i32
    %dma_wait3A_862 = tpu.memref_slice %arg6[%dma_wait3A_859, %dma_wait3A_860, %dma_wait3A_861] : memref<4x24x1024xf32, #tpu.memory_space<vmem>> -> memref<1x24x1024xf32, #tpu.memory_space<vmem>>
    %dma_wait3A_863 = tpu.memref_squeeze %dma_wait3A_862 : memref<1x24x1024xf32, #tpu.memory_space<vmem>> -> memref<24x1024xf32, #tpu.memory_space<vmem>>
    %dma_wait3A_864 = arith.constant 0 : i32
    %dma_wait3A_865 = tpu.memref_slice %arg4[%add3A_797, %dma_wait3A_864] : memref<16384x1024xf32, #tpu.memory_space<hbm>> -> memref<24x1024xf32, #tpu.memory_space<hbm>>
    %dma_wait3A_866 = arith.constant 0 : i32
    %dma_wait3A_867 = tpu.memref_slice %arg4[%add3A_797, %dma_wait3A_866] : memref<16384x1024xf32, #tpu.memory_space<hbm>> -> memref<24x1024xf32, #tpu.memory_space<hbm>>
    %dma_wait3A_868 = arith.constant 0 : i32
    %dma_wait3A_869 = arith.constant 0 : i32
    %dma_wait3A_870 = tpu.memref_slice %arg6[%dma_wait3A_859, %dma_wait3A_868, %dma_wait3A_869] : memref<4x24x1024xf32, #tpu.memory_space<vmem>> -> memref<1x24x1024xf32, #tpu.memory_space<vmem>>
    %dma_wait3A_871 = tpu.memref_squeeze %dma_wait3A_870 : memref<1x24x1024xf32, #tpu.memory_space<vmem>> -> memref<24x1024xf32, #tpu.memory_space<vmem>>
    tpu.wait_dma2 semaphore(%arg8 : memref<!tpu.dma_semaphore, #tpu.memory_space<semaphore_mem>>) src(%dma_wait3A_871 : memref<24x1024xf32, #tpu.memory_space<vmem>>) dst(%dma_wait3A_867 : memref<24x1024xf32, #tpu.memory_space<hbm>>)
    %dma_start3A_872 = arith.constant 0 : i32
    %dma_start3A_873 = arith.constant 0 : i32
    %dma_start3A_874 = arith.constant 0 : i32
    %dma_start3A_875 = tpu.memref_slice %arg6[%dma_start3A_872, %dma_start3A_873, %dma_start3A_874] : memref<4x24x1024xf32, #tpu.memory_space<vmem>> -> memref<1x24x1024xf32, #tpu.memory_space<vmem>>
    %dma_start3A_876 = tpu.memref_squeeze %dma_start3A_875 : memref<1x24x1024xf32, #tpu.memory_space<vmem>> -> memref<24x1024xf32, #tpu.memory_space<vmem>>
    %dma_start3A_877 = arith.constant 480 : i32
    %dma_start3A_878 = tpu.memref_slice %arg5[%dma_start3A_877] : memref<512xi32, #tpu.memory_space<vmem>> -> memref<24xi32, #tpu.memory_space<vmem>>
    %dma_start3A_879 = arith.constant 0 : i32
    %dma_start3A_880 = arith.constant 0 : i32
    %dma_start3A_881 = tpu.memref_slice %arg2[%dma_start3A_879, %dma_start3A_880] : memref<1000x1024xf32, #tpu.memory_space<hbm>> -> memref<1000x1024xf32, #tpu.memory_space<hbm>>
    tpu.enqueue_indirect_dma source(%dma_start3A_881 : memref<1000x1024xf32, #tpu.memory_space<hbm>>) target(%dma_start3A_876 : memref<24x1024xf32, #tpu.memory_space<vmem>>) offsets(%dma_start3A_878 : memref<24xi32, #tpu.memory_space<vmem>>) semaphore(%arg7 : memref<!tpu.dma_semaphore, #tpu.memory_space<semaphore_mem>>)
    %dma_wait3A_882 = arith.constant 2 : i32
    %dma_wait3A_883 = arith.constant 0 : i32
    %dma_wait3A_884 = arith.constant 0 : i32
    %dma_wait3A_885 = tpu.memref_slice %arg6[%dma_wait3A_882, %dma_wait3A_883, %dma_wait3A_884] : memref<4x24x1024xf32, #tpu.memory_space<vmem>> -> memref<1x24x1024xf32, #tpu.memory_space<vmem>>
    %dma_wait3A_886 = tpu.memref_squeeze %dma_wait3A_885 : memref<1x24x1024xf32, #tpu.memory_space<vmem>> -> memref<24x1024xf32, #tpu.memory_space<vmem>>
    %dma_wait3A_887 = arith.constant 432 : i32
    %dma_wait3A_888 = tpu.memref_slice %arg5[%dma_wait3A_887] : memref<512xi32, #tpu.memory_space<vmem>> -> memref<24xi32, #tpu.memory_space<vmem>>
    %dma_wait3A_889 = arith.constant 0 : i32
    %dma_wait3A_890 = arith.constant 0 : i32
    %dma_wait3A_891 = tpu.memref_slice %arg2[%dma_wait3A_889, %dma_wait3A_890] : memref<1000x1024xf32, #tpu.memory_space<hbm>> -> memref<1000x1024xf32, #tpu.memory_space<hbm>>
    tpu.wait_indirect_dma semaphore(%arg7 : memref<!tpu.dma_semaphore, #tpu.memory_space<semaphore_mem>>) src(%dma_wait3A_891 : memref<1000x1024xf32, #tpu.memory_space<hbm>>) dst(%dma_wait3A_886 : memref<24x1024xf32, #tpu.memory_space<vmem>>)
    %add3A_892 = arith.constant 432 : i32
    %add3A_893 = arith.addi %mul3A_2, %add3A_892 : i32
    %dma_start3A_894 = arith.constant 2 : i32
    %dma_start3A_895 = arith.constant 0 : i32
    %dma_start3A_896 = arith.constant 0 : i32
    %dma_start3A_897 = tpu.memref_slice %arg6[%dma_start3A_894, %dma_start3A_895, %dma_start3A_896] : memref<4x24x1024xf32, #tpu.memory_space<vmem>> -> memref<1x24x1024xf32, #tpu.memory_space<vmem>>
    %dma_start3A_898 = tpu.memref_squeeze %dma_start3A_897 : memref<1x24x1024xf32, #tpu.memory_space<vmem>> -> memref<24x1024xf32, #tpu.memory_space<vmem>>
    %dma_start3A_899 = arith.constant 0 : i32
    %dma_start3A_900 = tpu.memref_slice %arg4[%add3A_893, %dma_start3A_899] : memref<16384x1024xf32, #tpu.memory_space<hbm>> -> memref<24x1024xf32, #tpu.memory_space<hbm>>
    %dma_start3A_901 = arith.constant 0 : i32
    %dma_start3A_902 = tpu.memref_slice %arg4[%add3A_893, %dma_start3A_901] : memref<16384x1024xf32, #tpu.memory_space<hbm>> -> memref<24x1024xf32, #tpu.memory_space<hbm>>
    %dma_start3A_903 = arith.constant 0 : i32
    %dma_start3A_904 = arith.constant 0 : i32
    %dma_start3A_905 = tpu.memref_slice %arg6[%dma_start3A_894, %dma_start3A_903, %dma_start3A_904] : memref<4x24x1024xf32, #tpu.memory_space<vmem>> -> memref<1x24x1024xf32, #tpu.memory_space<vmem>>
    %dma_start3A_906 = tpu.memref_squeeze %dma_start3A_905 : memref<1x24x1024xf32, #tpu.memory_space<vmem>> -> memref<24x1024xf32, #tpu.memory_space<vmem>>
    tpu.enqueue_dma source(%dma_start3A_906 : memref<24x1024xf32, #tpu.memory_space<vmem>>) target(%dma_start3A_902 : memref<24x1024xf32, #tpu.memory_space<hbm>>) target_semaphore(%arg8 : memref<!tpu.dma_semaphore, #tpu.memory_space<semaphore_mem>>)
    %dma_wait3A_907 = arith.constant 1 : i32
    %dma_wait3A_908 = arith.constant 0 : i32
    %dma_wait3A_909 = arith.constant 0 : i32
    %dma_wait3A_910 = tpu.memref_slice %arg6[%dma_wait3A_907, %dma_wait3A_908, %dma_wait3A_909] : memref<4x24x1024xf32, #tpu.memory_space<vmem>> -> memref<1x24x1024xf32, #tpu.memory_space<vmem>>
    %dma_wait3A_911 = tpu.memref_squeeze %dma_wait3A_910 : memref<1x24x1024xf32, #tpu.memory_space<vmem>> -> memref<24x1024xf32, #tpu.memory_space<vmem>>
    %dma_wait3A_912 = arith.constant 0 : i32
    %dma_wait3A_913 = tpu.memref_slice %arg4[%add3A_845, %dma_wait3A_912] : memref<16384x1024xf32, #tpu.memory_space<hbm>> -> memref<24x1024xf32, #tpu.memory_space<hbm>>
    %dma_wait3A_914 = arith.constant 0 : i32
    %dma_wait3A_915 = tpu.memref_slice %arg4[%add3A_845, %dma_wait3A_914] : memref<16384x1024xf32, #tpu.memory_space<hbm>> -> memref<24x1024xf32, #tpu.memory_space<hbm>>
    %dma_wait3A_916 = arith.constant 0 : i32
    %dma_wait3A_917 = arith.constant 0 : i32
    %dma_wait3A_918 = tpu.memref_slice %arg6[%dma_wait3A_907, %dma_wait3A_916, %dma_wait3A_917] : memref<4x24x1024xf32, #tpu.memory_space<vmem>> -> memref<1x24x1024xf32, #tpu.memory_space<vmem>>
    %dma_wait3A_919 = tpu.memref_squeeze %dma_wait3A_918 : memref<1x24x1024xf32, #tpu.memory_space<vmem>> -> memref<24x1024xf32, #tpu.memory_space<vmem>>
    tpu.wait_dma2 semaphore(%arg8 : memref<!tpu.dma_semaphore, #tpu.memory_space<semaphore_mem>>) src(%dma_wait3A_919 : memref<24x1024xf32, #tpu.memory_space<vmem>>) dst(%dma_wait3A_915 : memref<24x1024xf32, #tpu.memory_space<hbm>>)
    %dma_start3A_920 = arith.constant 1 : i32
    %dma_start3A_921 = arith.constant 0 : i32
    %dma_start3A_922 = arith.constant 0 : i32
    %dma_start3A_923 = tpu.memref_slice %arg6[%dma_start3A_920, %dma_start3A_921, %dma_start3A_922] : memref<4x24x1024xf32, #tpu.memory_space<vmem>> -> memref<1x8x1024xf32, #tpu.memory_space<vmem>>
    %dma_start3A_924 = tpu.memref_squeeze %dma_start3A_923 : memref<1x8x1024xf32, #tpu.memory_space<vmem>> -> memref<8x1024xf32, #tpu.memory_space<vmem>>
    %dma_start3A_925 = arith.constant 504 : i32
    %dma_start3A_926 = tpu.memref_slice %arg5[%dma_start3A_925] : memref<512xi32, #tpu.memory_space<vmem>> -> memref<8xi32, #tpu.memory_space<vmem>>
    %dma_start3A_927 = arith.constant 0 : i32
    %dma_start3A_928 = arith.constant 0 : i32
    %dma_start3A_929 = tpu.memref_slice %arg2[%dma_start3A_927, %dma_start3A_928] : memref<1000x1024xf32, #tpu.memory_space<hbm>> -> memref<1000x1024xf32, #tpu.memory_space<hbm>>
    tpu.enqueue_indirect_dma source(%dma_start3A_929 : memref<1000x1024xf32, #tpu.memory_space<hbm>>) target(%dma_start3A_924 : memref<8x1024xf32, #tpu.memory_space<vmem>>) offsets(%dma_start3A_926 : memref<8xi32, #tpu.memory_space<vmem>>) semaphore(%arg7 : memref<!tpu.dma_semaphore, #tpu.memory_space<semaphore_mem>>)
    %dma_wait3A_930 = arith.constant 3 : i32
    %dma_wait3A_931 = arith.constant 0 : i32
    %dma_wait3A_932 = arith.constant 0 : i32
    %dma_wait3A_933 = tpu.memref_slice %arg6[%dma_wait3A_930, %dma_wait3A_931, %dma_wait3A_932] : memref<4x24x1024xf32, #tpu.memory_space<vmem>> -> memref<1x24x1024xf32, #tpu.memory_space<vmem>>
    %dma_wait3A_934 = tpu.memref_squeeze %dma_wait3A_933 : memref<1x24x1024xf32, #tpu.memory_space<vmem>> -> memref<24x1024xf32, #tpu.memory_space<vmem>>
    %dma_wait3A_935 = arith.constant 456 : i32
    %dma_wait3A_936 = tpu.memref_slice %arg5[%dma_wait3A_935] : memref<512xi32, #tpu.memory_space<vmem>> -> memref<24xi32, #tpu.memory_space<vmem>>
    %dma_wait3A_937 = arith.constant 0 : i32
    %dma_wait3A_938 = arith.constant 0 : i32
    %dma_wait3A_939 = tpu.memref_slice %arg2[%dma_wait3A_937, %dma_wait3A_938] : memref<1000x1024xf32, #tpu.memory_space<hbm>> -> memref<1000x1024xf32, #tpu.memory_space<hbm>>
    tpu.wait_indirect_dma semaphore(%arg7 : memref<!tpu.dma_semaphore, #tpu.memory_space<semaphore_mem>>) src(%dma_wait3A_939 : memref<1000x1024xf32, #tpu.memory_space<hbm>>) dst(%dma_wait3A_934 : memref<24x1024xf32, #tpu.memory_space<vmem>>)
    %add3A_940 = arith.constant 456 : i32
    %add3A_941 = arith.addi %mul3A_2, %add3A_940 : i32
    %dma_start3A_942 = arith.constant 3 : i32
    %dma_start3A_943 = arith.constant 0 : i32
    %dma_start3A_944 = arith.constant 0 : i32
    %dma_start3A_945 = tpu.memref_slice %arg6[%dma_start3A_942, %dma_start3A_943, %dma_start3A_944] : memref<4x24x1024xf32, #tpu.memory_space<vmem>> -> memref<1x24x1024xf32, #tpu.memory_space<vmem>>
    %dma_start3A_946 = tpu.memref_squeeze %dma_start3A_945 : memref<1x24x1024xf32, #tpu.memory_space<vmem>> -> memref<24x1024xf32, #tpu.memory_space<vmem>>
    %dma_start3A_947 = arith.constant 0 : i32
    %dma_start3A_948 = tpu.memref_slice %arg4[%add3A_941, %dma_start3A_947] : memref<16384x1024xf32, #tpu.memory_space<hbm>> -> memref<24x1024xf32, #tpu.memory_space<hbm>>
    %dma_start3A_949 = arith.constant 0 : i32
    %dma_start3A_950 = tpu.memref_slice %arg4[%add3A_941, %dma_start3A_949] : memref<16384x1024xf32, #tpu.memory_space<hbm>> -> memref<24x1024xf32, #tpu.memory_space<hbm>>
    %dma_start3A_951 = arith.constant 0 : i32
    %dma_start3A_952 = arith.constant 0 : i32
    %dma_start3A_953 = tpu.memref_slice %arg6[%dma_start3A_942, %dma_start3A_951, %dma_start3A_952] : memref<4x24x1024xf32, #tpu.memory_space<vmem>> -> memref<1x24x1024xf32, #tpu.memory_space<vmem>>
    %dma_start3A_954 = tpu.memref_squeeze %dma_start3A_953 : memref<1x24x1024xf32, #tpu.memory_space<vmem>> -> memref<24x1024xf32, #tpu.memory_space<vmem>>
    tpu.enqueue_dma source(%dma_start3A_954 : memref<24x1024xf32, #tpu.memory_space<vmem>>) target(%dma_start3A_950 : memref<24x1024xf32, #tpu.memory_space<hbm>>) target_semaphore(%arg8 : memref<!tpu.dma_semaphore, #tpu.memory_space<semaphore_mem>>)
    %dma_wait3A_955 = arith.constant 0 : i32
    %dma_wait3A_956 = arith.constant 0 : i32
    %dma_wait3A_957 = arith.constant 0 : i32
    %dma_wait3A_958 = tpu.memref_slice %arg6[%dma_wait3A_955, %dma_wait3A_956, %dma_wait3A_957] : memref<4x24x1024xf32, #tpu.memory_space<vmem>> -> memref<1x24x1024xf32, #tpu.memory_space<vmem>>
    %dma_wait3A_959 = tpu.memref_squeeze %dma_wait3A_958 : memref<1x24x1024xf32, #tpu.memory_space<vmem>> -> memref<24x1024xf32, #tpu.memory_space<vmem>>
    %dma_wait3A_960 = arith.constant 480 : i32
    %dma_wait3A_961 = tpu.memref_slice %arg5[%dma_wait3A_960] : memref<512xi32, #tpu.memory_space<vmem>> -> memref<24xi32, #tpu.memory_space<vmem>>
    %dma_wait3A_962 = arith.constant 0 : i32
    %dma_wait3A_963 = arith.constant 0 : i32
    %dma_wait3A_964 = tpu.memref_slice %arg2[%dma_wait3A_962, %dma_wait3A_963] : memref<1000x1024xf32, #tpu.memory_space<hbm>> -> memref<1000x1024xf32, #tpu.memory_space<hbm>>
    tpu.wait_indirect_dma semaphore(%arg7 : memref<!tpu.dma_semaphore, #tpu.memory_space<semaphore_mem>>) src(%dma_wait3A_964 : memref<1000x1024xf32, #tpu.memory_space<hbm>>) dst(%dma_wait3A_959 : memref<24x1024xf32, #tpu.memory_space<vmem>>)
    %add3A_965 = arith.constant 480 : i32
    %add3A_966 = arith.addi %mul3A_2, %add3A_965 : i32
    %dma_start3A_967 = arith.constant 0 : i32
    %dma_start3A_968 = arith.constant 0 : i32
    %dma_start3A_969 = arith.constant 0 : i32
    %dma_start3A_970 = tpu.memref_slice %arg6[%dma_start3A_967, %dma_start3A_968, %dma_start3A_969] : memref<4x24x1024xf32, #tpu.memory_space<vmem>> -> memref<1x24x1024xf32, #tpu.memory_space<vmem>>
    %dma_start3A_971 = tpu.memref_squeeze %dma_start3A_970 : memref<1x24x1024xf32, #tpu.memory_space<vmem>> -> memref<24x1024xf32, #tpu.memory_space<vmem>>
    %dma_start3A_972 = arith.constant 0 : i32
    %dma_start3A_973 = tpu.memref_slice %arg4[%add3A_966, %dma_start3A_972] : memref<16384x1024xf32, #tpu.memory_space<hbm>> -> memref<24x1024xf32, #tpu.memory_space<hbm>>
    %dma_start3A_974 = arith.constant 0 : i32
    %dma_start3A_975 = tpu.memref_slice %arg4[%add3A_966, %dma_start3A_974] : memref<16384x1024xf32, #tpu.memory_space<hbm>> -> memref<24x1024xf32, #tpu.memory_space<hbm>>
    %dma_start3A_976 = arith.constant 0 : i32
    %dma_start3A_977 = arith.constant 0 : i32
    %dma_start3A_978 = tpu.memref_slice %arg6[%dma_start3A_967, %dma_start3A_976, %dma_start3A_977] : memref<4x24x1024xf32, #tpu.memory_space<vmem>> -> memref<1x24x1024xf32, #tpu.memory_space<vmem>>
    %dma_start3A_979 = tpu.memref_squeeze %dma_start3A_978 : memref<1x24x1024xf32, #tpu.memory_space<vmem>> -> memref<24x1024xf32, #tpu.memory_space<vmem>>
    tpu.enqueue_dma source(%dma_start3A_979 : memref<24x1024xf32, #tpu.memory_space<vmem>>) target(%dma_start3A_975 : memref<24x1024xf32, #tpu.memory_space<hbm>>) target_semaphore(%arg8 : memref<!tpu.dma_semaphore, #tpu.memory_space<semaphore_mem>>)
    %dma_wait3A_980 = arith.constant 1 : i32
    %dma_wait3A_981 = arith.constant 0 : i32
    %dma_wait3A_982 = arith.constant 0 : i32
    %dma_wait3A_983 = tpu.memref_slice %arg6[%dma_wait3A_980, %dma_wait3A_981, %dma_wait3A_982] : memref<4x24x1024xf32, #tpu.memory_space<vmem>> -> memref<1x8x1024xf32, #tpu.memory_space<vmem>>
    %dma_wait3A_984 = tpu.memref_squeeze %dma_wait3A_983 : memref<1x8x1024xf32, #tpu.memory_space<vmem>> -> memref<8x1024xf32, #tpu.memory_space<vmem>>
    %dma_wait3A_985 = arith.constant 504 : i32
    %dma_wait3A_986 = tpu.memref_slice %arg5[%dma_wait3A_985] : memref<512xi32, #tpu.memory_space<vmem>> -> memref<8xi32, #tpu.memory_space<vmem>>
    %dma_wait3A_987 = arith.constant 0 : i32
    %dma_wait3A_988 = arith.constant 0 : i32
    %dma_wait3A_989 = tpu.memref_slice %arg2[%dma_wait3A_987, %dma_wait3A_988] : memref<1000x1024xf32, #tpu.memory_space<hbm>> -> memref<1000x1024xf32, #tpu.memory_space<hbm>>
    tpu.wait_indirect_dma semaphore(%arg7 : memref<!tpu.dma_semaphore, #tpu.memory_space<semaphore_mem>>) src(%dma_wait3A_989 : memref<1000x1024xf32, #tpu.memory_space<hbm>>) dst(%dma_wait3A_984 : memref<8x1024xf32, #tpu.memory_space<vmem>>)
    %add3A_990 = arith.constant 504 : i32
    %add3A_991 = arith.addi %mul3A_2, %add3A_990 : i32
    %dma_start3A_992 = arith.constant 1 : i32
    %dma_start3A_993 = arith.constant 0 : i32
    %dma_start3A_994 = arith.constant 0 : i32
    %dma_start3A_995 = tpu.memref_slice %arg6[%dma_start3A_992, %dma_start3A_993, %dma_start3A_994] : memref<4x24x1024xf32, #tpu.memory_space<vmem>> -> memref<1x8x1024xf32, #tpu.memory_space<vmem>>
    %dma_start3A_996 = tpu.memref_squeeze %dma_start3A_995 : memref<1x8x1024xf32, #tpu.memory_space<vmem>> -> memref<8x1024xf32, #tpu.memory_space<vmem>>
    %dma_start3A_997 = arith.constant 0 : i32
    %dma_start3A_998 = tpu.memref_slice %arg4[%add3A_991, %dma_start3A_997] : memref<16384x1024xf32, #tpu.memory_space<hbm>> -> memref<8x1024xf32, #tpu.memory_space<hbm>>
    %dma_start3A_999 = arith.constant 0 : i32
    %dma_start3A_1000 = tpu.memref_slice %arg4[%add3A_991, %dma_start3A_999] : memref<16384x1024xf32, #tpu.memory_space<hbm>> -> memref<8x1024xf32, #tpu.memory_space<hbm>>
    %dma_start3A_1001 = arith.constant 0 : i32
    %dma_start3A_1002 = arith.constant 0 : i32
    %dma_start3A_1003 = tpu.memref_slice %arg6[%dma_start3A_992, %dma_start3A_1001, %dma_start3A_1002] : memref<4x24x1024xf32, #tpu.memory_space<vmem>> -> memref<1x8x1024xf32, #tpu.memory_space<vmem>>
    %dma_start3A_1004 = tpu.memref_squeeze %dma_start3A_1003 : memref<1x8x1024xf32, #tpu.memory_space<vmem>> -> memref<8x1024xf32, #tpu.memory_space<vmem>>
    tpu.enqueue_dma source(%dma_start3A_1004 : memref<8x1024xf32, #tpu.memory_space<vmem>>) target(%dma_start3A_1000 : memref<8x1024xf32, #tpu.memory_space<hbm>>) target_semaphore(%arg8 : memref<!tpu.dma_semaphore, #tpu.memory_space<semaphore_mem>>)
    %dma_wait3A_1005 = arith.constant 2 : i32
    %dma_wait3A_1006 = arith.constant 0 : i32
    %dma_wait3A_1007 = arith.constant 0 : i32
    %dma_wait3A_1008 = tpu.memref_slice %arg6[%dma_wait3A_1005, %dma_wait3A_1006, %dma_wait3A_1007] : memref<4x24x1024xf32, #tpu.memory_space<vmem>> -> memref<1x24x1024xf32, #tpu.memory_space<vmem>>
    %dma_wait3A_1009 = tpu.memref_squeeze %dma_wait3A_1008 : memref<1x24x1024xf32, #tpu.memory_space<vmem>> -> memref<24x1024xf32, #tpu.memory_space<vmem>>
    %dma_wait3A_1010 = arith.constant 0 : i32
    %dma_wait3A_1011 = tpu.memref_slice %arg4[%add3A_893, %dma_wait3A_1010] : memref<16384x1024xf32, #tpu.memory_space<hbm>> -> memref<24x1024xf32, #tpu.memory_space<hbm>>
    %dma_wait3A_1012 = arith.constant 0 : i32
    %dma_wait3A_1013 = tpu.memref_slice %arg4[%add3A_893, %dma_wait3A_1012] : memref<16384x1024xf32, #tpu.memory_space<hbm>> -> memref<24x1024xf32, #tpu.memory_space<hbm>>
    %dma_wait3A_1014 = arith.constant 0 : i32
    %dma_wait3A_1015 = arith.constant 0 : i32
    %dma_wait3A_1016 = tpu.memref_slice %arg6[%dma_wait3A_1005, %dma_wait3A_1014, %dma_wait3A_1015] : memref<4x24x1024xf32, #tpu.memory_space<vmem>> -> memref<1x24x1024xf32, #tpu.memory_space<vmem>>
    %dma_wait3A_1017 = tpu.memref_squeeze %dma_wait3A_1016 : memref<1x24x1024xf32, #tpu.memory_space<vmem>> -> memref<24x1024xf32, #tpu.memory_space<vmem>>
    tpu.wait_dma2 semaphore(%arg8 : memref<!tpu.dma_semaphore, #tpu.memory_space<semaphore_mem>>) src(%dma_wait3A_1017 : memref<24x1024xf32, #tpu.memory_space<vmem>>) dst(%dma_wait3A_1013 : memref<24x1024xf32, #tpu.memory_space<hbm>>)
    %dma_wait3A_1018 = arith.constant 3 : i32
    %dma_wait3A_1019 = arith.constant 0 : i32
    %dma_wait3A_1020 = arith.constant 0 : i32
    %dma_wait3A_1021 = tpu.memref_slice %arg6[%dma_wait3A_1018, %dma_wait3A_1019, %dma_wait3A_1020] : memref<4x24x1024xf32, #tpu.memory_space<vmem>> -> memref<1x24x1024xf32, #tpu.memory_space<vmem>>
    %dma_wait3A_1022 = tpu.memref_squeeze %dma_wait3A_1021 : memref<1x24x1024xf32, #tpu.memory_space<vmem>> -> memref<24x1024xf32, #tpu.memory_space<vmem>>
    %dma_wait3A_1023 = arith.constant 0 : i32
    %dma_wait3A_1024 = tpu.memref_slice %arg4[%add3A_941, %dma_wait3A_1023] : memref<16384x1024xf32, #tpu.memory_space<hbm>> -> memref<24x1024xf32, #tpu.memory_space<hbm>>
    %dma_wait3A_1025 = arith.constant 0 : i32
    %dma_wait3A_1026 = tpu.memref_slice %arg4[%add3A_941, %dma_wait3A_1025] : memref<16384x1024xf32, #tpu.memory_space<hbm>> -> memref<24x1024xf32, #tpu.memory_space<hbm>>
    %dma_wait3A_1027 = arith.constant 0 : i32
    %dma_wait3A_1028 = arith.constant 0 : i32
    %dma_wait3A_1029 = tpu.memref_slice %arg6[%dma_wait3A_1018, %dma_wait3A_1027, %dma_wait3A_1028] : memref<4x24x1024xf32, #tpu.memory_space<vmem>> -> memref<1x24x1024xf32, #tpu.memory_space<vmem>>
    %dma_wait3A_1030 = tpu.memref_squeeze %dma_wait3A_1029 : memref<1x24x1024xf32, #tpu.memory_space<vmem>> -> memref<24x1024xf32, #tpu.memory_space<vmem>>
    tpu.wait_dma2 semaphore(%arg8 : memref<!tpu.dma_semaphore, #tpu.memory_space<semaphore_mem>>) src(%dma_wait3A_1030 : memref<24x1024xf32, #tpu.memory_space<vmem>>) dst(%dma_wait3A_1026 : memref<24x1024xf32, #tpu.memory_space<hbm>>)
    %dma_wait3A_1031 = arith.constant 0 : i32
    %dma_wait3A_1032 = arith.constant 0 : i32
    %dma_wait3A_1033 = arith.constant 0 : i32
    %dma_wait3A_1034 = tpu.memref_slice %arg6[%dma_wait3A_1031, %dma_wait3A_1032, %dma_wait3A_1033] : memref<4x24x1024xf32, #tpu.memory_space<vmem>> -> memref<1x24x1024xf32, #tpu.memory_space<vmem>>
    %dma_wait3A_1035 = tpu.memref_squeeze %dma_wait3A_1034 : memref<1x24x1024xf32, #tpu.memory_space<vmem>> -> memref<24x1024xf32, #tpu.memory_space<vmem>>
    %dma_wait3A_1036 = arith.constant 0 : i32
    %dma_wait3A_1037 = tpu.memref_slice %arg4[%add3A_966, %dma_wait3A_1036] : memref<16384x1024xf32, #tpu.memory_space<hbm>> -> memref<24x1024xf32, #tpu.memory_space<hbm>>
    %dma_wait3A_1038 = arith.constant 0 : i32
    %dma_wait3A_1039 = tpu.memref_slice %arg4[%add3A_966, %dma_wait3A_1038] : memref<16384x1024xf32, #tpu.memory_space<hbm>> -> memref<24x1024xf32, #tpu.memory_space<hbm>>
    %dma_wait3A_1040 = arith.constant 0 : i32
    %dma_wait3A_1041 = arith.constant 0 : i32
    %dma_wait3A_1042 = tpu.memref_slice %arg6[%dma_wait3A_1031, %dma_wait3A_1040, %dma_wait3A_1041] : memref<4x24x1024xf32, #tpu.memory_space<vmem>> -> memref<1x24x1024xf32, #tpu.memory_space<vmem>>
    %dma_wait3A_1043 = tpu.memref_squeeze %dma_wait3A_1042 : memref<1x24x1024xf32, #tpu.memory_space<vmem>> -> memref<24x1024xf32, #tpu.memory_space<vmem>>
    tpu.wait_dma2 semaphore(%arg8 : memref<!tpu.dma_semaphore, #tpu.memory_space<semaphore_mem>>) src(%dma_wait3A_1043 : memref<24x1024xf32, #tpu.memory_space<vmem>>) dst(%dma_wait3A_1039 : memref<24x1024xf32, #tpu.memory_space<hbm>>)
    %dma_wait3A_1044 = arith.constant 1 : i32
    %dma_wait3A_1045 = arith.constant 0 : i32
    %dma_wait3A_1046 = arith.constant 0 : i32
    %dma_wait3A_1047 = tpu.memref_slice %arg6[%dma_wait3A_1044, %dma_wait3A_1045, %dma_wait3A_1046] : memref<4x24x1024xf32, #tpu.memory_space<vmem>> -> memref<1x8x1024xf32, #tpu.memory_space<vmem>>
    %dma_wait3A_1048 = tpu.memref_squeeze %dma_wait3A_1047 : memref<1x8x1024xf32, #tpu.memory_space<vmem>> -> memref<8x1024xf32, #tpu.memory_space<vmem>>
    %dma_wait3A_1049 = arith.constant 0 : i32
    %dma_wait3A_1050 = tpu.memref_slice %arg4[%add3A_991, %dma_wait3A_1049] : memref<16384x1024xf32, #tpu.memory_space<hbm>> -> memref<8x1024xf32, #tpu.memory_space<hbm>>
    %dma_wait3A_1051 = arith.constant 0 : i32
    %dma_wait3A_1052 = tpu.memref_slice %arg4[%add3A_991, %dma_wait3A_1051] : memref<16384x1024xf32, #tpu.memory_space<hbm>> -> memref<8x1024xf32, #tpu.memory_space<hbm>>
    %dma_wait3A_1053 = arith.constant 0 : i32
    %dma_wait3A_1054 = arith.constant 0 : i32
    %dma_wait3A_1055 = tpu.memref_slice %arg6[%dma_wait3A_1044, %dma_wait3A_1053, %dma_wait3A_1054] : memref<4x24x1024xf32, #tpu.memory_space<vmem>> -> memref<1x8x1024xf32, #tpu.memory_space<vmem>>
    %dma_wait3A_1056 = tpu.memref_squeeze %dma_wait3A_1055 : memref<1x8x1024xf32, #tpu.memory_space<vmem>> -> memref<8x1024xf32, #tpu.memory_space<vmem>>
    tpu.wait_dma2 semaphore(%arg8 : memref<!tpu.dma_semaphore, #tpu.memory_space<semaphore_mem>>) src(%dma_wait3A_1056 : memref<8x1024xf32, #tpu.memory_space<vmem>>) dst(%dma_wait3A_1052 : memref<8x1024xf32, #tpu.memory_space<hbm>>)
    return
  }
}

module attributes {stable_mosaic.version = 14 : i64} {
  func.func @_transpose_body(%arg0: memref<1024x1000xf32, #tpu.memory_space<vmem>>, %arg1: memref<1000x1024xf32, #tpu.memory_space<vmem>>) attributes {dimension_semantics = [], scalar_prefetch = 0 : i64, scratch_operands = 0 : i64, tpu.core_type = #tpu.core_type<tc>} {
    %get3A = arith.constant 0 : index
    %get3A_0 = arith.constant 0 : index
    %get3A_1 = vector.load %arg0[%get3A, %get3A_0] : memref<1024x1000xf32, #tpu.memory_space<vmem>>, vector<1024x1000xf32>
    %transpose3A = tpu.transpose %get3A_1, [1, 0] : vector<1024x1000xf32> -> vector<1000x1024xf32>
    %swap3A = arith.constant 0 : index
    %swap3A_2 = arith.constant 0 : index
    %swap3A_3 = vector.load %arg1[%swap3A, %swap3A_2] : memref<1000x1024xf32, #tpu.memory_space<vmem>>, vector<1000x1024xf32>
    tpu.vector_store %arg1[%swap3A, %swap3A_2], %transpose3A {strides = array<i32>} : memref<1000x1024xf32, #tpu.memory_space<vmem>>, vector<1000x1024xf32>,
    return
  }
}

</mosaic_0001>

<sc_bundles>
// kernel: kernel.4.cloned.1.call-start
scs
__scs_entry_jumppad:
0x0: {  	(pc) =	sbr.rel $0x88, $3  }
0x1: {  	(tag) =	ssettag $0x0;
	lr =	simm.s32 $0x1  }
0x2: {  	[smem:$0x3F9F] =	sst lr;
	_ =	strace $0xD0000000  }
0x3: {  	_ = 	snop  }
0x4: {  	_ = 	snop  }
0x5: {  	_ = 	snop  }
0x6: {  	_ = 	snop  }
0x7: {  	_ = 	snop  }
__scs_overlays_trampoline_lowered:
0x8: {  	[smem:$0x3FAE] =	sst s0  }
0x9: {  	[smem:$0x3FAF] =	sst s1  }
0xa: {  	[smem:$0x3FB0] =	sst s2  }
0xb: {  	[smem:$0x3FB1] =	sst s3  }
0xc: {  	[smem:$0x3FB2] =	sst s4  }
0xd: {  	[smem:$0x3FB3] =	sst s5  }
0xe: {  	[smem:$0x3FB4] =	sst s6  }
0xf: {  	[smem:$0x3FB5] =	sst s7  }
0x10: {  	[smem:$0x3FB6] =	sst s8  }
0x11: {  	[smem:$0x3FB7] =	sst s9;
	s0 =	simm.s32 @!p0 $0x0  }
0x12: {  	s1 =	sld [smem:$0x3F9D];
	s0 =	simm.s32 @p0 $0x1  }
0x13: {  	[smem:$0x3FB8] =	sst s0;
	s0 =	simm.s32 @!p1 $0x0  }
0x14: {  	s2 =	sld [smem:$0x3F9C];
	s0 =	simm.s32 @p1 $0x1  }
0x15: {  	[smem:$0x3FB9] =	sst s0;
	s0 =	simm.s32 @!p2 $0x0  }
0x16: {  	s3 =	sld [smem:$0x3FDB];
	s0 =	simm.s32 @p2 $0x1  }
0x17: {  	s4 =	simm.s32 $0x1BF5;
	[smem:$0x3FBB] =	sst s0  }
0x18: {  	s0 =	sld [smem:$0x3F9E];
	_ =	swait.ge [sflag:s4], $0x0  }
0x19: {  	s7 =	sld [smem:$0x3F9F]  }
0x1a: {  	s8 =	sadd.s32 $0xFFFFE003, lr  }
0x1b: {  	s9 =	sadd.s32 $0xFFFFFEF7, lr;
	s5 =	simm.s32 $0xFFFFFFFF;
	p2 =	slt.u32 s8, $0xFFFFF086  }
0x1c: {  	p1 =	slt.u32 s9, $0xF7A;
	s5 =	simm.s32 @!p2 $0x0  }
0x1d: {  	s5 =	simm.s32 @p1 $0x1;
	p0 =	seq.s32 s7, s2  }
0x1e: {  	s7 =	smul.u32 @!p0 $0xF7A, s2;
	p2 =	seq.s32 @!p0 s5, $0x0  }
0x1f: {  	s9 =	smul.u32 $0xF7A, s1;
	s8 =	simm.s32 @!p0 $0x1BF5;
	p2 =	por !p2, p0  }
0x20: {  	[sflag:s8] =	ssyncset.s32 @!p0 $0xFFFFF086;
	s6 =	sadd.s32 @!p0 s3, s7;
	s7 =	simm.s32 @!p0 $0x108  }
0x21: {  	s3 =	sadd.s32 s3, s9;
	s6 =	sadd.s32 @!p0 $0x88, s6;
	s7 =	simm.s32 @p2 $0x1082  }
0x22: {  	[simem:s7], [sflag:s8] =	dma.local @!p0 [hbm:s6], $0xF7A  }
0x23: {  	s9 =	sor.u32 $0xD0000000, s2;
	s6 =	simm.s32 $0x108;
	_ =	swait.ge @!p0 [sflag:s8], $0x0  }
0x24: {  	s3 =	sadd.s32 $0x88, s3;
	s6 =	simm.s32 @!p1 $0x1082;
	[sflag:s4] =	ssyncset.s32 $0xFFFFF086  }
0x25: {  	[simem:s6], [sflag:s4] =	dma.local [hbm:s3], $0xF7A  }
0x26: {  	[smem:$0x3F9F] =	sst s1;
	(tag) =	ssettag s2;
	_ =	strace s9  }
0x27: {  	s1 =	sld [smem:$0x3FAF]  }
0x28: {  	s2 =	sld [smem:$0x3FB0]  }
0x29: {  	s4 =	sld [smem:$0x3FB2]  }
0x2a: {  	p0 =	seq.s32 s5, $0x0;
	s5 =	sld [smem:$0x3FB3]  }
0x2b: {  	s6 =	sld [smem:$0x3FB4]  }
0x2c: {  	s7 =	sld [smem:$0x3FB5]  }
0x2d: {  	s3 =	simm.s32 $0x108;
	s8 =	sld [smem:$0x3FB6]  }
0x2e: {  	s3 =	simm.s32 @!p0 $0x1082;
	s9 =	sld [smem:$0x3FB7]  }
0x2f: {  	lr =	sadd.s32 s0, s3;
	s0 =	sld [smem:$0x3FAE]  }
0x30: {  	s3 =	sld [smem:$0x3FB1]  }
0x31: {  	[smem:$0x3FBA] =	sst s10  }
0x32: {  	s10 =	sld [smem:$0x3FB8];
	_ =	sdelay $0x3  }
0x33: {  	p0 =	seq.s32 s10, $0x1;
	s10 =	sld [smem:$0x3FBA];
	_ =	sdelay $0x3  }
0x34: {  	[smem:$0x3FBA] =	sst s10  }
0x35: {  	s10 =	sld [smem:$0x3FB9];
	_ =	sdelay $0x3  }
0x36: {  	p1 =	seq.s32 s10, $0x1;
	s10 =	sld [smem:$0x3FBA];
	_ =	sdelay $0x3  }
0x37: {  	[smem:$0x3FBA] =	sst s10  }
0x38: {  	s10 =	sld [smem:$0x3FBB]  }
0x39: {  	_ = 	snop;
	(pc) =	sbr.ind lr, $3  }
0x3a: {  	_ = 	snop  }
0x3b: {  	_ = 	snop  }
0x3c: {  	p2 =	seq.s32 s10, $0x1;
	s10 =	sld [smem:$0x3FBA]  }
0x3d: {  	_ =	shalt  }
0x3e: {  	_ =	shalt  }
0x3f: {  	_ =	shalt  }
0x40: {  	_ =	shalt  }
0x41: {  	_ =	shalt  }
0x42: {  	_ =	shalt  }
0x43: {  	_ =	shalt  }
0x44: {  	_ =	shalt  }
0x45: {  	_ =	shalt  }
0x46: {  	_ =	shalt  }
0x47: {  	_ =	shalt  }
0x48: {  	_ =	shalt  }
0x49: {  	_ =	shalt  }
0x4a: {  	_ =	shalt  }
0x4b: {  	_ =	shalt  }
0x4c: {  	_ =	shalt  }
0x4d: {  	_ =	shalt  }
0x4e: {  	_ =	shalt  }
0x4f: {  	_ =	shalt  }
0x50: {  	_ =	shalt  }
0x51: {  	_ =	shalt  }
0x52: {  	_ =	shalt  }
0x53: {  	_ =	shalt  }
0x54: {  	_ =	shalt  }
0x55: {  	_ =	shalt  }
0x56: {  	_ =	shalt  }
0x57: {  	_ =	shalt  }
0x58: {  	_ =	shalt  }
0x59: {  	_ =	shalt  }
0x5a: {  	_ =	shalt  }
0x5b: {  	_ =	shalt  }
0x5c: {  	_ =	shalt  }
0x5d: {  	_ =	shalt  }
0x5e: {  	_ =	shalt  }
0x5f: {  	_ =	shalt  }
0x60: {  	_ =	shalt  }
0x61: {  	_ =	shalt  }
0x62: {  	_ =	shalt  }
0x63: {  	_ =	shalt  }
0x64: {  	_ =	shalt  }
0x65: {  	_ =	shalt  }
0x66: {  	_ =	shalt  }
0x67: {  	_ =	shalt  }
0x68: {  	_ =	shalt  }
0x69: {  	_ =	shalt  }
0x6a: {  	_ =	shalt  }
0x6b: {  	_ =	shalt  }
0x6c: {  	_ =	shalt  }
0x6d: {  	_ =	shalt  }
0x6e: {  	_ =	shalt  }
0x6f: {  	_ =	shalt  }
0x70: {  	_ =	shalt  }
0x71: {  	_ =	shalt  }
0x72: {  	_ =	shalt  }
0x73: {  	_ =	shalt  }
0x74: {  	_ =	shalt  }
0x75: {  	_ =	shalt  }
0x76: {  	_ =	shalt  }
0x77: {  	_ =	shalt  }
0x78: {  	_ =	shalt  }
0x79: {  	_ =	shalt  }
0x7a: {  	_ =	shalt  }
0x7b: {  	_ =	shalt  }
0x7c: {  	_ =	shalt  }
0x7d: {  	_ =	shalt  }
0x7e: {  	_ =	shalt  }
0x7f: {  	_ =	shalt  }
0x80: {  	_ =	shalt  }
0x81: {  	_ =	shalt  }
0x82: {  	_ =	shalt  }
0x83: {  	_ =	shalt  }
0x84: {  	_ =	shalt  }
0x85: {  	_ =	shalt  }
0x86: {  	_ =	shalt  }
0x87: {  	_ =	shalt  }
.Lfunc_end0:
.L_simem_size_0:
called_computation_lowered:
.L_overlay_start_0:
0x88: {  	s2 =	sld [smem:$0x3FD9]  }
0x89: {  	s3 =	sld [smem:$0x3FFE];
	_ =	sdelay $0x1  }
0x8a: {  	s1 =	srdreg.scid  }
0x8b: {  	s0 =	sand.u32 $0x1, s1  }
0x8c: {  	s17 =	sshll.u32 s0, $0xA;
	s2 =	sadd.s32 s3, s2  }
0x8d: {  	s2 =	sadd.s32 s2, s17  }
0x8e: {  	[smem:$0x3FC6] =	sst s2  }
0x8f: {  	_ = 	snop  }
0x90: {  	s2 =	sld [smem:$0x3FC9]  }
0x91: {  	s18 =	sld [smem:$0x3FD0];
	(tm) =	ssettm $0x1  }
0x92: {  	s4 =	sld [smem:$0x3FFB];
	_ =	sdelay $0x3  }
0x93: {  	_ =	strace s4  }
0x94: {  	s4 =	sld [smem:$0x3FFC];
	_ =	sdelay $0x3  }
0x95: {  	_ =	strace s4  }
0x96: {  	s4 =	sld [smem:$0x3FFD];
	_ =	sdelay $0x3  }
0x97: {  	_ =	strace s4  }
0x98: {  	_ =	strace $0x8FFFFFFF  }
0x99: {  	s19 =	sld [smem:$0x3FDB];
	_ =	sdelay $0x1  }
0x9a: {  	s5 =	simm.s32 $_scs_section_size  }
0x9b: {  	s6 =	simm.s32 $_size__tile_overlayer_lowered;
	s7 =	simm.s32 $_tile_overlayer_lowered  }
0x9c: {  	s22 =	simm.s32 $0x1BFF;
	s21 =	sshll.u32 s7, $0x1;
	s4 =	sadd.s32 s5, s19  }
0x9d: {  	s8 =	simm.s32 $0x0;
	s20 =	sshll.u32 s6, $0x1;
	s6 =	sadd.s32 s21, s4  }
0x9e: {  	[timem:s8], [sflag:s22] =	dma.local [hbm:s6], s20  }
0x9f: {  	_ =	swait.ge [sflag:s22], s20  }
0xa0: {  	s5 =	ssub.s32 $0x0, s20;
	[sflag:s22] =	ssyncset.done $0x0  }
0xa1: {  	[sflag:s22] =	ssyncadd.s32 s5;
	_ =	sdelay $0x1  }
0xa2: {  	s23 =	simm.s32 $0x1B8B  }
0xa3: {  	_ =	swait.ge [sflag:s23], $0x1  }
0xa4: {  	[sflag:s23] =	ssyncset.done $0x0  }
0xa5: {  	s25 =	simm.s32 $0x1B8E;
	s24 =	sld [smem:$0x3FFE];
	[sflag:s23] =	ssyncadd.s32 $0xFFFFFFFF  }
0xa6: {  	s26 =	simm.s32 $execute0_lowered;
	[smem:$0x3FD2] =	sst s25  }
0xa7: {  	s6 =	sshll.u32 s26, $0x1;
	_ =	strace $0x80000046;
	[dreg:$0x1] =	wrdreg $0xFFFFFFFF  }
0xa8: {  	s28 =	simm.s32 $_size_execute0_lowered;
	s4 =	sadd.s32 s4, s6;
	[dreg:$0x0] =	wrdreg $0x0  }
0xa9: {  	s6 =	sshll.u32 s28, $0x1;
	[dreg:$0x2] =	wrdreg s4  }
0xaa: {  	[dreg:$0x3] =	wrdreg s6  }
0xab: {  	[dreg:$0x4] =	wrdreg $0xC0  }
0xac: {  	_ =	task [dreg:s8], $0x5FFFF  }
0xad: {  	[dreg:$0x1] =	wrdreg $0xFFFFFFFF  }
0xae: {  	[dreg:$0x0] =	wrdreg $0x60  }
0xaf: {  	[dreg:$0x2] =	wrdreg s24  }
0xb0: {  	[dreg:$0x3] =	wrdreg s2  }
0xb1: {  	[dreg:$0x4] =	wrdreg s18  }
0xb2: {  	[dreg:$0x5] =	wrdreg $0x9  }
0xb3: {  	_ =	task.clear_ibuf [dreg:s8], $0x6FFFF;
	_ =	strace $0x90000046  }
0xb4: {  	s29 =	simm.s32 $0x9;
	_ =	strace $0x80000048  }
0xb5: {  	_ =	swait.ge [sflag:s29], $0x1  }
0xb6: {  	[sflag:s29] =	ssyncadd.s32 $0xFFFFFFFF  }
0xb7: {  	_ =	strace $0x90000048  }
0xb8: {  	_ =	sfence  }
0xb9: {  	s30 =	sld [smem:$0x0];
	_ =	sdelay $0x2  }
0xba: {  	s31 =	sshll.u32 s1, $0xD;
	s1 =	sshrl.u32 s1, $0x2  }
0xbb: {  	s3 =	sand.u32 $0x4000, s31;
	s1 =	sadd.s32 s1, s30  }
0xbc: {  	s0 =	sor.u32 s3, s0;
	s1 =	sshll.u32 s1, $0x11  }
0xbd: {  	s0 =	sor.u32 s1, s0  }
0xbe: {  	s0 =	sadd.s32 $0x8F2B, s0  }
0xbf: {  	[sflag:s0] =	ssyncadd.remote.s32 $0x1  }
0xc0: {  	_ =	sfence.sel $0xFFFF  }
0xc1: {  	[dreg:$0x0] =	wrdreg $0xFFFFFFFF;
	(pc) =	sbr.abs _section_cstart, $3  }
0xc2: {  	[dreg:$0x1] =	wrdreg $0xFFFFFFFF  }
0xc3: {  	_ =	task.clear_ibuf [dreg:s8], $0x2FFFF;
	_ =	strace $0x9FFFFFFF  }
0xc4: {  	(tm) =	ssettm $0x7FFFFFFF  }
0xc5: {  	_ =	shalt  }
tec
execute0_lowered:
.L_overlay_start_1:
0x0: {  	(tag) =	ssettag $0x1  }
0x1: {  	s1 =	srdreg.scid  }
0x2: {  	s2 =	stileid.u32;
	s1 =	sand.u32 $0x1, s1  }
0x3: {  	s0 =	rddreg [dreg:$0x0];
	s5 =	sshll.u32 s2, $0xA;
	s6 =	sshll.u32 s1, $0x9  }
0x4: {  	s3 =	rddreg [dreg:$0x1];
	s5 =	sor.u32 s6, s5  }
0x5: {  	s4 =	rddreg [dreg:$0x2];
	s2 =	simm.s32 $0x0;
	s6 =	sshrl.u32 s5, $0x3  }
0x6: {  	[smem:$0x7FF] =	sst s2;
	s5 =	sshll.u32 s5, $0x7;
	s3 =	sadd.s32 s3, s6  }
0x7: {  	_ =	strace $0x80000047;
	s7 =	sadd.s32 s4, s5;
	[dreg:$0x4] =	wrdreg s3  }
0x8: {  	s6 =	sadd.s32 $0xC00, s7;
	[dreg:$0x1a] =	wrdreg s7  }
0x9: {  	s8 =	sadd.s32 $0x1800, s7;
	[dreg:$0x5] =	wrdreg s6  }
0xa: {  	s9 =	sadd.s32 $0x2400, s7;
	[dreg:$0x6] =	wrdreg s8  }
0xb: {  	s10 =	sadd.s32 $0x3000, s7;
	[dreg:$0x7] =	wrdreg s9  }
0xc: {  	s11 =	sadd.s32 $0x3C00, s7;
	[dreg:$0x8] =	wrdreg s10  }
0xd: {  	s12 =	sadd.s32 $0x4800, s7;
	[dreg:$0x9] =	wrdreg s11  }
0xe: {  	s13 =	sadd.s32 $0x5400, s7;
	[dreg:$0xa] =	wrdreg s12  }
0xf: {  	s14 =	sadd.s32 $0x6000, s7;
	[dreg:$0xb] =	wrdreg s13  }
0x10: {  	s15 =	sadd.s32 $0x6C00, s7;
	[dreg:$0xc] =	wrdreg s14  }
0x11: {  	s16 =	sadd.s32 $0x7800, s7;
	[dreg:$0xd] =	wrdreg s15  }
0x12: {  	s17 =	sadd.s32 $0x8400, s7;
	[dreg:$0xe] =	wrdreg s16  }
0x13: {  	s18 =	sadd.s32 $0x9000, s7;
	[dreg:$0xf] =	wrdreg s17  }
0x14: {  	s19 =	sadd.s32 $0x9C00, s7;
	[dreg:$0x10] =	wrdreg s18  }
0x15: {  	s30 =	simm.s32 $0x1;
	s20 =	sadd.s32 $0xA800, s7;
	[dreg:$0x11] =	wrdreg s19  }
0x16: {  	s29 =	simm.s32 $0x2;
	s21 =	sadd.s32 $0xB400, s7;
	[dreg:$0x12] =	wrdreg s20  }
0x17: {  	s1 =	ssub.s32 $0x2, s1;
	s22 =	sadd.s32 $0xC000, s7;
	[dreg:$0x13] =	wrdreg s21  }
0x18: {  	s24 =	sshrl.u32 s1, $0x1;
	s23 =	sadd.s32 $0xCC00, s7;
	[dreg:$0x14] =	wrdreg s22  }
0x19: {  	s1 =	ssub.s32 s1, s24;
	s25 =	sadd.s32 $0xD800, s7;
	[dreg:$0x15] =	wrdreg s23  }
0x1a: {  	s4 =	sadd.s32 $0x600, s0;
	s26 =	sadd.s32 $0xE400, s7;
	[dreg:$0x16] =	wrdreg s25  }
0x1b: {  	v2 =	vlaneseq.u32;
	s5 =	sadd.s32 $0x700, s0;
	s28 =	sadd.s32 $0xF000, s7;
	[dreg:$0x17] =	wrdreg s26  }
0x1c: {  	vm0 =	vmmov $0xffff;
	v1 =	vshrl.u32 v2, $0x3;
	s31 =	sadd.s32 $0xFC00, s7;
	s7 =	sadd.s32 $0x900, s0;
	[dreg:$0x18] =	wrdreg s28  }
0x1d: {  	v0 =	vand.u32 $0x7, v2;
	v2 =	vor.u32 $0x8, v2;
	v1 =	vmul.u32 $0x8, v1;
	s6 =	sadd.s32 $0x800, s0;
	[dreg:$0x19] =	wrdreg s31;
	s0 =	smax.u32 s1, $0x1  }
.LBB2_1:
0x1e: {  	[dreg:$0x1b] =	wrdreg s0  }
0x1f: {  	s1 =	rddreg [dreg:$0x4];
	s15 =	simm.s32 $0x3  }
0x20: {  	[tilespmem:s2], [sflag:$0x3] =	stream.linear.gather [hbm4b:s1+s2], $0x200, $0x38;
	[tilespmem:$0x18200] =	vst v63  }
0x21: {  	_ =	swait.ge [sflag:s15], $0x200  }
0x22: {  	[sflag:s15] =	ssyncset.done $0x0  }
0x23: {  	[sflag:s15] =	ssyncadd.s32 $0xFFFFFE00  }
0x24: {  	v3 =	vld [tilespmem:$0x0];
	_ =	sdelay $0x4  }
0x25: {  	v4 =	vshll.u32 v3, $0x3  }
0x26: {  	v3 =	vand.u32 $0x7, v3;
	v4 =	vand.u32 $0xFFFFFFC0, v4  }
0x27: {  	v3 =	vor.u32 v3, v4  }
0x28: {  	v4 =	vperm.xlane v3, v0;
	_ =	sdelay $0x1  }
0x29: {  	v4 =	vadd.s32 v1, v4;
	_ =	sdelay $0x3  }
0x2a: {  	s16 =	simm.s32 $0x200  }
0x2b: {  	[tilespmem:s16], [sflag:$0x1] =	stream.indirect_vreg.gather [hbm4b:s4+s2], $0x80, v4, vm0, $0xb8;
	[tilespmem:$0x18200] =	vst v63  }
0x2c: {  	s17 =	simm.s32 $0xA00;
	v3 =	vperm.xlane v3, v2  }
0x2d: {  	[tilespmem:s17], [sflag:$0x1] =	stream.indirect_vreg.gather [hbm4b:s5+s2], $0x80, v4, vm0, $0xb8;
	[tilespmem:$0x18200] =	vst v63  }
0x2e: {  	s18 =	simm.s32 $0x1200;
	v3 =	vadd.s32 v1, v3  }
0x2f: {  	[tilespmem:s18], [sflag:$0x1] =	stream.indirect_vreg.gather [hbm4b:s6+s2], $0x80, v4, vm0, $0xb8;
	[tilespmem:$0x18200] =	vst v63  }
0x30: {  	s19 =	simm.s32 $0x1A00  }
0x31: {  	[tilespmem:s19], [sflag:$0x1] =	stream.indirect_vreg.gather [hbm4b:s7+s2], $0x80, v4, vm0, $0xb8;
	[tilespmem:$0x18200] =	vst v63  }
0x32: {  	s20 =	simm.s32 $0x2200  }
0x33: {  	[tilespmem:s20], [sflag:$0x1] =	stream.indirect_vreg.gather [hbm4b:s4+s2], $0x80, v3, vm0, $0xb8;
	[tilespmem:$0x18200] =	vst v63  }
0x34: {  	s21 =	simm.s32 $0x2A00  }
0x35: {  	[tilespmem:s21], [sflag:$0x1] =	stream.indirect_vreg.gather [hbm4b:s5+s2], $0x80, v3, vm0, $0xb8;
	[tilespmem:$0x18200] =	vst v63  }
0x36: {  	s22 =	simm.s32 $0x3200  }
0x37: {  	[tilespmem:s22], [sflag:$0x1] =	stream.indirect_vreg.gather [hbm4b:s6+s2], $0x80, v3, vm0, $0xb8;
	[tilespmem:$0x18200] =	vst v63  }
0x38: {  	s23 =	simm.s32 $0x3A00  }
0x39: {  	[tilespmem:s23], [sflag:$0x1] =	stream.indirect_vreg.gather [hbm4b:s7+s2], $0x80, v3, vm0, $0xb8;
	[tilespmem:$0x18200] =	vst v63  }
0x3a: {  	v3 =	vld.msk [tilespmem:$0x10], $0xff;
	_ =	sdelay $0x4  }
0x3b: {  	v22 =	vshll.u32 v3, $0x3  }
0x3c: {  	v3 =	vand.u32 $0x7, v3;
	v4 =	vand.u32 $0xFFFFFFC0, v22  }
0x3d: {  	v3 =	vor.u32 v3, v4  }
0x3e: {  	v3 =	vperm.xlane v3, v0;
	_ =	sdelay $0x1  }
0x3f: {  	v3 =	vadd.s32 v1, v3;
	_ =	sdelay $0x3  }
0x40: {  	s24 =	simm.s32 $0x4200  }
0x41: {  	[tilespmem:s24], [sflag:$0x1] =	stream.indirect_vreg.gather [hbm4b:s4+s2], $0x80, v3, vm0, $0xb8;
	[tilespmem:$0x18200] =	vst v63  }
0x42: {  	s26 =	simm.s32 $0x4A00  }
0x43: {  	[tilespmem:s26], [sflag:$0x1] =	stream.indirect_vreg.gather [hbm4b:s5+s2], $0x80, v3, vm0, $0xb8;
	[tilespmem:$0x18200] =	vst v63  }
0x44: {  	s31 =	simm.s32 $0x5200  }
0x45: {  	[tilespmem:s31], [sflag:$0x1] =	stream.indirect_vreg.gather [hbm4b:s6+s2], $0x80, v3, vm0, $0xb8;
	[tilespmem:$0x18200] =	vst v63  }
0x46: {  	s1 =	simm.s32 $0x5A00  }
0x47: {  	[tilespmem:s1], [sflag:$0x1] =	stream.indirect_vreg.gather [hbm4b:s7+s2], $0x80, v3, vm0, $0xb8;
	[tilespmem:$0x18200] =	vst v63  }
0x48: {  	v3 =	vld [tilespmem:$0x18];
	_ =	sdelay $0x4  }
0x49: {  	v23 =	vshll.u32 v3, $0x3  }
0x4a: {  	v3 =	vand.u32 $0x7, v3;
	v4 =	vand.u32 $0xFFFFFFC0, v23  }
0x4b: {  	v3 =	vor.u32 v3, v4  }
0x4c: {  	v4 =	vperm.xlane v3, v0;
	_ =	sdelay $0x1  }
0x4d: {  	v4 =	vadd.s32 v1, v4;
	_ =	sdelay $0x3  }
0x4e: {  	s8 =	simm.s32 $0x6200  }
0x4f: {  	[tilespmem:s8], [sflag:$0x1] =	stream.indirect_vreg.gather [hbm4b:s4+s2], $0x80, v4, vm0, $0xb8;
	[tilespmem:$0x18200] =	vst v63  }
0x50: {  	s9 =	simm.s32 $0x6A00;
	v3 =	vperm.xlane v3, v2  }
0x51: {  	[tilespmem:s9], [sflag:$0x1] =	stream.indirect_vreg.gather [hbm4b:s5+s2], $0x80, v4, vm0, $0xb8;
	[tilespmem:$0x18200] =	vst v63  }
0x52: {  	s10 =	simm.s32 $0x7200;
	v3 =	vadd.s32 v1, v3  }
0x53: {  	[tilespmem:s10], [sflag:$0x1] =	stream.indirect_vreg.gather [hbm4b:s6+s2], $0x80, v4, vm0, $0xb8;
	[tilespmem:$0x18200] =	vst v63  }
0x54: {  	s13 =	simm.s32 $0x7A00  }
0x55: {  	[tilespmem:s13], [sflag:$0x1] =	stream.indirect_vreg.gather [hbm4b:s7+s2], $0x80, v4, vm0, $0xb8;
	[tilespmem:$0x18200] =	vst v63  }
0x56: {  	s14 =	simm.s32 $0x8200  }
0x57: {  	[tilespmem:s14], [sflag:$0x1] =	stream.indirect_vreg.gather [hbm4b:s4+s2], $0x80, v3, vm0, $0xb8;
	[tilespmem:$0x18200] =	vst v63  }
0x58: {  	s15 =	simm.s32 $0x8A00  }
0x59: {  	[tilespmem:s15], [sflag:$0x1] =	stream.indirect_vreg.gather [hbm4b:s5+s2], $0x80, v3, vm0, $0xb8;
	[tilespmem:$0x18200] =	vst v63  }
0x5a: {  	s17 =	simm.s32 $0x9200  }
0x5b: {  	[tilespmem:s17], [sflag:$0x1] =	stream.indirect_vreg.gather [hbm4b:s6+s2], $0x80, v3, vm0, $0xb8;
	[tilespmem:$0x18200] =	vst v63  }
0x5c: {  	s22 =	simm.s32 $0x9A00  }
0x5d: {  	[tilespmem:s22], [sflag:$0x1] =	stream.indirect_vreg.gather [hbm4b:s7+s2], $0x80, v3, vm0, $0xb8;
	[tilespmem:$0x18200] =	vst v63  }
0x5e: {  	v3 =	vld.msk [tilespmem:$0x28], $0xff;
	_ =	sdelay $0x4  }
0x5f: {  	v24 =	vshll.u32 v3, $0x3  }
0x60: {  	v3 =	vand.u32 $0x7, v3;
	v4 =	vand.u32 $0xFFFFFFC0, v24  }
0x61: {  	v3 =	vor.u32 v3, v4  }
0x62: {  	v3 =	vperm.xlane v3, v0;
	_ =	sdelay $0x1  }
0x63: {  	v3 =	vadd.s32 v1, v3;
	_ =	sdelay $0x3  }
0x64: {  	s26 =	simm.s32 $0xA200  }
0x65: {  	[tilespmem:s26], [sflag:$0x1] =	stream.indirect_vreg.gather [hbm4b:s4+s2], $0x80, v3, vm0, $0xb8;
	[tilespmem:$0x18200] =	vst v63  }
0x66: {  	s31 =	simm.s32 $0xAA00  }
0x67: {  	[tilespmem:s31], [sflag:$0x1] =	stream.indirect_vreg.gather [hbm4b:s5+s2], $0x80, v3, vm0, $0xb8;
	[tilespmem:$0x18200] =	vst v63  }
0x68: {  	s1 =	simm.s32 $0xB200  }
0x69: {  	[tilespmem:s1], [sflag:$0x1] =	stream.indirect_vreg.gather [hbm4b:s6+s2], $0x80, v3, vm0, $0xb8;
	[tilespmem:$0x18200] =	vst v63  }
0x6a: {  	s10 =	simm.s32 $0xBA00  }
0x6b: {  	[tilespmem:s10], [sflag:$0x1] =	stream.indirect_vreg.gather [hbm4b:s7+s2], $0x80, v3, vm0, $0xb8;
	[tilespmem:$0x18200] =	vst v63  }
0x6c: {  	v3 =	vld [tilespmem:$0x30];
	_ =	sdelay $0x4  }
0x6d: {  	v25 =	vshll.u32 v3, $0x3  }
0x6e: {  	v3 =	vand.u32 $0x7, v3;
	v4 =	vand.u32 $0xFFFFFFC0, v25  }
0x6f: {  	v3 =	vor.u32 v3, v4  }
0x70: {  	v4 =	vperm.xlane v3, v0;
	_ =	sdelay $0x1  }
0x71: {  	v4 =	vadd.s32 v1, v4;
	_ =	sdelay $0x3  }
0x72: {  	s26 =	simm.s32 $0xC200  }
0x73: {  	[tilespmem:s26], [sflag:$0x1] =	stream.indirect_vreg.gather [hbm4b:s4+s2], $0x80, v4, vm0, $0xb8;
	[tilespmem:$0x18200] =	vst v63  }
0x74: {  	s31 =	simm.s32 $0xCA00;
	v3 =	vperm.xlane v3, v2  }
0x75: {  	[tilespmem:s31], [sflag:$0x1] =	stream.indirect_vreg.gather [hbm4b:s5+s2], $0x80, v4, vm0, $0xb8;
	[tilespmem:$0x18200] =	vst v63  }
0x76: {  	s1 =	simm.s32 $0xD200;
	v3 =	vadd.s32 v1, v3  }
0x77: {  	[tilespmem:s1], [sflag:$0x1] =	stream.indirect_vreg.gather [hbm4b:s6+s2], $0x80, v4, vm0, $0xb8;
	[tilespmem:$0x18200] =	vst v63  }
0x78: {  	s10 =	simm.s32 $0xDA00  }
0x79: {  	[tilespmem:s10], [sflag:$0x1] =	stream.indirect_vreg.gather [hbm4b:s7+s2], $0x80, v4, vm0, $0xb8;
	[tilespmem:$0x18200] =	vst v63  }
0x7a: {  	s26 =	simm.s32 $0xE200  }
0x7b: {  	[tilespmem:s26], [sflag:$0x1] =	stream.indirect_vreg.gather [hbm4b:s4+s2], $0x80, v3, vm0, $0xb8;
	[tilespmem:$0x18200] =	vst v63  }
0x7c: {  	s31 =	simm.s32 $0xEA00  }
0x7d: {  	[tilespmem:s31], [sflag:$0x1] =	stream.indirect_vreg.gather [hbm4b:s5+s2], $0x80, v3, vm0, $0xb8;
	[tilespmem:$0x18200] =	vst v63  }
0x7e: {  	s1 =	simm.s32 $0xF200  }
0x7f: {  	[tilespmem:s1], [sflag:$0x1] =	stream.indirect_vreg.gather [hbm4b:s6+s2], $0x80, v3, vm0, $0xb8;
	[tilespmem:$0x18200] =	vst v63  }
0x80: {  	s10 =	simm.s32 $0xFA00  }
0x81: {  	[tilespmem:s10], [sflag:$0x1] =	stream.indirect_vreg.gather [hbm4b:s7+s2], $0x80, v3, vm0, $0xb8;
	[tilespmem:$0x18200] =	vst v63  }
0x82: {  	v3 =	vld.msk [tilespmem:$0x40], $0xff;
	_ =	sdelay $0x4  }
0x83: {  	v26 =	vshll.u32 v3, $0x3  }
0x84: {  	v3 =	vand.u32 $0x7, v3;
	v4 =	vand.u32 $0xFFFFFFC0, v26  }
0x85: {  	v3 =	vor.u32 v3, v4  }
0x86: {  	v3 =	vperm.xlane v3, v0;
	_ =	sdelay $0x1  }
0x87: {  	v3 =	vadd.s32 v1, v3;
	_ =	sdelay $0x3  }
0x88: {  	s31 =	simm.s32 $0x10200  }
0x89: {  	[tilespmem:s31], [sflag:$0x1] =	stream.indirect_vreg.gather [hbm4b:s4+s2], $0x80, v3, vm0, $0xb8;
	[tilespmem:$0x18200] =	vst v63  }
0x8a: {  	s1 =	simm.s32 $0x10A00  }
0x8b: {  	[tilespmem:s1], [sflag:$0x1] =	stream.indirect_vreg.gather [hbm4b:s5+s2], $0x80, v3, vm0, $0xb8;
	[tilespmem:$0x18200] =	vst v63  }
0x8c: {  	s10 =	simm.s32 $0x11200  }
0x8d: {  	[tilespmem:s10], [sflag:$0x1] =	stream.indirect_vreg.gather [hbm4b:s6+s2], $0x80, v3, vm0, $0xb8;
	[tilespmem:$0x18200] =	vst v63  }
0x8e: {  	s31 =	simm.s32 $0x11A00  }
0x8f: {  	[tilespmem:s31], [sflag:$0x1] =	stream.indirect_vreg.gather [hbm4b:s7+s2], $0x80, v3, vm0, $0xb8;
	[tilespmem:$0x18200] =	vst v63  }
0x90: {  	_ =	swait.ge [sflag:s30], $0x6000  }
0x91: {  	[sflag:s30] =	ssyncset.done $0x0  }
0x92: {  	s25 =	simm.s32 $0x200;
	s0 =	rddreg [dreg:$0x1a];
	[sflag:s30] =	ssyncadd.s32 $0xFFFFA000  }
0x93: {  	[hbm4b:s0+s2] =	stream.linear.scatter [tilespmem:s25], [sflag:$0x2], $0x6000, $0x38;
	[tilespmem:$0x18200] =	vst v63  }
0x94: {  	v3 =	vld [tilespmem:$0x48];
	_ =	sdelay $0x4  }
0x95: {  	v27 =	vshll.u32 v3, $0x3  }
0x96: {  	v3 =	vand.u32 $0x7, v3;
	v4 =	vand.u32 $0xFFFFFFC0, v27  }
0x97: {  	v3 =	vor.u32 v3, v4  }
0x98: {  	v4 =	vperm.xlane v3, v0;
	_ =	sdelay $0x1  }
0x99: {  	v4 =	vadd.s32 v1, v4;
	_ =	sdelay $0x3  }
0x9a: {  	s1 =	simm.s32 $0x12200  }
0x9b: {  	[tilespmem:s1], [sflag:$0x1] =	stream.indirect_vreg.gather [hbm4b:s4+s2], $0x80, v4, vm0, $0xb8;
	[tilespmem:$0x18200] =	vst v63  }
0x9c: {  	s10 =	simm.s32 $0x12A00;
	v3 =	vperm.xlane v3, v2  }
0x9d: {  	[tilespmem:s10], [sflag:$0x1] =	stream.indirect_vreg.gather [hbm4b:s5+s2], $0x80, v4, vm0, $0xb8;
	[tilespmem:$0x18200] =	vst v63  }
0x9e: {  	s31 =	simm.s32 $0x13200;
	v3 =	vadd.s32 v1, v3  }
0x9f: {  	[tilespmem:s31], [sflag:$0x1] =	stream.indirect_vreg.gather [hbm4b:s6+s2], $0x80, v4, vm0, $0xb8;
	[tilespmem:$0x18200] =	vst v63  }
0xa0: {  	s1 =	simm.s32 $0x13A00  }
0xa1: {  	[tilespmem:s1], [sflag:$0x1] =	stream.indirect_vreg.gather [hbm4b:s7+s2], $0x80, v4, vm0, $0xb8;
	[tilespmem:$0x18200] =	vst v63  }
0xa2: {  	s10 =	simm.s32 $0x14200  }
0xa3: {  	[tilespmem:s10], [sflag:$0x1] =	stream.indirect_vreg.gather [hbm4b:s4+s2], $0x80, v3, vm0, $0xb8;
	[tilespmem:$0x18200] =	vst v63  }
0xa4: {  	s31 =	simm.s32 $0x14A00  }
0xa5: {  	[tilespmem:s31], [sflag:$0x1] =	stream.indirect_vreg.gather [hbm4b:s5+s2], $0x80, v3, vm0, $0xb8;
	[tilespmem:$0x18200] =	vst v63  }
0xa6: {  	s1 =	simm.s32 $0x15200  }
0xa7: {  	[tilespmem:s1], [sflag:$0x1] =	stream.indirect_vreg.gather [hbm4b:s6+s2], $0x80, v3, vm0, $0xb8;
	[tilespmem:$0x18200] =	vst v63  }
0xa8: {  	s10 =	simm.s32 $0x15A00  }
0xa9: {  	[tilespmem:s10], [sflag:$0x1] =	stream.indirect_vreg.gather [hbm4b:s7+s2], $0x80, v3, vm0, $0xb8;
	[tilespmem:$0x18200] =	vst v63  }
0xaa: {  	v3 =	vld.msk [tilespmem:$0x58], $0xff;
	_ =	sdelay $0x4  }
0xab: {  	v28 =	vshll.u32 v3, $0x3  }
0xac: {  	v3 =	vand.u32 $0x7, v3;
	v4 =	vand.u32 $0xFFFFFFC0, v28  }
0xad: {  	v3 =	vor.u32 v3, v4  }
0xae: {  	v3 =	vperm.xlane v3, v0;
	_ =	sdelay $0x1  }
0xaf: {  	v3 =	vadd.s32 v1, v3;
	_ =	sdelay $0x3  }
0xb0: {  	s31 =	simm.s32 $0x16200  }
0xb1: {  	[tilespmem:s31], [sflag:$0x1] =	stream.indirect_vreg.gather [hbm4b:s4+s2], $0x80, v3, vm0, $0xb8;
	[tilespmem:$0x18200] =	vst v63  }
0xb2: {  	s1 =	simm.s32 $0x16A00  }
0xb3: {  	[tilespmem:s1], [sflag:$0x1] =	stream.indirect_vreg.gather [hbm4b:s5+s2], $0x80, v3, vm0, $0xb8;
	[tilespmem:$0x18200] =	vst v63  }
0xb4: {  	s10 =	simm.s32 $0x17200  }
0xb5: {  	[tilespmem:s10], [sflag:$0x1] =	stream.indirect_vreg.gather [hbm4b:s6+s2], $0x80, v3, vm0, $0xb8;
	[tilespmem:$0x18200] =	vst v63  }
0xb6: {  	s31 =	simm.s32 $0x17A00  }
0xb7: {  	[tilespmem:s31], [sflag:$0x1] =	stream.indirect_vreg.gather [hbm4b:s7+s2], $0x80, v3, vm0, $0xb8;
	[tilespmem:$0x18200] =	vst v63  }
0xb8: {  	_ =	swait.ge [sflag:s30], $0x6000  }
0xb9: {  	[sflag:s30] =	ssyncset.done $0x0  }
0xba: {  	s10 =	simm.s32 $0x6200;
	s0 =	rddreg [dreg:$0x5];
	[sflag:s30] =	ssyncadd.s32 $0xFFFFA000  }
0xbb: {  	[hbm4b:s0+s2] =	stream.linear.scatter [tilespmem:s10], [sflag:$0x2], $0x6000, $0x38;
	[tilespmem:$0x18200] =	vst v63  }
0xbc: {  	_ =	swait.ge [sflag:s29], $0x6000  }
0xbd: {  	[sflag:s29] =	ssyncset.done $0x0  }
0xbe: {  	[sflag:s29] =	ssyncadd.s32 $0xFFFFA000  }
0xbf: {  	v3 =	vld [tilespmem:$0x60];
	_ =	sdelay $0x4  }
0xc0: {  	v29 =	vshll.u32 v3, $0x3  }
0xc1: {  	v3 =	vand.u32 $0x7, v3;
	v4 =	vand.u32 $0xFFFFFFC0, v29  }
0xc2: {  	v3 =	vor.u32 v3, v4  }
0xc3: {  	v4 =	vperm.xlane v3, v0;
	_ =	sdelay $0x1  }
0xc4: {  	v4 =	vadd.s32 v1, v4;
	_ =	sdelay $0x3  }
0xc5: {  	s25 =	simm.s32 $0x200  }
0xc6: {  	[tilespmem:s25], [sflag:$0x1] =	stream.indirect_vreg.gather [hbm4b:s4+s2], $0x80, v4, vm0, $0xb8;
	[tilespmem:$0x18200] =	vst v63  }
0xc7: {  	s11 =	simm.s32 $0xA00;
	v3 =	vperm.xlane v3, v2  }
0xc8: {  	[tilespmem:s11], [sflag:$0x1] =	stream.indirect_vreg.gather [hbm4b:s5+s2], $0x80, v4, vm0, $0xb8;
	[tilespmem:$0x18200] =	vst v63  }
0xc9: {  	s3 =	simm.s32 $0x1200;
	v3 =	vadd.s32 v1, v3  }
0xca: {  	[tilespmem:s3], [sflag:$0x1] =	stream.indirect_vreg.gather [hbm4b:s6+s2], $0x80, v4, vm0, $0xb8;
	[tilespmem:$0x18200] =	vst v63  }
0xcb: {  	s28 =	simm.s32 $0x1A00  }
0xcc: {  	[tilespmem:s28], [sflag:$0x1] =	stream.indirect_vreg.gather [hbm4b:s7+s2], $0x80, v4, vm0, $0xb8;
	[tilespmem:$0x18200] =	vst v63  }
0xcd: {  	s16 =	simm.s32 $0x2200  }
0xce: {  	[tilespmem:s16], [sflag:$0x1] =	stream.indirect_vreg.gather [hbm4b:s4+s2], $0x80, v3, vm0, $0xb8;
	[tilespmem:$0x18200] =	vst v63  }
0xcf: {  	s18 =	simm.s32 $0x2A00  }
0xd0: {  	[tilespmem:s18], [sflag:$0x1] =	stream.indirect_vreg.gather [hbm4b:s5+s2], $0x80, v3, vm0, $0xb8;
	[tilespmem:$0x18200] =	vst v63  }
0xd1: {  	s19 =	simm.s32 $0x3200  }
0xd2: {  	[tilespmem:s19], [sflag:$0x1] =	stream.indirect_vreg.gather [hbm4b:s6+s2], $0x80, v3, vm0, $0xb8;
	[tilespmem:$0x18200] =	vst v63  }
0xd3: {  	s23 =	simm.s32 $0x3A00  }
0xd4: {  	[tilespmem:s23], [sflag:$0x1] =	stream.indirect_vreg.gather [hbm4b:s7+s2], $0x80, v3, vm0, $0xb8;
	[tilespmem:$0x18200] =	vst v63  }
0xd5: {  	v3 =	vld.msk [tilespmem:$0x70], $0xff;
	_ =	sdelay $0x4  }
0xd6: {  	v30 =	vshll.u32 v3, $0x3  }
0xd7: {  	v3 =	vand.u32 $0x7, v3;
	v4 =	vand.u32 $0xFFFFFFC0, v30  }
0xd8: {  	v3 =	vor.u32 v3, v4  }
0xd9: {  	v3 =	vperm.xlane v3, v0;
	_ =	sdelay $0x1  }
0xda: {  	v3 =	vadd.s32 v1, v3;
	_ =	sdelay $0x3  }
0xdb: {  	s20 =	simm.s32 $0x4200  }
0xdc: {  	[tilespmem:s20], [sflag:$0x1] =	stream.indirect_vreg.gather [hbm4b:s4+s2], $0x80, v3, vm0, $0xb8;
	[tilespmem:$0x18200] =	vst v63  }
0xdd: {  	s21 =	simm.s32 $0x4A00  }
0xde: {  	[tilespmem:s21], [sflag:$0x1] =	stream.indirect_vreg.gather [hbm4b:s5+s2], $0x80, v3, vm0, $0xb8;
	[tilespmem:$0x18200] =	vst v63  }
0xdf: {  	s24 =	simm.s32 $0x5200  }
0xe0: {  	[tilespmem:s24], [sflag:$0x1] =	stream.indirect_vreg.gather [hbm4b:s6+s2], $0x80, v3, vm0, $0xb8;
	[tilespmem:$0x18200] =	vst v63  }
0xe1: {  	s12 =	simm.s32 $0x5A00  }
0xe2: {  	[tilespmem:s12], [sflag:$0x1] =	stream.indirect_vreg.gather [hbm4b:s7+s2], $0x80, v3, vm0, $0xb8;
	[tilespmem:$0x18200] =	vst v63  }
0xe3: {  	_ =	swait.ge [sflag:s30], $0x6000  }
0xe4: {  	[sflag:s30] =	ssyncset.done $0x0  }
0xe5: {  	s12 =	simm.s32 $0xC200;
	s11 =	rddreg [dreg:$0x6];
	[sflag:s30] =	ssyncadd.s32 $0xFFFFA000  }
0xe6: {  	[hbm4b:s11+s2] =	stream.linear.scatter [tilespmem:s12], [sflag:$0x2], $0x6000, $0x38;
	[tilespmem:$0x18200] =	vst v63  }
0xe7: {  	_ =	swait.ge [sflag:s29], $0x6000  }
0xe8: {  	[sflag:s29] =	ssyncset.done $0x0  }
0xe9: {  	[sflag:s29] =	ssyncadd.s32 $0xFFFFA000  }
0xea: {  	v3 =	vld [tilespmem:$0x78];
	_ =	sdelay $0x4  }
0xeb: {  	v31 =	vshll.u32 v3, $0x3  }
0xec: {  	v3 =	vand.u32 $0x7, v3;
	v4 =	vand.u32 $0xFFFFFFC0, v31  }
0xed: {  	v3 =	vor.u32 v3, v4  }
0xee: {  	v4 =	vperm.xlane v3, v0;
	_ =	sdelay $0x1  }
0xef: {  	v4 =	vadd.s32 v1, v4;
	_ =	sdelay $0x4  }
0xf0: {  	[tilespmem:s10], [sflag:$0x1] =	stream.indirect_vreg.gather [hbm4b:s4+s2], $0x80, v4, vm0, $0xb8;
	[tilespmem:$0x18200] =	vst v63  }
0xf1: {  	s31 =	simm.s32 $0x6A00;
	v3 =	vperm.xlane v3, v2  }
0xf2: {  	[tilespmem:s31], [sflag:$0x1] =	stream.indirect_vreg.gather [hbm4b:s5+s2], $0x80, v4, vm0, $0xb8;
	[tilespmem:$0x18200] =	vst v63  }
0xf3: {  	v3 =	vadd.s32 v1, v3;
	s10 =	simm.s32 $0x7200  }
0xf4: {  	[tilespmem:s10], [sflag:$0x1] =	stream.indirect_vreg.gather [hbm4b:s6+s2], $0x80, v4, vm0, $0xb8;
	[tilespmem:$0x18200] =	vst v63  }
0xf5: {  	s9 =	simm.s32 $0x7A00  }
0xf6: {  	[tilespmem:s9], [sflag:$0x1] =	stream.indirect_vreg.gather [hbm4b:s7+s2], $0x80, v4, vm0, $0xb8;
	[tilespmem:$0x18200] =	vst v63  }
0xf7: {  	s25 =	simm.s32 $0x8200  }
0xf8: {  	[tilespmem:s25], [sflag:$0x1] =	stream.indirect_vreg.gather [hbm4b:s4+s2], $0x80, v3, vm0, $0xb8;
	[tilespmem:$0x18200] =	vst v63  }
0xf9: {  	s13 =	simm.s32 $0x8A00  }
0xfa: {  	[tilespmem:s13], [sflag:$0x1] =	stream.indirect_vreg.gather [hbm4b:s5+s2], $0x80, v3, vm0, $0xb8;
	[tilespmem:$0x18200] =	vst v63  }
0xfb: {  	s14 =	simm.s32 $0x9200  }
0xfc: {  	[tilespmem:s14], [sflag:$0x1] =	stream.indirect_vreg.gather [hbm4b:s6+s2], $0x80, v3, vm0, $0xb8;
	[tilespmem:$0x18200] =	vst v63  }
0xfd: {  	s22 =	simm.s32 $0x9A00  }
0xfe: {  	[tilespmem:s22], [sflag:$0x1] =	stream.indirect_vreg.gather [hbm4b:s7+s2], $0x80, v3, vm0, $0xb8;
	[tilespmem:$0x18200] =	vst v63  }
0xff: {  	v3 =	vld.msk [tilespmem:$0x88], $0xff;
	_ =	sdelay $0x4  }
0x100: {  	v32 =	vshll.u32 v3, $0x3  }
0x101: {  	v3 =	vand.u32 $0x7, v3;
	v4 =	vand.u32 $0xFFFFFFC0, v32  }
0x102: {  	v3 =	vor.u32 v3, v4  }
0x103: {  	v3 =	vperm.xlane v3, v0;
	_ =	sdelay $0x1  }
0x104: {  	v3 =	vadd.s32 v1, v3;
	_ =	sdelay $0x3  }
0x105: {  	s15 =	simm.s32 $0xA200  }
0x106: {  	[tilespmem:s15], [sflag:$0x1] =	stream.indirect_vreg.gather [hbm4b:s4+s2], $0x80, v3, vm0, $0xb8;
	[tilespmem:$0x18200] =	vst v63  }
0x107: {  	s8 =	simm.s32 $0xAA00  }
0x108: {  	[tilespmem:s8], [sflag:$0x1] =	stream.indirect_vreg.gather [hbm4b:s5+s2], $0x80, v3, vm0, $0xb8;
	[tilespmem:$0x18200] =	vst v63  }
0x109: {  	s17 =	simm.s32 $0xB200  }
0x10a: {  	[tilespmem:s17], [sflag:$0x1] =	stream.indirect_vreg.gather [hbm4b:s6+s2], $0x80, v3, vm0, $0xb8;
	[tilespmem:$0x18200] =	vst v63  }
0x10b: {  	s3 =	simm.s32 $0xBA00  }
0x10c: {  	[tilespmem:s3], [sflag:$0x1] =	stream.indirect_vreg.gather [hbm4b:s7+s2], $0x80, v3, vm0, $0xb8;
	[tilespmem:$0x18200] =	vst v63  }
0x10d: {  	_ =	swait.ge [sflag:s30], $0x6000  }
0x10e: {  	[sflag:s30] =	ssyncset.done $0x0  }
0x10f: {  	s14 =	simm.s32 $0x12200;
	s13 =	rddreg [dreg:$0x7];
	[sflag:s30] =	ssyncadd.s32 $0xFFFFA000  }
0x110: {  	[hbm4b:s13+s2] =	stream.linear.scatter [tilespmem:s14], [sflag:$0x2], $0x6000, $0x38;
	[tilespmem:$0x18200] =	vst v63  }
0x111: {  	_ =	swait.ge [sflag:s29], $0x6000  }
0x112: {  	[sflag:s29] =	ssyncset.done $0x0  }
0x113: {  	[sflag:s29] =	ssyncadd.s32 $0xFFFFA000  }
0x114: {  	v3 =	vld [tilespmem:$0x90];
	_ =	sdelay $0x4  }
0x115: {  	v33 =	vshll.u32 v3, $0x3  }
0x116: {  	v3 =	vand.u32 $0x7, v3;
	v4 =	vand.u32 $0xFFFFFFC0, v33  }
0x117: {  	v3 =	vor.u32 v3, v4  }
0x118: {  	v4 =	vperm.xlane v3, v0;
	_ =	sdelay $0x1  }
0x119: {  	v4 =	vadd.s32 v1, v4;
	_ =	sdelay $0x4  }
0x11a: {  	[tilespmem:s12], [sflag:$0x1] =	stream.indirect_vreg.gather [hbm4b:s4+s2], $0x80, v4, vm0, $0xb8;
	[tilespmem:$0x18200] =	vst v63  }
0x11b: {  	s21 =	simm.s32 $0xCA00;
	v3 =	vperm.xlane v3, v2  }
0x11c: {  	[tilespmem:s21], [sflag:$0x1] =	stream.indirect_vreg.gather [hbm4b:s5+s2], $0x80, v4, vm0, $0xb8;
	[tilespmem:$0x18200] =	vst v63  }
0x11d: {  	s15 =	simm.s32 $0xD200;
	v3 =	vadd.s32 v1, v3  }
0x11e: {  	[tilespmem:s15], [sflag:$0x1] =	stream.indirect_vreg.gather [hbm4b:s6+s2], $0x80, v4, vm0, $0xb8;
	[tilespmem:$0x18200] =	vst v63  }
0x11f: {  	s16 =	simm.s32 $0xDA00  }
0x120: {  	[tilespmem:s16], [sflag:$0x1] =	stream.indirect_vreg.gather [hbm4b:s7+s2], $0x80, v4, vm0, $0xb8;
	[tilespmem:$0x18200] =	vst v63  }
0x121: {  	s26 =	simm.s32 $0xE200  }
0x122: {  	[tilespmem:s26], [sflag:$0x1] =	stream.indirect_vreg.gather [hbm4b:s4+s2], $0x80, v3, vm0, $0xb8;
	[tilespmem:$0x18200] =	vst v63  }
0x123: {  	s28 =	simm.s32 $0xEA00  }
0x124: {  	[tilespmem:s28], [sflag:$0x1] =	stream.indirect_vreg.gather [hbm4b:s5+s2], $0x80, v3, vm0, $0xb8;
	[tilespmem:$0x18200] =	vst v63  }
0x125: {  	s16 =	simm.s32 $0xF200  }
0x126: {  	[tilespmem:s16], [sflag:$0x1] =	stream.indirect_vreg.gather [hbm4b:s6+s2], $0x80, v3, vm0, $0xb8;
	[tilespmem:$0x18200] =	vst v63  }
0x127: {  	s23 =	simm.s32 $0xFA00  }
0x128: {  	[tilespmem:s23], [sflag:$0x1] =	stream.indirect_vreg.gather [hbm4b:s7+s2], $0x80, v3, vm0, $0xb8;
	[tilespmem:$0x18200] =	vst v63  }
0x129: {  	v3 =	vld.msk [tilespmem:$0xA0], $0xff;
	_ =	sdelay $0x4  }
0x12a: {  	v34 =	vshll.u32 v3, $0x3  }
0x12b: {  	v3 =	vand.u32 $0x7, v3;
	v4 =	vand.u32 $0xFFFFFFC0, v34  }
0x12c: {  	v3 =	vor.u32 v3, v4  }
0x12d: {  	v3 =	vperm.xlane v3, v0;
	_ =	sdelay $0x1  }
0x12e: {  	v3 =	vadd.s32 v1, v3;
	_ =	sdelay $0x3  }
0x12f: {  	s18 =	simm.s32 $0x10200  }
0x130: {  	[tilespmem:s18], [sflag:$0x1] =	stream.indirect_vreg.gather [hbm4b:s4+s2], $0x80, v3, vm0, $0xb8;
	[tilespmem:$0x18200] =	vst v63  }
0x131: {  	s19 =	simm.s32 $0x10A00  }
0x132: {  	[tilespmem:s19], [sflag:$0x1] =	stream.indirect_vreg.gather [hbm4b:s5+s2], $0x80, v3, vm0, $0xb8;
	[tilespmem:$0x18200] =	vst v63  }
0x133: {  	s20 =	simm.s32 $0x11200  }
0x134: {  	[tilespmem:s20], [sflag:$0x1] =	stream.indirect_vreg.gather [hbm4b:s6+s2], $0x80, v3, vm0, $0xb8;
	[tilespmem:$0x18200] =	vst v63  }
0x135: {  	s11 =	simm.s32 $0x11A00  }
0x136: {  	[tilespmem:s11], [sflag:$0x1] =	stream.indirect_vreg.gather [hbm4b:s7+s2], $0x80, v3, vm0, $0xb8;
	[tilespmem:$0x18200] =	vst v63  }
0x137: {  	_ =	swait.ge [sflag:s30], $0x6000  }
0x138: {  	[sflag:s30] =	ssyncset.done $0x0  }
0x139: {  	s8 =	simm.s32 $0x200;
	s17 =	rddreg [dreg:$0x8];
	[sflag:s30] =	ssyncadd.s32 $0xFFFFA000  }
0x13a: {  	[hbm4b:s17+s2] =	stream.linear.scatter [tilespmem:s8], [sflag:$0x2], $0x6000, $0x38;
	[tilespmem:$0x18200] =	vst v63  }
0x13b: {  	_ =	swait.ge [sflag:s29], $0x6000  }
0x13c: {  	[sflag:s29] =	ssyncset.done $0x0  }
0x13d: {  	[sflag:s29] =	ssyncadd.s32 $0xFFFFA000  }
0x13e: {  	v3 =	vld [tilespmem:$0xA8];
	_ =	sdelay $0x4  }
0x13f: {  	v35 =	vshll.u32 v3, $0x3  }
0x140: {  	v3 =	vand.u32 $0x7, v3;
	v4 =	vand.u32 $0xFFFFFFC0, v35  }
0x141: {  	v3 =	vor.u32 v3, v4  }
0x142: {  	v4 =	vperm.xlane v3, v0;
	_ =	sdelay $0x1  }
0x143: {  	v4 =	vadd.s32 v1, v4;
	_ =	sdelay $0x4  }
0x144: {  	[tilespmem:s14], [sflag:$0x1] =	stream.indirect_vreg.gather [hbm4b:s4+s2], $0x80, v4, vm0, $0xb8;
	[tilespmem:$0x18200] =	vst v63  }
0x145: {  	s24 =	simm.s32 $0x12A00;
	v3 =	vperm.xlane v3, v2  }
0x146: {  	[tilespmem:s24], [sflag:$0x1] =	stream.indirect_vreg.gather [hbm4b:s5+s2], $0x80, v4, vm0, $0xb8;
	[tilespmem:$0x18200] =	vst v63  }
0x147: {  	s26 =	simm.s32 $0x13200;
	v3 =	vadd.s32 v1, v3  }
0x148: {  	[tilespmem:s26], [sflag:$0x1] =	stream.indirect_vreg.gather [hbm4b:s6+s2], $0x80, v4, vm0, $0xb8;
	[tilespmem:$0x18200] =	vst v63  }
0x149: {  	s12 =	simm.s32 $0x13A00  }
0x14a: {  	[tilespmem:s12], [sflag:$0x1] =	stream.indirect_vreg.gather [hbm4b:s7+s2], $0x80, v4, vm0, $0xb8;
	[tilespmem:$0x18200] =	vst v63  }
0x14b: {  	s24 =	simm.s32 $0x14200  }
0x14c: {  	[tilespmem:s24], [sflag:$0x1] =	stream.indirect_vreg.gather [hbm4b:s4+s2], $0x80, v3, vm0, $0xb8;
	[tilespmem:$0x18200] =	vst v63  }
0x14d: {  	s13 =	simm.s32 $0x14A00  }
0x14e: {  	[tilespmem:s13], [sflag:$0x1] =	stream.indirect_vreg.gather [hbm4b:s5+s2], $0x80, v3, vm0, $0xb8;
	[tilespmem:$0x18200] =	vst v63  }
0x14f: {  	s14 =	simm.s32 $0x15200  }
0x150: {  	[tilespmem:s14], [sflag:$0x1] =	stream.indirect_vreg.gather [hbm4b:s6+s2], $0x80, v3, vm0, $0xb8;
	[tilespmem:$0x18200] =	vst v63  }
0x151: {  	s1 =	simm.s32 $0x15A00  }
0x152: {  	[tilespmem:s1], [sflag:$0x1] =	stream.indirect_vreg.gather [hbm4b:s7+s2], $0x80, v3, vm0, $0xb8;
	[tilespmem:$0x18200] =	vst v63  }
0x153: {  	v3 =	vld.msk [tilespmem:$0xB8], $0xff;
	_ =	sdelay $0x4  }
0x154: {  	v36 =	vshll.u32 v3, $0x3  }
0x155: {  	v3 =	vand.u32 $0x7, v3;
	v4 =	vand.u32 $0xFFFFFFC0, v36  }
0x156: {  	v3 =	vor.u32 v3, v4  }
0x157: {  	v3 =	vperm.xlane v3, v0;
	_ =	sdelay $0x1  }
0x158: {  	v3 =	vadd.s32 v1, v3;
	_ =	sdelay $0x3  }
0x159: {  	s15 =	simm.s32 $0x16200  }
0x15a: {  	[tilespmem:s15], [sflag:$0x1] =	stream.indirect_vreg.gather [hbm4b:s4+s2], $0x80, v3, vm0, $0xb8;
	[tilespmem:$0x18200] =	vst v63  }
0x15b: {  	s17 =	simm.s32 $0x16A00  }
0x15c: {  	[tilespmem:s17], [sflag:$0x1] =	stream.indirect_vreg.gather [hbm4b:s5+s2], $0x80, v3, vm0, $0xb8;
	[tilespmem:$0x18200] =	vst v63  }
0x15d: {  	s26 =	simm.s32 $0x17200  }
0x15e: {  	[tilespmem:s26], [sflag:$0x1] =	stream.indirect_vreg.gather [hbm4b:s6+s2], $0x80, v3, vm0, $0xb8;
	[tilespmem:$0x18200] =	vst v63  }
0x15f: {  	s9 =	simm.s32 $0x17A00  }
0x160: {  	[tilespmem:s9], [sflag:$0x1] =	stream.indirect_vreg.gather [hbm4b:s7+s2], $0x80, v3, vm0, $0xb8;
	[tilespmem:$0x18200] =	vst v63  }
0x161: {  	_ =	swait.ge [sflag:s30], $0x6000  }
0x162: {  	[sflag:s30] =	ssyncset.done $0x0  }
0x163: {  	s9 =	simm.s32 $0x6200;
	s0 =	rddreg [dreg:$0x9];
	[sflag:s30] =	ssyncadd.s32 $0xFFFFA000  }
0x164: {  	[hbm4b:s0+s2] =	stream.linear.scatter [tilespmem:s9], [sflag:$0x2], $0x6000, $0x38;
	[tilespmem:$0x18200] =	vst v63  }
0x165: {  	_ =	swait.ge [sflag:s29], $0x6000  }
0x166: {  	[sflag:s29] =	ssyncset.done $0x0  }
0x167: {  	[sflag:s29] =	ssyncadd.s32 $0xFFFFA000  }
0x168: {  	v3 =	vld [tilespmem:$0xC0];
	_ =	sdelay $0x4  }
0x169: {  	v37 =	vshll.u32 v3, $0x3  }
0x16a: {  	v3 =	vand.u32 $0x7, v3;
	v4 =	vand.u32 $0xFFFFFFC0, v37  }
0x16b: {  	v3 =	vor.u32 v3, v4  }
0x16c: {  	v4 =	vperm.xlane v3, v0;
	_ =	sdelay $0x1  }
0x16d: {  	v4 =	vadd.s32 v1, v4;
	_ =	sdelay $0x4  }
0x16e: {  	[tilespmem:s8], [sflag:$0x1] =	stream.indirect_vreg.gather [hbm4b:s4+s2], $0x80, v4, vm0, $0xb8;
	[tilespmem:$0x18200] =	vst v63  }
0x16f: {  	s1 =	simm.s32 $0xA00;
	v3 =	vperm.xlane v3, v2  }
0x170: {  	[tilespmem:s1], [sflag:$0x1] =	stream.indirect_vreg.gather [hbm4b:s5+s2], $0x80, v4, vm0, $0xb8;
	[tilespmem:$0x18200] =	vst v63  }
0x171: {  	v3 =	vadd.s32 v1, v3;
	s1 =	simm.s32 $0x1200  }
0x172: {  	[tilespmem:s1], [sflag:$0x1] =	stream.indirect_vreg.gather [hbm4b:s6+s2], $0x80, v4, vm0, $0xb8;
	[tilespmem:$0x18200] =	vst v63  }
0x173: {  	s1 =	simm.s32 $0x1A00  }
0x174: {  	[tilespmem:s1], [sflag:$0x1] =	stream.indirect_vreg.gather [hbm4b:s7+s2], $0x80, v4, vm0, $0xb8;
	[tilespmem:$0x18200] =	vst v63  }
0x175: {  	s1 =	simm.s32 $0x2200  }
0x176: {  	[tilespmem:s1], [sflag:$0x1] =	stream.indirect_vreg.gather [hbm4b:s4+s2], $0x80, v3, vm0, $0xb8;
	[tilespmem:$0x18200] =	vst v63  }
0x177: {  	s1 =	simm.s32 $0x2A00  }
0x178: {  	[tilespmem:s1], [sflag:$0x1] =	stream.indirect_vreg.gather [hbm4b:s5+s2], $0x80, v3, vm0, $0xb8;
	[tilespmem:$0x18200] =	vst v63  }
0x179: {  	s1 =	simm.s32 $0x3200  }
0x17a: {  	[tilespmem:s1], [sflag:$0x1] =	stream.indirect_vreg.gather [hbm4b:s6+s2], $0x80, v3, vm0, $0xb8;
	[tilespmem:$0x18200] =	vst v63  }
0x17b: {  	s1 =	simm.s32 $0x3A00  }
0x17c: {  	[tilespmem:s1], [sflag:$0x1] =	stream.indirect_vreg.gather [hbm4b:s7+s2], $0x80, v3, vm0, $0xb8;
	[tilespmem:$0x18200] =	vst v63  }
0x17d: {  	v3 =	vld.msk [tilespmem:$0xD0], $0xff;
	_ =	sdelay $0x4  }
0x17e: {  	v38 =	vshll.u32 v3, $0x3  }
0x17f: {  	v3 =	vand.u32 $0x7, v3;
	v4 =	vand.u32 $0xFFFFFFC0, v38  }
0x180: {  	v3 =	vor.u32 v3, v4  }
0x181: {  	v3 =	vperm.xlane v3, v0;
	_ =	sdelay $0x1  }
0x182: {  	v3 =	vadd.s32 v1, v3;
	_ =	sdelay $0x3  }
0x183: {  	s1 =	simm.s32 $0x4200  }
0x184: {  	[tilespmem:s1], [sflag:$0x1] =	stream.indirect_vreg.gather [hbm4b:s4+s2], $0x80, v3, vm0, $0xb8;
	[tilespmem:$0x18200] =	vst v63  }
0x185: {  	s1 =	simm.s32 $0x4A00  }
0x186: {  	[tilespmem:s1], [sflag:$0x1] =	stream.indirect_vreg.gather [hbm4b:s5+s2], $0x80, v3, vm0, $0xb8;
	[tilespmem:$0x18200] =	vst v63  }
0x187: {  	s1 =	simm.s32 $0x5200  }
0x188: {  	[tilespmem:s1], [sflag:$0x1] =	stream.indirect_vreg.gather [hbm4b:s6+s2], $0x80, v3, vm0, $0xb8;
	[tilespmem:$0x18200] =	vst v63  }
0x189: {  	s1 =	simm.s32 $0x5A00  }
0x18a: {  	[tilespmem:s1], [sflag:$0x1] =	stream.indirect_vreg.gather [hbm4b:s7+s2], $0x80, v3, vm0, $0xb8;
	[tilespmem:$0x18200] =	vst v63  }
0x18b: {  	_ =	swait.ge [sflag:s30], $0x6000  }
0x18c: {  	[sflag:s30] =	ssyncset.done $0x0  }
0x18d: {  	s22 =	simm.s32 $0xC200;
	s0 =	rddreg [dreg:$0xa];
	[sflag:s30] =	ssyncadd.s32 $0xFFFFA000  }
0x18e: {  	[hbm4b:s0+s2] =	stream.linear.scatter [tilespmem:s22], [sflag:$0x2], $0x6000, $0x38;
	[tilespmem:$0x18200] =	vst v63  }
0x18f: {  	_ =	swait.ge [sflag:s29], $0x6000  }
0x190: {  	[sflag:s29] =	ssyncset.done $0x0  }
0x191: {  	[sflag:s29] =	ssyncadd.s32 $0xFFFFA000  }
0x192: {  	v3 =	vld [tilespmem:$0xD8];
	_ =	sdelay $0x4  }
0x193: {  	v39 =	vshll.u32 v3, $0x3  }
0x194: {  	v3 =	vand.u32 $0x7, v3;
	v4 =	vand.u32 $0xFFFFFFC0, v39  }
0x195: {  	v3 =	vor.u32 v3, v4  }
0x196: {  	v4 =	vperm.xlane v3, v0;
	_ =	sdelay $0x1  }
0x197: {  	v4 =	vadd.s32 v1, v4;
	_ =	sdelay $0x4  }
0x198: {  	[tilespmem:s9], [sflag:$0x1] =	stream.indirect_vreg.gather [hbm4b:s4+s2], $0x80, v4, vm0, $0xb8;
	[tilespmem:$0x18200] =	vst v63  }
0x199: {  	v3 =	vperm.xlane v3, v2  }
0x19a: {  	[tilespmem:s31], [sflag:$0x1] =	stream.indirect_vreg.gather [hbm4b:s5+s2], $0x80, v4, vm0, $0xb8;
	[tilespmem:$0x18200] =	vst v63  }
0x19b: {  	v3 =	vadd.s32 v1, v3  }
0x19c: {  	[tilespmem:s10], [sflag:$0x1] =	stream.indirect_vreg.gather [hbm4b:s6+s2], $0x80, v4, vm0, $0xb8;
	[tilespmem:$0x18200] =	vst v63  }
0x19d: {  	s22 =	simm.s32 $0x7A00  }
0x19e: {  	[tilespmem:s22], [sflag:$0x1] =	stream.indirect_vreg.gather [hbm4b:s7+s2], $0x80, v4, vm0, $0xb8;
	[tilespmem:$0x18200] =	vst v63  }
0x19f: {  	_ = 	snop  }
0x1a0: {  	[tilespmem:s25], [sflag:$0x1] =	stream.indirect_vreg.gather [hbm4b:s4+s2], $0x80, v3, vm0, $0xb8;
	[tilespmem:$0x18200] =	vst v63  }
0x1a1: {  	s25 =	simm.s32 $0x8A00  }
0x1a2: {  	[tilespmem:s25], [sflag:$0x1] =	stream.indirect_vreg.gather [hbm4b:s5+s2], $0x80, v3, vm0, $0xb8;
	[tilespmem:$0x18200] =	vst v63  }
0x1a3: {  	s22 =	simm.s32 $0x9200  }
0x1a4: {  	[tilespmem:s22], [sflag:$0x1] =	stream.indirect_vreg.gather [hbm4b:s6+s2], $0x80, v3, vm0, $0xb8;
	[tilespmem:$0x18200] =	vst v63  }
0x1a5: {  	s31 =	simm.s32 $0x9A00  }
0x1a6: {  	[tilespmem:s31], [sflag:$0x1] =	stream.indirect_vreg.gather [hbm4b:s7+s2], $0x80, v3, vm0, $0xb8;
	[tilespmem:$0x18200] =	vst v63  }
0x1a7: {  	v3 =	vld.msk [tilespmem:$0xE8], $0xff;
	_ =	sdelay $0x4  }
0x1a8: {  	v40 =	vshll.u32 v3, $0x3  }
0x1a9: {  	v3 =	vand.u32 $0x7, v3;
	v4 =	vand.u32 $0xFFFFFFC0, v40  }
0x1aa: {  	v3 =	vor.u32 v3, v4  }
0x1ab: {  	v3 =	vperm.xlane v3, v0;
	_ =	sdelay $0x1  }
0x1ac: {  	v3 =	vadd.s32 v1, v3;
	_ =	sdelay $0x3  }
0x1ad: {  	s10 =	simm.s32 $0xA200  }
0x1ae: {  	[tilespmem:s10], [sflag:$0x1] =	stream.indirect_vreg.gather [hbm4b:s4+s2], $0x80, v3, vm0, $0xb8;
	[tilespmem:$0x18200] =	vst v63  }
0x1af: {  	s31 =	simm.s32 $0xAA00  }
0x1b0: {  	[tilespmem:s31], [sflag:$0x1] =	stream.indirect_vreg.gather [hbm4b:s5+s2], $0x80, v3, vm0, $0xb8;
	[tilespmem:$0x18200] =	vst v63  }
0x1b1: {  	s10 =	simm.s32 $0xB200  }
0x1b2: {  	[tilespmem:s10], [sflag:$0x1] =	stream.indirect_vreg.gather [hbm4b:s6+s2], $0x80, v3, vm0, $0xb8;
	[tilespmem:$0x18200] =	vst v63  }
0x1b3: {  	_ = 	snop  }
0x1b4: {  	[tilespmem:s3], [sflag:$0x1] =	stream.indirect_vreg.gather [hbm4b:s7+s2], $0x80, v3, vm0, $0xb8;
	[tilespmem:$0x18200] =	vst v63  }
0x1b5: {  	_ =	swait.ge [sflag:s30], $0x6000  }
0x1b6: {  	[sflag:s30] =	ssyncset.done $0x0  }
0x1b7: {  	s3 =	simm.s32 $0x12200;
	s1 =	rddreg [dreg:$0xb];
	[sflag:s30] =	ssyncadd.s32 $0xFFFFA000  }
0x1b8: {  	[hbm4b:s1+s2] =	stream.linear.scatter [tilespmem:s3], [sflag:$0x2], $0x6000, $0x38;
	[tilespmem:$0x18200] =	vst v63  }
0x1b9: {  	_ =	swait.ge [sflag:s29], $0x6000  }
0x1ba: {  	[sflag:s29] =	ssyncset.done $0x0  }
0x1bb: {  	[sflag:s29] =	ssyncadd.s32 $0xFFFFA000  }
0x1bc: {  	v3 =	vld [tilespmem:$0xF0];
	_ =	sdelay $0x4  }
0x1bd: {  	v41 =	vshll.u32 v3, $0x3  }
0x1be: {  	v3 =	vand.u32 $0x7, v3;
	v4 =	vand.u32 $0xFFFFFFC0, v41  }
0x1bf: {  	v3 =	vor.u32 v3, v4  }
0x1c0: {  	v4 =	vperm.xlane v3, v0;
	_ =	sdelay $0x1  }
0x1c1: {  	v4 =	vadd.s32 v1, v4;
	_ =	sdelay $0x3  }
0x1c2: {  	s0 =	simm.s32 $0xC200  }
0x1c3: {  	[tilespmem:s0], [sflag:$0x1] =	stream.indirect_vreg.gather [hbm4b:s4+s2], $0x80, v4, vm0, $0xb8;
	[tilespmem:$0x18200] =	vst v63  }
0x1c4: {  	v3 =	vperm.xlane v3, v2  }
0x1c5: {  	[tilespmem:s21], [sflag:$0x1] =	stream.indirect_vreg.gather [hbm4b:s5+s2], $0x80, v4, vm0, $0xb8;
	[tilespmem:$0x18200] =	vst v63  }
0x1c6: {  	v3 =	vadd.s32 v1, v3;
	s21 =	simm.s32 $0xD200  }
0x1c7: {  	[tilespmem:s21], [sflag:$0x1] =	stream.indirect_vreg.gather [hbm4b:s6+s2], $0x80, v4, vm0, $0xb8;
	[tilespmem:$0x18200] =	vst v63  }
0x1c8: {  	s1 =	simm.s32 $0xDA00  }
0x1c9: {  	[tilespmem:s1], [sflag:$0x1] =	stream.indirect_vreg.gather [hbm4b:s7+s2], $0x80, v4, vm0, $0xb8;
	[tilespmem:$0x18200] =	vst v63  }
0x1ca: {  	s1 =	simm.s32 $0xE200  }
0x1cb: {  	[tilespmem:s1], [sflag:$0x1] =	stream.indirect_vreg.gather [hbm4b:s4+s2], $0x80, v3, vm0, $0xb8;
	[tilespmem:$0x18200] =	vst v63  }
0x1cc: {  	_ = 	snop  }
0x1cd: {  	[tilespmem:s28], [sflag:$0x1] =	stream.indirect_vreg.gather [hbm4b:s5+s2], $0x80, v3, vm0, $0xb8;
	[tilespmem:$0x18200] =	vst v63  }
0x1ce: {  	_ = 	snop  }
0x1cf: {  	[tilespmem:s16], [sflag:$0x1] =	stream.indirect_vreg.gather [hbm4b:s6+s2], $0x80, v3, vm0, $0xb8;
	[tilespmem:$0x18200] =	vst v63  }
0x1d0: {  	_ = 	snop  }
0x1d1: {  	[tilespmem:s23], [sflag:$0x1] =	stream.indirect_vreg.gather [hbm4b:s7+s2], $0x80, v3, vm0, $0xb8;
	[tilespmem:$0x18200] =	vst v63  }
0x1d2: {  	v3 =	vld.msk [tilespmem:$0x100], $0xff;
	_ =	sdelay $0x4  }
0x1d3: {  	v42 =	vshll.u32 v3, $0x3  }
0x1d4: {  	v3 =	vand.u32 $0x7, v3;
	v4 =	vand.u32 $0xFFFFFFC0, v42  }
0x1d5: {  	v3 =	vor.u32 v3, v4  }
0x1d6: {  	v3 =	vperm.xlane v3, v0;
	_ =	sdelay $0x1  }
0x1d7: {  	v3 =	vadd.s32 v1, v3;
	_ =	sdelay $0x4  }
0x1d8: {  	[tilespmem:s18], [sflag:$0x1] =	stream.indirect_vreg.gather [hbm4b:s4+s2], $0x80, v3, vm0, $0xb8;
	[tilespmem:$0x18200] =	vst v63  }
0x1d9: {  	_ = 	snop  }
0x1da: {  	[tilespmem:s19], [sflag:$0x1] =	stream.indirect_vreg.gather [hbm4b:s5+s2], $0x80, v3, vm0, $0xb8;
	[tilespmem:$0x18200] =	vst v63  }
0x1db: {  	_ = 	snop  }
0x1dc: {  	[tilespmem:s20], [sflag:$0x1] =	stream.indirect_vreg.gather [hbm4b:s6+s2], $0x80, v3, vm0, $0xb8;
	[tilespmem:$0x18200] =	vst v63  }
0x1dd: {  	_ = 	snop  }
0x1de: {  	[tilespmem:s11], [sflag:$0x1] =	stream.indirect_vreg.gather [hbm4b:s7+s2], $0x80, v3, vm0, $0xb8;
	[tilespmem:$0x18200] =	vst v63  }
0x1df: {  	_ =	swait.ge [sflag:s30], $0x6000  }
0x1e0: {  	[sflag:s30] =	ssyncset.done $0x0  }
0x1e1: {  	s20 =	rddreg [dreg:$0xc];
	[sflag:s30] =	ssyncadd.s32 $0xFFFFA000  }
0x1e2: {  	[hbm4b:s20+s2] =	stream.linear.scatter [tilespmem:s8], [sflag:$0x2], $0x6000, $0x38;
	[tilespmem:$0x18200] =	vst v63  }
0x1e3: {  	_ =	swait.ge [sflag:s29], $0x6000  }
0x1e4: {  	[sflag:s29] =	ssyncset.done $0x0  }
0x1e5: {  	[sflag:s29] =	ssyncadd.s32 $0xFFFFA000  }
0x1e6: {  	v3 =	vld [tilespmem:$0x108];
	_ =	sdelay $0x4  }
0x1e7: {  	v43 =	vshll.u32 v3, $0x3  }
0x1e8: {  	v3 =	vand.u32 $0x7, v3;
	v4 =	vand.u32 $0xFFFFFFC0, v43  }
0x1e9: {  	v3 =	vor.u32 v3, v4  }
0x1ea: {  	v4 =	vperm.xlane v3, v0;
	_ =	sdelay $0x1  }
0x1eb: {  	v4 =	vadd.s32 v1, v4;
	_ =	sdelay $0x3  }
0x1ec: {  	s3 =	simm.s32 $0x12200  }
0x1ed: {  	[tilespmem:s3], [sflag:$0x1] =	stream.indirect_vreg.gather [hbm4b:s4+s2], $0x80, v4, vm0, $0xb8;
	[tilespmem:$0x18200] =	vst v63  }
0x1ee: {  	s23 =	simm.s32 $0x12A00;
	v3 =	vperm.xlane v3, v2  }
0x1ef: {  	[tilespmem:s23], [sflag:$0x1] =	stream.indirect_vreg.gather [hbm4b:s5+s2], $0x80, v4, vm0, $0xb8;
	[tilespmem:$0x18200] =	vst v63  }
0x1f0: {  	s28 =	simm.s32 $0x13200;
	v3 =	vadd.s32 v1, v3  }
0x1f1: {  	[tilespmem:s28], [sflag:$0x1] =	stream.indirect_vreg.gather [hbm4b:s6+s2], $0x80, v4, vm0, $0xb8;
	[tilespmem:$0x18200] =	vst v63  }
0x1f2: {  	_ = 	snop  }
0x1f3: {  	[tilespmem:s12], [sflag:$0x1] =	stream.indirect_vreg.gather [hbm4b:s7+s2], $0x80, v4, vm0, $0xb8;
	[tilespmem:$0x18200] =	vst v63  }
0x1f4: {  	_ = 	snop  }
0x1f5: {  	[tilespmem:s24], [sflag:$0x1] =	stream.indirect_vreg.gather [hbm4b:s4+s2], $0x80, v3, vm0, $0xb8;
	[tilespmem:$0x18200] =	vst v63  }
0x1f6: {  	_ = 	snop  }
0x1f7: {  	[tilespmem:s13], [sflag:$0x1] =	stream.indirect_vreg.gather [hbm4b:s5+s2], $0x80, v3, vm0, $0xb8;
	[tilespmem:$0x18200] =	vst v63  }
0x1f8: {  	_ = 	snop  }
0x1f9: {  	[tilespmem:s14], [sflag:$0x1] =	stream.indirect_vreg.gather [hbm4b:s6+s2], $0x80, v3, vm0, $0xb8;
	[tilespmem:$0x18200] =	vst v63  }
0x1fa: {  	s3 =	simm.s32 $0x15A00  }
0x1fb: {  	[tilespmem:s3], [sflag:$0x1] =	stream.indirect_vreg.gather [hbm4b:s7+s2], $0x80, v3, vm0, $0xb8;
	[tilespmem:$0x18200] =	vst v63  }
0x1fc: {  	v3 =	vld.msk [tilespmem:$0x118], $0xff;
	_ =	sdelay $0x4  }
0x1fd: {  	v44 =	vshll.u32 v3, $0x3  }
0x1fe: {  	v3 =	vand.u32 $0x7, v3;
	v4 =	vand.u32 $0xFFFFFFC0, v44  }
0x1ff: {  	v3 =	vor.u32 v3, v4  }
0x200: {  	v3 =	vperm.xlane v3, v0;
	_ =	sdelay $0x1  }
0x201: {  	v3 =	vadd.s32 v1, v3;
	_ =	sdelay $0x4  }
0x202: {  	[tilespmem:s15], [sflag:$0x1] =	stream.indirect_vreg.gather [hbm4b:s4+s2], $0x80, v3, vm0, $0xb8;
	[tilespmem:$0x18200] =	vst v63  }
0x203: {  	_ = 	snop  }
0x204: {  	[tilespmem:s17], [sflag:$0x1] =	stream.indirect_vreg.gather [hbm4b:s5+s2], $0x80, v3, vm0, $0xb8;
	[tilespmem:$0x18200] =	vst v63  }
0x205: {  	_ = 	snop  }
0x206: {  	[tilespmem:s26], [sflag:$0x1] =	stream.indirect_vreg.gather [hbm4b:s6+s2], $0x80, v3, vm0, $0xb8;
	[tilespmem:$0x18200] =	vst v63  }
0x207: {  	s8 =	simm.s32 $0x17A00  }
0x208: {  	[tilespmem:s8], [sflag:$0x1] =	stream.indirect_vreg.gather [hbm4b:s7+s2], $0x80, v3, vm0, $0xb8;
	[tilespmem:$0x18200] =	vst v63  }
0x209: {  	_ =	swait.ge [sflag:s30], $0x6000  }
0x20a: {  	[sflag:s30] =	ssyncset.done $0x0  }
0x20b: {  	s12 =	rddreg [dreg:$0xd];
	[sflag:s30] =	ssyncadd.s32 $0xFFFFA000  }
0x20c: {  	[hbm4b:s12+s2] =	stream.linear.scatter [tilespmem:s9], [sflag:$0x2], $0x6000, $0x38;
	[tilespmem:$0x18200] =	vst v63  }
0x20d: {  	_ =	swait.ge [sflag:s29], $0x6000  }
0x20e: {  	[sflag:s29] =	ssyncset.done $0x0  }
0x20f: {  	[sflag:s29] =	ssyncadd.s32 $0xFFFFA000  }
0x210: {  	v3 =	vld [tilespmem:$0x120];
	_ =	sdelay $0x4  }
0x211: {  	v45 =	vshll.u32 v3, $0x3  }
0x212: {  	v3 =	vand.u32 $0x7, v3;
	v4 =	vand.u32 $0xFFFFFFC0, v45  }
0x213: {  	v3 =	vor.u32 v3, v4  }
0x214: {  	v4 =	vperm.xlane v3, v0;
	_ =	sdelay $0x1  }
0x215: {  	v4 =	vadd.s32 v1, v4;
	_ =	sdelay $0x3  }
0x216: {  	s11 =	simm.s32 $0x200  }
0x217: {  	[tilespmem:s11], [sflag:$0x1] =	stream.indirect_vreg.gather [hbm4b:s4+s2], $0x80, v4, vm0, $0xb8;
	[tilespmem:$0x18200] =	vst v63  }
0x218: {  	s13 =	simm.s32 $0xA00;
	v3 =	vperm.xlane v3, v2  }
0x219: {  	[tilespmem:s13], [sflag:$0x1] =	stream.indirect_vreg.gather [hbm4b:s5+s2], $0x80, v4, vm0, $0xb8;
	[tilespmem:$0x18200] =	vst v63  }
0x21a: {  	s14 =	simm.s32 $0x1200;
	v3 =	vadd.s32 v1, v3  }
0x21b: {  	[tilespmem:s14], [sflag:$0x1] =	stream.indirect_vreg.gather [hbm4b:s6+s2], $0x80, v4, vm0, $0xb8;
	[tilespmem:$0x18200] =	vst v63  }
0x21c: {  	s15 =	simm.s32 $0x1A00  }
0x21d: {  	[tilespmem:s15], [sflag:$0x1] =	stream.indirect_vreg.gather [hbm4b:s7+s2], $0x80, v4, vm0, $0xb8;
	[tilespmem:$0x18200] =	vst v63  }
0x21e: {  	s17 =	simm.s32 $0x2200  }
0x21f: {  	[tilespmem:s17], [sflag:$0x1] =	stream.indirect_vreg.gather [hbm4b:s4+s2], $0x80, v3, vm0, $0xb8;
	[tilespmem:$0x18200] =	vst v63  }
0x220: {  	s24 =	simm.s32 $0x2A00  }
0x221: {  	[tilespmem:s24], [sflag:$0x1] =	stream.indirect_vreg.gather [hbm4b:s5+s2], $0x80, v3, vm0, $0xb8;
	[tilespmem:$0x18200] =	vst v63  }
0x222: {  	s26 =	simm.s32 $0x3200  }
0x223: {  	[tilespmem:s26], [sflag:$0x1] =	stream.indirect_vreg.gather [hbm4b:s6+s2], $0x80, v3, vm0, $0xb8;
	[tilespmem:$0x18200] =	vst v63  }
0x224: {  	s8 =	simm.s32 $0x3A00  }
0x225: {  	[tilespmem:s8], [sflag:$0x1] =	stream.indirect_vreg.gather [hbm4b:s7+s2], $0x80, v3, vm0, $0xb8;
	[tilespmem:$0x18200] =	vst v63  }
0x226: {  	v3 =	vld.msk [tilespmem:$0x130], $0xff;
	_ =	sdelay $0x4  }
0x227: {  	v46 =	vshll.u32 v3, $0x3  }
0x228: {  	v3 =	vand.u32 $0x7, v3;
	v4 =	vand.u32 $0xFFFFFFC0, v46  }
0x229: {  	v3 =	vor.u32 v3, v4  }
0x22a: {  	v3 =	vperm.xlane v3, v0;
	_ =	sdelay $0x1  }
0x22b: {  	v3 =	vadd.s32 v1, v3;
	_ =	sdelay $0x3  }
0x22c: {  	s9 =	simm.s32 $0x4200  }
0x22d: {  	[tilespmem:s9], [sflag:$0x1] =	stream.indirect_vreg.gather [hbm4b:s4+s2], $0x80, v3, vm0, $0xb8;
	[tilespmem:$0x18200] =	vst v63  }
0x22e: {  	s12 =	simm.s32 $0x4A00  }
0x22f: {  	[tilespmem:s12], [sflag:$0x1] =	stream.indirect_vreg.gather [hbm4b:s5+s2], $0x80, v3, vm0, $0xb8;
	[tilespmem:$0x18200] =	vst v63  }
0x230: {  	s13 =	simm.s32 $0x5200  }
0x231: {  	[tilespmem:s13], [sflag:$0x1] =	stream.indirect_vreg.gather [hbm4b:s6+s2], $0x80, v3, vm0, $0xb8;
	[tilespmem:$0x18200] =	vst v63  }
0x232: {  	s14 =	simm.s32 $0x5A00  }
0x233: {  	[tilespmem:s14], [sflag:$0x1] =	stream.indirect_vreg.gather [hbm4b:s7+s2], $0x80, v3, vm0, $0xb8;
	[tilespmem:$0x18200] =	vst v63  }
0x234: {  	_ =	swait.ge [sflag:s30], $0x6000  }
0x235: {  	[sflag:s30] =	ssyncset.done $0x0  }
0x236: {  	s0 =	simm.s32 $0xC200;
	s15 =	rddreg [dreg:$0xe];
	[sflag:s30] =	ssyncadd.s32 $0xFFFFA000  }
0x237: {  	[hbm4b:s15+s2] =	stream.linear.scatter [tilespmem:s0], [sflag:$0x2], $0x6000, $0x38;
	[tilespmem:$0x18200] =	vst v63  }
0x238: {  	_ =	swait.ge [sflag:s29], $0x6000  }
0x239: {  	[sflag:s29] =	ssyncset.done $0x0  }
0x23a: {  	[sflag:s29] =	ssyncadd.s32 $0xFFFFA000  }
0x23b: {  	v3 =	vld [tilespmem:$0x138];
	_ =	sdelay $0x4  }
0x23c: {  	v47 =	vshll.u32 v3, $0x3  }
0x23d: {  	v3 =	vand.u32 $0x7, v3;
	v4 =	vand.u32 $0xFFFFFFC0, v47  }
0x23e: {  	v3 =	vor.u32 v3, v4  }
0x23f: {  	v4 =	vperm.xlane v3, v0;
	_ =	sdelay $0x1  }
0x240: {  	v4 =	vadd.s32 v1, v4;
	_ =	sdelay $0x3  }
0x241: {  	s3 =	simm.s32 $0x6200  }
0x242: {  	[tilespmem:s3], [sflag:$0x1] =	stream.indirect_vreg.gather [hbm4b:s4+s2], $0x80, v4, vm0, $0xb8;
	[tilespmem:$0x18200] =	vst v63  }
0x243: {  	s0 =	simm.s32 $0x6A00;
	v3 =	vperm.xlane v3, v2  }
0x244: {  	[tilespmem:s0], [sflag:$0x1] =	stream.indirect_vreg.gather [hbm4b:s5+s2], $0x80, v4, vm0, $0xb8;
	[tilespmem:$0x18200] =	vst v63  }
0x245: {  	s8 =	simm.s32 $0x7200;
	v3 =	vadd.s32 v1, v3  }
0x246: {  	[tilespmem:s8], [sflag:$0x1] =	stream.indirect_vreg.gather [hbm4b:s6+s2], $0x80, v4, vm0, $0xb8;
	[tilespmem:$0x18200] =	vst v63  }
0x247: {  	s9 =	simm.s32 $0x7A00  }
0x248: {  	[tilespmem:s9], [sflag:$0x1] =	stream.indirect_vreg.gather [hbm4b:s7+s2], $0x80, v4, vm0, $0xb8;
	[tilespmem:$0x18200] =	vst v63  }
0x249: {  	s17 =	simm.s32 $0x8200  }
0x24a: {  	[tilespmem:s17], [sflag:$0x1] =	stream.indirect_vreg.gather [hbm4b:s4+s2], $0x80, v3, vm0, $0xb8;
	[tilespmem:$0x18200] =	vst v63  }
0x24b: {  	_ = 	snop  }
0x24c: {  	[tilespmem:s25], [sflag:$0x1] =	stream.indirect_vreg.gather [hbm4b:s5+s2], $0x80, v3, vm0, $0xb8;
	[tilespmem:$0x18200] =	vst v63  }
0x24d: {  	_ = 	snop  }
0x24e: {  	[tilespmem:s22], [sflag:$0x1] =	stream.indirect_vreg.gather [hbm4b:s6+s2], $0x80, v3, vm0, $0xb8;
	[tilespmem:$0x18200] =	vst v63  }
0x24f: {  	s24 =	simm.s32 $0x9A00  }
0x250: {  	[tilespmem:s24], [sflag:$0x1] =	stream.indirect_vreg.gather [hbm4b:s7+s2], $0x80, v3, vm0, $0xb8;
	[tilespmem:$0x18200] =	vst v63  }
0x251: {  	v3 =	vld.msk [tilespmem:$0x148], $0xff;
	_ =	sdelay $0x4  }
0x252: {  	v48 =	vshll.u32 v3, $0x3  }
0x253: {  	v3 =	vand.u32 $0x7, v3;
	v4 =	vand.u32 $0xFFFFFFC0, v48  }
0x254: {  	v3 =	vor.u32 v3, v4  }
0x255: {  	v3 =	vperm.xlane v3, v0;
	_ =	sdelay $0x1  }
0x256: {  	v3 =	vadd.s32 v1, v3;
	_ =	sdelay $0x3  }
0x257: {  	s25 =	simm.s32 $0xA200  }
0x258: {  	[tilespmem:s25], [sflag:$0x1] =	stream.indirect_vreg.gather [hbm4b:s4+s2], $0x80, v3, vm0, $0xb8;
	[tilespmem:$0x18200] =	vst v63  }
0x259: {  	_ = 	snop  }
0x25a: {  	[tilespmem:s31], [sflag:$0x1] =	stream.indirect_vreg.gather [hbm4b:s5+s2], $0x80, v3, vm0, $0xb8;
	[tilespmem:$0x18200] =	vst v63  }
0x25b: {  	_ = 	snop  }
0x25c: {  	[tilespmem:s10], [sflag:$0x1] =	stream.indirect_vreg.gather [hbm4b:s6+s2], $0x80, v3, vm0, $0xb8;
	[tilespmem:$0x18200] =	vst v63  }
0x25d: {  	s14 =	simm.s32 $0xBA00  }
0x25e: {  	[tilespmem:s14], [sflag:$0x1] =	stream.indirect_vreg.gather [hbm4b:s7+s2], $0x80, v3, vm0, $0xb8;
	[tilespmem:$0x18200] =	vst v63  }
0x25f: {  	_ =	swait.ge [sflag:s30], $0x6000  }
0x260: {  	[sflag:s30] =	ssyncset.done $0x0  }
0x261: {  	s16 =	simm.s32 $0x12200;
	s24 =	rddreg [dreg:$0xf];
	[sflag:s30] =	ssyncadd.s32 $0xFFFFA000  }
0x262: {  	[hbm4b:s24+s2] =	stream.linear.scatter [tilespmem:s16], [sflag:$0x2], $0x6000, $0x38;
	[tilespmem:$0x18200] =	vst v63  }
0x263: {  	_ =	swait.ge [sflag:s29], $0x6000  }
0x264: {  	[sflag:s29] =	ssyncset.done $0x0  }
0x265: {  	[sflag:s29] =	ssyncadd.s32 $0xFFFFA000  }
0x266: {  	v3 =	vld [tilespmem:$0x150];
	_ =	sdelay $0x4  }
0x267: {  	v49 =	vshll.u32 v3, $0x3  }
0x268: {  	v3 =	vand.u32 $0x7, v3;
	v4 =	vand.u32 $0xFFFFFFC0, v49  }
0x269: {  	v3 =	vor.u32 v3, v4  }
0x26a: {  	v4 =	vperm.xlane v3, v0;
	_ =	sdelay $0x1  }
0x26b: {  	v4 =	vadd.s32 v1, v4;
	_ =	sdelay $0x3  }
0x26c: {  	s12 =	simm.s32 $0xC200  }
0x26d: {  	[tilespmem:s12], [sflag:$0x1] =	stream.indirect_vreg.gather [hbm4b:s4+s2], $0x80, v4, vm0, $0xb8;
	[tilespmem:$0x18200] =	vst v63  }
0x26e: {  	s31 =	simm.s32 $0xCA00;
	v3 =	vperm.xlane v3, v2  }
0x26f: {  	[tilespmem:s31], [sflag:$0x1] =	stream.indirect_vreg.gather [hbm4b:s5+s2], $0x80, v4, vm0, $0xb8;
	[tilespmem:$0x18200] =	vst v63  }
0x270: {  	v3 =	vadd.s32 v1, v3  }
0x271: {  	[tilespmem:s21], [sflag:$0x1] =	stream.indirect_vreg.gather [hbm4b:s6+s2], $0x80, v4, vm0, $0xb8;
	[tilespmem:$0x18200] =	vst v63  }
0x272: {  	s10 =	simm.s32 $0xDA00  }
0x273: {  	[tilespmem:s10], [sflag:$0x1] =	stream.indirect_vreg.gather [hbm4b:s7+s2], $0x80, v4, vm0, $0xb8;
	[tilespmem:$0x18200] =	vst v63  }
0x274: {  	s14 =	simm.s32 $0xE200  }
0x275: {  	[tilespmem:s14], [sflag:$0x1] =	stream.indirect_vreg.gather [hbm4b:s4+s2], $0x80, v3, vm0, $0xb8;
	[tilespmem:$0x18200] =	vst v63  }
0x276: {  	s24 =	simm.s32 $0xEA00  }
0x277: {  	[tilespmem:s24], [sflag:$0x1] =	stream.indirect_vreg.gather [hbm4b:s5+s2], $0x80, v3, vm0, $0xb8;
	[tilespmem:$0x18200] =	vst v63  }
0x278: {  	s10 =	simm.s32 $0xF200  }
0x279: {  	[tilespmem:s10], [sflag:$0x1] =	stream.indirect_vreg.gather [hbm4b:s6+s2], $0x80, v3, vm0, $0xb8;
	[tilespmem:$0x18200] =	vst v63  }
0x27a: {  	s24 =	simm.s32 $0xFA00  }
0x27b: {  	[tilespmem:s24], [sflag:$0x1] =	stream.indirect_vreg.gather [hbm4b:s7+s2], $0x80, v3, vm0, $0xb8;
	[tilespmem:$0x18200] =	vst v63  }
0x27c: {  	v3 =	vld.msk [tilespmem:$0x160], $0xff;
	_ =	sdelay $0x4  }
0x27d: {  	v50 =	vshll.u32 v3, $0x3  }
0x27e: {  	v3 =	vand.u32 $0x7, v3;
	v4 =	vand.u32 $0xFFFFFFC0, v50  }
0x27f: {  	v3 =	vor.u32 v3, v4  }
0x280: {  	v3 =	vperm.xlane v3, v0;
	_ =	sdelay $0x1  }
0x281: {  	v3 =	vadd.s32 v1, v3;
	_ =	sdelay $0x3  }
0x282: {  	s10 =	simm.s32 $0x10200  }
0x283: {  	[tilespmem:s10], [sflag:$0x1] =	stream.indirect_vreg.gather [hbm4b:s4+s2], $0x80, v3, vm0, $0xb8;
	[tilespmem:$0x18200] =	vst v63  }
0x284: {  	s24 =	simm.s32 $0x10A00  }
0x285: {  	[tilespmem:s24], [sflag:$0x1] =	stream.indirect_vreg.gather [hbm4b:s5+s2], $0x80, v3, vm0, $0xb8;
	[tilespmem:$0x18200] =	vst v63  }
0x286: {  	s10 =	simm.s32 $0x11200  }
0x287: {  	[tilespmem:s10], [sflag:$0x1] =	stream.indirect_vreg.gather [hbm4b:s6+s2], $0x80, v3, vm0, $0xb8;
	[tilespmem:$0x18200] =	vst v63  }
0x288: {  	s24 =	simm.s32 $0x11A00  }
0x289: {  	[tilespmem:s24], [sflag:$0x1] =	stream.indirect_vreg.gather [hbm4b:s7+s2], $0x80, v3, vm0, $0xb8;
	[tilespmem:$0x18200] =	vst v63  }
0x28a: {  	_ =	swait.ge [sflag:s30], $0x6000  }
0x28b: {  	[sflag:s30] =	ssyncset.done $0x0  }
0x28c: {  	s10 =	rddreg [dreg:$0x10];
	[sflag:s30] =	ssyncadd.s32 $0xFFFFA000  }
0x28d: {  	[hbm4b:s10+s2] =	stream.linear.scatter [tilespmem:s11], [sflag:$0x2], $0x6000, $0x38;
	[tilespmem:$0x18200] =	vst v63  }
0x28e: {  	_ =	swait.ge [sflag:s29], $0x6000  }
0x28f: {  	[sflag:s29] =	ssyncset.done $0x0  }
0x290: {  	[sflag:s29] =	ssyncadd.s32 $0xFFFFA000  }
0x291: {  	v3 =	vld [tilespmem:$0x168];
	_ =	sdelay $0x4  }
0x292: {  	v51 =	vshll.u32 v3, $0x3  }
0x293: {  	v3 =	vand.u32 $0x7, v3;
	v4 =	vand.u32 $0xFFFFFFC0, v51  }
0x294: {  	v3 =	vor.u32 v3, v4  }
0x295: {  	v4 =	vperm.xlane v3, v0;
	_ =	sdelay $0x1  }
0x296: {  	v4 =	vadd.s32 v1, v4;
	_ =	sdelay $0x4  }
0x297: {  	[tilespmem:s16], [sflag:$0x1] =	stream.indirect_vreg.gather [hbm4b:s4+s2], $0x80, v4, vm0, $0xb8;
	[tilespmem:$0x18200] =	vst v63  }
0x298: {  	s24 =	simm.s32 $0x12A00;
	v3 =	vperm.xlane v3, v2  }
0x299: {  	[tilespmem:s24], [sflag:$0x1] =	stream.indirect_vreg.gather [hbm4b:s5+s2], $0x80, v4, vm0, $0xb8;
	[tilespmem:$0x18200] =	vst v63  }
0x29a: {  	s28 =	simm.s32 $0x13200;
	v3 =	vadd.s32 v1, v3  }
0x29b: {  	[tilespmem:s28], [sflag:$0x1] =	stream.indirect_vreg.gather [hbm4b:s6+s2], $0x80, v4, vm0, $0xb8;
	[tilespmem:$0x18200] =	vst v63  }
0x29c: {  	s18 =	simm.s32 $0x13A00  }
0x29d: {  	[tilespmem:s18], [sflag:$0x1] =	stream.indirect_vreg.gather [hbm4b:s7+s2], $0x80, v4, vm0, $0xb8;
	[tilespmem:$0x18200] =	vst v63  }
0x29e: {  	s19 =	simm.s32 $0x14200  }
0x29f: {  	[tilespmem:s19], [sflag:$0x1] =	stream.indirect_vreg.gather [hbm4b:s4+s2], $0x80, v3, vm0, $0xb8;
	[tilespmem:$0x18200] =	vst v63  }
0x2a0: {  	s28 =	simm.s32 $0x14A00  }
0x2a1: {  	[tilespmem:s28], [sflag:$0x1] =	stream.indirect_vreg.gather [hbm4b:s5+s2], $0x80, v3, vm0, $0xb8;
	[tilespmem:$0x18200] =	vst v63  }
0x2a2: {  	s20 =	simm.s32 $0x15200  }
0x2a3: {  	[tilespmem:s20], [sflag:$0x1] =	stream.indirect_vreg.gather [hbm4b:s6+s2], $0x80, v3, vm0, $0xb8;
	[tilespmem:$0x18200] =	vst v63  }
0x2a4: {  	s10 =	simm.s32 $0x15A00  }
0x2a5: {  	[tilespmem:s10], [sflag:$0x1] =	stream.indirect_vreg.gather [hbm4b:s7+s2], $0x80, v3, vm0, $0xb8;
	[tilespmem:$0x18200] =	vst v63  }
0x2a6: {  	v3 =	vld.msk [tilespmem:$0x178], $0xff;
	_ =	sdelay $0x4  }
0x2a7: {  	v52 =	vshll.u32 v3, $0x3  }
0x2a8: {  	v3 =	vand.u32 $0x7, v3;
	v4 =	vand.u32 $0xFFFFFFC0, v52  }
0x2a9: {  	v3 =	vor.u32 v3, v4  }
0x2aa: {  	v3 =	vperm.xlane v3, v0;
	_ =	sdelay $0x1  }
0x2ab: {  	v3 =	vadd.s32 v1, v3;
	_ =	sdelay $0x3  }
0x2ac: {  	s23 =	simm.s32 $0x16200  }
0x2ad: {  	[tilespmem:s23], [sflag:$0x1] =	stream.indirect_vreg.gather [hbm4b:s4+s2], $0x80, v3, vm0, $0xb8;
	[tilespmem:$0x18200] =	vst v63  }
0x2ae: {  	s10 =	simm.s32 $0x16A00  }
0x2af: {  	[tilespmem:s10], [sflag:$0x1] =	stream.indirect_vreg.gather [hbm4b:s5+s2], $0x80, v3, vm0, $0xb8;
	[tilespmem:$0x18200] =	vst v63  }
0x2b0: {  	s10 =	simm.s32 $0x17200  }
0x2b1: {  	[tilespmem:s10], [sflag:$0x1] =	stream.indirect_vreg.gather [hbm4b:s6+s2], $0x80, v3, vm0, $0xb8;
	[tilespmem:$0x18200] =	vst v63  }
0x2b2: {  	s10 =	simm.s32 $0x17A00  }
0x2b3: {  	[tilespmem:s10], [sflag:$0x1] =	stream.indirect_vreg.gather [hbm4b:s7+s2], $0x80, v3, vm0, $0xb8;
	[tilespmem:$0x18200] =	vst v63  }
0x2b4: {  	_ =	swait.ge [sflag:s30], $0x6000  }
0x2b5: {  	[sflag:s30] =	ssyncset.done $0x0  }
0x2b6: {  	s10 =	rddreg [dreg:$0x11];
	[sflag:s30] =	ssyncadd.s32 $0xFFFFA000  }
0x2b7: {  	[hbm4b:s10+s2] =	stream.linear.scatter [tilespmem:s3], [sflag:$0x2], $0x6000, $0x38;
	[tilespmem:$0x18200] =	vst v63  }
0x2b8: {  	_ =	swait.ge [sflag:s29], $0x6000  }
0x2b9: {  	[sflag:s29] =	ssyncset.done $0x0  }
0x2ba: {  	[sflag:s29] =	ssyncadd.s32 $0xFFFFA000  }
0x2bb: {  	v3 =	vld [tilespmem:$0x180];
	_ =	sdelay $0x4  }
0x2bc: {  	v53 =	vshll.u32 v3, $0x3  }
0x2bd: {  	v3 =	vand.u32 $0x7, v3;
	v4 =	vand.u32 $0xFFFFFFC0, v53  }
0x2be: {  	v3 =	vor.u32 v3, v4  }
0x2bf: {  	v4 =	vperm.xlane v3, v0;
	_ =	sdelay $0x1  }
0x2c0: {  	v4 =	vadd.s32 v1, v4;
	_ =	sdelay $0x4  }
0x2c1: {  	[tilespmem:s11], [sflag:$0x1] =	stream.indirect_vreg.gather [hbm4b:s4+s2], $0x80, v4, vm0, $0xb8;
	[tilespmem:$0x18200] =	vst v63  }
0x2c2: {  	s10 =	simm.s32 $0xA00;
	v3 =	vperm.xlane v3, v2  }
0x2c3: {  	[tilespmem:s10], [sflag:$0x1] =	stream.indirect_vreg.gather [hbm4b:s5+s2], $0x80, v4, vm0, $0xb8;
	[tilespmem:$0x18200] =	vst v63  }
0x2c4: {  	v3 =	vadd.s32 v1, v3;
	s10 =	simm.s32 $0x1200  }
0x2c5: {  	[tilespmem:s10], [sflag:$0x1] =	stream.indirect_vreg.gather [hbm4b:s6+s2], $0x80, v4, vm0, $0xb8;
	[tilespmem:$0x18200] =	vst v63  }
0x2c6: {  	s10 =	simm.s32 $0x1A00  }
0x2c7: {  	[tilespmem:s10], [sflag:$0x1] =	stream.indirect_vreg.gather [hbm4b:s7+s2], $0x80, v4, vm0, $0xb8;
	[tilespmem:$0x18200] =	vst v63  }
0x2c8: {  	s10 =	simm.s32 $0x2200  }
0x2c9: {  	[tilespmem:s10], [sflag:$0x1] =	stream.indirect_vreg.gather [hbm4b:s4+s2], $0x80, v3, vm0, $0xb8;
	[tilespmem:$0x18200] =	vst v63  }
0x2ca: {  	s10 =	simm.s32 $0x2A00  }
0x2cb: {  	[tilespmem:s10], [sflag:$0x1] =	stream.indirect_vreg.gather [hbm4b:s5+s2], $0x80, v3, vm0, $0xb8;
	[tilespmem:$0x18200] =	vst v63  }
0x2cc: {  	s10 =	simm.s32 $0x3200  }
0x2cd: {  	[tilespmem:s10], [sflag:$0x1] =	stream.indirect_vreg.gather [hbm4b:s6+s2], $0x80, v3, vm0, $0xb8;
	[tilespmem:$0x18200] =	vst v63  }
0x2ce: {  	s10 =	simm.s32 $0x3A00  }
0x2cf: {  	[tilespmem:s10], [sflag:$0x1] =	stream.indirect_vreg.gather [hbm4b:s7+s2], $0x80, v3, vm0, $0xb8;
	[tilespmem:$0x18200] =	vst v63  }
0x2d0: {  	v3 =	vld.msk [tilespmem:$0x190], $0xff;
	_ =	sdelay $0x4  }
0x2d1: {  	v54 =	vshll.u32 v3, $0x3  }
0x2d2: {  	v3 =	vand.u32 $0x7, v3;
	v4 =	vand.u32 $0xFFFFFFC0, v54  }
0x2d3: {  	v3 =	vor.u32 v3, v4  }
0x2d4: {  	v3 =	vperm.xlane v3, v0;
	_ =	sdelay $0x1  }
0x2d5: {  	v3 =	vadd.s32 v1, v3;
	_ =	sdelay $0x3  }
0x2d6: {  	s10 =	simm.s32 $0x4200  }
0x2d7: {  	[tilespmem:s10], [sflag:$0x1] =	stream.indirect_vreg.gather [hbm4b:s4+s2], $0x80, v3, vm0, $0xb8;
	[tilespmem:$0x18200] =	vst v63  }
0x2d8: {  	s10 =	simm.s32 $0x4A00  }
0x2d9: {  	[tilespmem:s10], [sflag:$0x1] =	stream.indirect_vreg.gather [hbm4b:s5+s2], $0x80, v3, vm0, $0xb8;
	[tilespmem:$0x18200] =	vst v63  }
0x2da: {  	s10 =	simm.s32 $0x5200  }
0x2db: {  	[tilespmem:s10], [sflag:$0x1] =	stream.indirect_vreg.gather [hbm4b:s6+s2], $0x80, v3, vm0, $0xb8;
	[tilespmem:$0x18200] =	vst v63  }
0x2dc: {  	s10 =	simm.s32 $0x5A00  }
0x2dd: {  	[tilespmem:s10], [sflag:$0x1] =	stream.indirect_vreg.gather [hbm4b:s7+s2], $0x80, v3, vm0, $0xb8;
	[tilespmem:$0x18200] =	vst v63  }
0x2de: {  	_ =	swait.ge [sflag:s30], $0x6000  }
0x2df: {  	[sflag:s30] =	ssyncset.done $0x0  }
0x2e0: {  	s10 =	rddreg [dreg:$0x12];
	[sflag:s30] =	ssyncadd.s32 $0xFFFFA000  }
0x2e1: {  	[hbm4b:s10+s2] =	stream.linear.scatter [tilespmem:s12], [sflag:$0x2], $0x6000, $0x38;
	[tilespmem:$0x18200] =	vst v63  }
0x2e2: {  	_ =	swait.ge [sflag:s29], $0x6000  }
0x2e3: {  	[sflag:s29] =	ssyncset.done $0x0  }
0x2e4: {  	[sflag:s29] =	ssyncadd.s32 $0xFFFFA000  }
0x2e5: {  	v3 =	vld [tilespmem:$0x198];
	_ =	sdelay $0x4  }
0x2e6: {  	v55 =	vshll.u32 v3, $0x3  }
0x2e7: {  	v3 =	vand.u32 $0x7, v3;
	v4 =	vand.u32 $0xFFFFFFC0, v55  }
0x2e8: {  	v3 =	vor.u32 v3, v4  }
0x2e9: {  	v4 =	vperm.xlane v3, v0;
	_ =	sdelay $0x1  }
0x2ea: {  	v4 =	vadd.s32 v1, v4;
	_ =	sdelay $0x4  }
0x2eb: {  	[tilespmem:s3], [sflag:$0x1] =	stream.indirect_vreg.gather [hbm4b:s4+s2], $0x80, v4, vm0, $0xb8;
	[tilespmem:$0x18200] =	vst v63  }
0x2ec: {  	v3 =	vperm.xlane v3, v2  }
0x2ed: {  	[tilespmem:s0], [sflag:$0x1] =	stream.indirect_vreg.gather [hbm4b:s5+s2], $0x80, v4, vm0, $0xb8;
	[tilespmem:$0x18200] =	vst v63  }
0x2ee: {  	v3 =	vadd.s32 v1, v3  }
0x2ef: {  	[tilespmem:s8], [sflag:$0x1] =	stream.indirect_vreg.gather [hbm4b:s6+s2], $0x80, v4, vm0, $0xb8;
	[tilespmem:$0x18200] =	vst v63  }
0x2f0: {  	_ = 	snop  }
0x2f1: {  	[tilespmem:s9], [sflag:$0x1] =	stream.indirect_vreg.gather [hbm4b:s7+s2], $0x80, v4, vm0, $0xb8;
	[tilespmem:$0x18200] =	vst v63  }
0x2f2: {  	s1 =	simm.s32 $0x8200  }
0x2f3: {  	[tilespmem:s1], [sflag:$0x1] =	stream.indirect_vreg.gather [hbm4b:s4+s2], $0x80, v3, vm0, $0xb8;
	[tilespmem:$0x18200] =	vst v63  }
0x2f4: {  	s26 =	simm.s32 $0x8A00  }
0x2f5: {  	[tilespmem:s26], [sflag:$0x1] =	stream.indirect_vreg.gather [hbm4b:s5+s2], $0x80, v3, vm0, $0xb8;
	[tilespmem:$0x18200] =	vst v63  }
0x2f6: {  	s17 =	simm.s32 $0x9200  }
0x2f7: {  	[tilespmem:s17], [sflag:$0x1] =	stream.indirect_vreg.gather [hbm4b:s6+s2], $0x80, v3, vm0, $0xb8;
	[tilespmem:$0x18200] =	vst v63  }
0x2f8: {  	s13 =	simm.s32 $0x9A00  }
0x2f9: {  	[tilespmem:s13], [sflag:$0x1] =	stream.indirect_vreg.gather [hbm4b:s7+s2], $0x80, v3, vm0, $0xb8;
	[tilespmem:$0x18200] =	vst v63  }
0x2fa: {  	v3 =	vld.msk [tilespmem:$0x1A8], $0xff;
	_ =	sdelay $0x4  }
0x2fb: {  	v56 =	vshll.u32 v3, $0x3  }
0x2fc: {  	v3 =	vand.u32 $0x7, v3;
	v4 =	vand.u32 $0xFFFFFFC0, v56  }
0x2fd: {  	v3 =	vor.u32 v3, v4  }
0x2fe: {  	v3 =	vperm.xlane v3, v0;
	_ =	sdelay $0x1  }
0x2ff: {  	v3 =	vadd.s32 v1, v3;
	_ =	sdelay $0x3  }
0x300: {  	s22 =	simm.s32 $0xA200  }
0x301: {  	[tilespmem:s22], [sflag:$0x1] =	stream.indirect_vreg.gather [hbm4b:s4+s2], $0x80, v3, vm0, $0xb8;
	[tilespmem:$0x18200] =	vst v63  }
0x302: {  	s25 =	simm.s32 $0xAA00  }
0x303: {  	[tilespmem:s25], [sflag:$0x1] =	stream.indirect_vreg.gather [hbm4b:s5+s2], $0x80, v3, vm0, $0xb8;
	[tilespmem:$0x18200] =	vst v63  }
0x304: {  	s15 =	simm.s32 $0xB200  }
0x305: {  	[tilespmem:s15], [sflag:$0x1] =	stream.indirect_vreg.gather [hbm4b:s6+s2], $0x80, v3, vm0, $0xb8;
	[tilespmem:$0x18200] =	vst v63  }
0x306: {  	s15 =	simm.s32 $0xBA00  }
0x307: {  	[tilespmem:s15], [sflag:$0x1] =	stream.indirect_vreg.gather [hbm4b:s7+s2], $0x80, v3, vm0, $0xb8;
	[tilespmem:$0x18200] =	vst v63  }
0x308: {  	s0 =	rddreg [dreg:$0x1b];
	_ =	swait.ge [sflag:s30], $0x6000  }
0x309: {  	[sflag:s30] =	ssyncset.done $0x0  }
0x30a: {  	s17 =	rddreg [dreg:$0x13];
	[sflag:s30] =	ssyncadd.s32 $0xFFFFA000  }
0x30b: {  	[hbm4b:s17+s2] =	stream.linear.scatter [tilespmem:s16], [sflag:$0x2], $0x6000, $0x38;
	[tilespmem:$0x18200] =	vst v63  }
0x30c: {  	_ =	swait.ge [sflag:s29], $0x6000  }
0x30d: {  	[sflag:s29] =	ssyncset.done $0x0  }
0x30e: {  	[sflag:s29] =	ssyncadd.s32 $0xFFFFA000  }
0x30f: {  	v3 =	vld [tilespmem:$0x1B0];
	_ =	sdelay $0x4  }
0x310: {  	v57 =	vshll.u32 v3, $0x3  }
0x311: {  	v3 =	vand.u32 $0x7, v3;
	v4 =	vand.u32 $0xFFFFFFC0, v57  }
0x312: {  	v3 =	vor.u32 v3, v4  }
0x313: {  	v4 =	vperm.xlane v3, v0;
	_ =	sdelay $0x1  }
0x314: {  	v4 =	vadd.s32 v1, v4;
	_ =	sdelay $0x4  }
0x315: {  	[tilespmem:s12], [sflag:$0x1] =	stream.indirect_vreg.gather [hbm4b:s4+s2], $0x80, v4, vm0, $0xb8;
	[tilespmem:$0x18200] =	vst v63  }
0x316: {  	s22 =	simm.s32 $0xCA00;
	v3 =	vperm.xlane v3, v2  }
0x317: {  	[tilespmem:s22], [sflag:$0x1] =	stream.indirect_vreg.gather [hbm4b:s5+s2], $0x80, v4, vm0, $0xb8;
	[tilespmem:$0x18200] =	vst v63  }
0x318: {  	s21 =	simm.s32 $0xD200;
	v3 =	vadd.s32 v1, v3  }
0x319: {  	[tilespmem:s21], [sflag:$0x1] =	stream.indirect_vreg.gather [hbm4b:s6+s2], $0x80, v4, vm0, $0xb8;
	[tilespmem:$0x18200] =	vst v63  }
0x31a: {  	s31 =	simm.s32 $0xDA00  }
0x31b: {  	[tilespmem:s31], [sflag:$0x1] =	stream.indirect_vreg.gather [hbm4b:s7+s2], $0x80, v4, vm0, $0xb8;
	[tilespmem:$0x18200] =	vst v63  }
0x31c: {  	s14 =	simm.s32 $0xE200  }
0x31d: {  	[tilespmem:s14], [sflag:$0x1] =	stream.indirect_vreg.gather [hbm4b:s4+s2], $0x80, v3, vm0, $0xb8;
	[tilespmem:$0x18200] =	vst v63  }
0x31e: {  	s25 =	simm.s32 $0xEA00  }
0x31f: {  	[tilespmem:s25], [sflag:$0x1] =	stream.indirect_vreg.gather [hbm4b:s5+s2], $0x80, v3, vm0, $0xb8;
	[tilespmem:$0x18200] =	vst v63  }
0x320: {  	s26 =	simm.s32 $0xF200  }
0x321: {  	[tilespmem:s26], [sflag:$0x1] =	stream.indirect_vreg.gather [hbm4b:s6+s2], $0x80, v3, vm0, $0xb8;
	[tilespmem:$0x18200] =	vst v63  }
0x322: {  	s31 =	simm.s32 $0xFA00  }
0x323: {  	[tilespmem:s31], [sflag:$0x1] =	stream.indirect_vreg.gather [hbm4b:s7+s2], $0x80, v3, vm0, $0xb8;
	[tilespmem:$0x18200] =	vst v63  }
0x324: {  	v3 =	vld.msk [tilespmem:$0x1C0], $0xff;
	_ =	sdelay $0x4  }
0x325: {  	v58 =	vshll.u32 v3, $0x3  }
0x326: {  	v3 =	vand.u32 $0x7, v3;
	v4 =	vand.u32 $0xFFFFFFC0, v58  }
0x327: {  	v3 =	vor.u32 v3, v4  }
0x328: {  	v3 =	vperm.xlane v3, v0;
	_ =	sdelay $0x1  }
0x329: {  	v3 =	vadd.s32 v1, v3;
	_ =	sdelay $0x3  }
0x32a: {  	s13 =	simm.s32 $0x10200  }
0x32b: {  	[tilespmem:s13], [sflag:$0x1] =	stream.indirect_vreg.gather [hbm4b:s4+s2], $0x80, v3, vm0, $0xb8;
	[tilespmem:$0x18200] =	vst v63  }
0x32c: {  	s14 =	simm.s32 $0x10A00  }
0x32d: {  	[tilespmem:s14], [sflag:$0x1] =	stream.indirect_vreg.gather [hbm4b:s5+s2], $0x80, v3, vm0, $0xb8;
	[tilespmem:$0x18200] =	vst v63  }
0x32e: {  	s15 =	simm.s32 $0x11200  }
0x32f: {  	[tilespmem:s15], [sflag:$0x1] =	stream.indirect_vreg.gather [hbm4b:s6+s2], $0x80, v3, vm0, $0xb8;
	[tilespmem:$0x18200] =	vst v63  }
0x330: {  	s17 =	simm.s32 $0x11A00  }
0x331: {  	[tilespmem:s17], [sflag:$0x1] =	stream.indirect_vreg.gather [hbm4b:s7+s2], $0x80, v3, vm0, $0xb8;
	[tilespmem:$0x18200] =	vst v63  }
0x332: {  	_ =	swait.ge [sflag:s30], $0x6000  }
0x333: {  	[sflag:s30] =	ssyncset.done $0x0  }
0x334: {  	s21 =	rddreg [dreg:$0x14];
	[sflag:s30] =	ssyncadd.s32 $0xFFFFA000  }
0x335: {  	[hbm4b:s21+s2] =	stream.linear.scatter [tilespmem:s11], [sflag:$0x2], $0x6000, $0x38;
	[tilespmem:$0x18200] =	vst v63  }
0x336: {  	_ =	swait.ge [sflag:s29], $0x6000  }
0x337: {  	[sflag:s29] =	ssyncset.done $0x0  }
0x338: {  	[sflag:s29] =	ssyncadd.s32 $0xFFFFA000  }
0x339: {  	v3 =	vld [tilespmem:$0x1C8];
	_ =	sdelay $0x4  }
0x33a: {  	v59 =	vshll.u32 v3, $0x3  }
0x33b: {  	v3 =	vand.u32 $0x7, v3;
	v4 =	vand.u32 $0xFFFFFFC0, v59  }
0x33c: {  	v3 =	vor.u32 v3, v4  }
0x33d: {  	v4 =	vperm.xlane v3, v0;
	_ =	sdelay $0x1  }
0x33e: {  	v4 =	vadd.s32 v1, v4;
	_ =	sdelay $0x4  }
0x33f: {  	[tilespmem:s16], [sflag:$0x1] =	stream.indirect_vreg.gather [hbm4b:s4+s2], $0x80, v4, vm0, $0xb8;
	[tilespmem:$0x18200] =	vst v63  }
0x340: {  	s22 =	simm.s32 $0x12A00;
	v3 =	vperm.xlane v3, v2  }
0x341: {  	[tilespmem:s22], [sflag:$0x1] =	stream.indirect_vreg.gather [hbm4b:s5+s2], $0x80, v4, vm0, $0xb8;
	[tilespmem:$0x18200] =	vst v63  }
0x342: {  	s24 =	simm.s32 $0x13200;
	v3 =	vadd.s32 v1, v3  }
0x343: {  	[tilespmem:s24], [sflag:$0x1] =	stream.indirect_vreg.gather [hbm4b:s6+s2], $0x80, v4, vm0, $0xb8;
	[tilespmem:$0x18200] =	vst v63  }
0x344: {  	s18 =	simm.s32 $0x13A00  }
0x345: {  	[tilespmem:s18], [sflag:$0x1] =	stream.indirect_vreg.gather [hbm4b:s7+s2], $0x80, v4, vm0, $0xb8;
	[tilespmem:$0x18200] =	vst v63  }
0x346: {  	s19 =	simm.s32 $0x14200  }
0x347: {  	[tilespmem:s19], [sflag:$0x1] =	stream.indirect_vreg.gather [hbm4b:s4+s2], $0x80, v3, vm0, $0xb8;
	[tilespmem:$0x18200] =	vst v63  }
0x348: {  	s28 =	simm.s32 $0x14A00  }
0x349: {  	[tilespmem:s28], [sflag:$0x1] =	stream.indirect_vreg.gather [hbm4b:s5+s2], $0x80, v3, vm0, $0xb8;
	[tilespmem:$0x18200] =	vst v63  }
0x34a: {  	s20 =	simm.s32 $0x15200  }
0x34b: {  	[tilespmem:s20], [sflag:$0x1] =	stream.indirect_vreg.gather [hbm4b:s6+s2], $0x80, v3, vm0, $0xb8;
	[tilespmem:$0x18200] =	vst v63  }
0x34c: {  	s24 =	simm.s32 $0x15A00  }
0x34d: {  	[tilespmem:s24], [sflag:$0x1] =	stream.indirect_vreg.gather [hbm4b:s7+s2], $0x80, v3, vm0, $0xb8;
	[tilespmem:$0x18200] =	vst v63  }
0x34e: {  	v3 =	vld.msk [tilespmem:$0x1D8], $0xff;
	_ =	sdelay $0x4  }
0x34f: {  	v60 =	vshll.u32 v3, $0x3  }
0x350: {  	v3 =	vand.u32 $0x7, v3;
	v4 =	vand.u32 $0xFFFFFFC0, v60  }
0x351: {  	v3 =	vor.u32 v3, v4  }
0x352: {  	v3 =	vperm.xlane v3, v0;
	_ =	sdelay $0x1  }
0x353: {  	v3 =	vadd.s32 v1, v3;
	_ =	sdelay $0x3  }
0x354: {  	s23 =	simm.s32 $0x16200  }
0x355: {  	[tilespmem:s23], [sflag:$0x1] =	stream.indirect_vreg.gather [hbm4b:s4+s2], $0x80, v3, vm0, $0xb8;
	[tilespmem:$0x18200] =	vst v63  }
0x356: {  	s25 =	simm.s32 $0x16A00  }
0x357: {  	[tilespmem:s25], [sflag:$0x1] =	stream.indirect_vreg.gather [hbm4b:s5+s2], $0x80, v3, vm0, $0xb8;
	[tilespmem:$0x18200] =	vst v63  }
0x358: {  	s26 =	simm.s32 $0x17200  }
0x359: {  	[tilespmem:s26], [sflag:$0x1] =	stream.indirect_vreg.gather [hbm4b:s6+s2], $0x80, v3, vm0, $0xb8;
	[tilespmem:$0x18200] =	vst v63  }
0x35a: {  	s28 =	simm.s32 $0x17A00  }
0x35b: {  	[tilespmem:s28], [sflag:$0x1] =	stream.indirect_vreg.gather [hbm4b:s7+s2], $0x80, v3, vm0, $0xb8;
	[tilespmem:$0x18200] =	vst v63  }
0x35c: {  	_ =	swait.ge [sflag:s30], $0x6000  }
0x35d: {  	[sflag:s30] =	ssyncset.done $0x0  }
0x35e: {  	s31 =	rddreg [dreg:$0x15];
	[sflag:s30] =	ssyncadd.s32 $0xFFFFA000  }
0x35f: {  	[hbm4b:s31+s2] =	stream.linear.scatter [tilespmem:s3], [sflag:$0x2], $0x6000, $0x38;
	[tilespmem:$0x18200] =	vst v63  }
0x360: {  	_ =	swait.ge [sflag:s29], $0x6000  }
0x361: {  	[sflag:s29] =	ssyncset.done $0x0  }
0x362: {  	[sflag:s29] =	ssyncadd.s32 $0xFFFFA000  }
0x363: {  	v3 =	vld [tilespmem:$0x1E0];
	_ =	sdelay $0x4  }
0x364: {  	v61 =	vshll.u32 v3, $0x3  }
0x365: {  	v3 =	vand.u32 $0x7, v3;
	v4 =	vand.u32 $0xFFFFFFC0, v61  }
0x366: {  	v3 =	vor.u32 v3, v4  }
0x367: {  	v4 =	vperm.xlane v3, v0;
	_ =	sdelay $0x1  }
0x368: {  	v4 =	vadd.s32 v1, v4;
	_ =	sdelay $0x4  }
0x369: {  	[tilespmem:s11], [sflag:$0x1] =	stream.indirect_vreg.gather [hbm4b:s4+s2], $0x80, v4, vm0, $0xb8;
	[tilespmem:$0x18200] =	vst v63  }
0x36a: {  	s13 =	simm.s32 $0xA00;
	v3 =	vperm.xlane v3, v2  }
0x36b: {  	[tilespmem:s13], [sflag:$0x1] =	stream.indirect_vreg.gather [hbm4b:s5+s2], $0x80, v4, vm0, $0xb8;
	[tilespmem:$0x18200] =	vst v63  }
0x36c: {  	s14 =	simm.s32 $0x1200;
	v3 =	vadd.s32 v1, v3  }
0x36d: {  	[tilespmem:s14], [sflag:$0x1] =	stream.indirect_vreg.gather [hbm4b:s6+s2], $0x80, v4, vm0, $0xb8;
	[tilespmem:$0x18200] =	vst v63  }
0x36e: {  	s15 =	simm.s32 $0x1A00  }
0x36f: {  	[tilespmem:s15], [sflag:$0x1] =	stream.indirect_vreg.gather [hbm4b:s7+s2], $0x80, v4, vm0, $0xb8;
	[tilespmem:$0x18200] =	vst v63  }
0x370: {  	s17 =	simm.s32 $0x2200  }
0x371: {  	[tilespmem:s17], [sflag:$0x1] =	stream.indirect_vreg.gather [hbm4b:s4+s2], $0x80, v3, vm0, $0xb8;
	[tilespmem:$0x18200] =	vst v63  }
0x372: {  	s18 =	simm.s32 $0x2A00  }
0x373: {  	[tilespmem:s18], [sflag:$0x1] =	stream.indirect_vreg.gather [hbm4b:s5+s2], $0x80, v3, vm0, $0xb8;
	[tilespmem:$0x18200] =	vst v63  }
0x374: {  	s19 =	simm.s32 $0x3200  }
0x375: {  	[tilespmem:s19], [sflag:$0x1] =	stream.indirect_vreg.gather [hbm4b:s6+s2], $0x80, v3, vm0, $0xb8;
	[tilespmem:$0x18200] =	vst v63  }
0x376: {  	s20 =	simm.s32 $0x3A00  }
0x377: {  	[tilespmem:s20], [sflag:$0x1] =	stream.indirect_vreg.gather [hbm4b:s7+s2], $0x80, v3, vm0, $0xb8;
	[tilespmem:$0x18200] =	vst v63  }
0x378: {  	v3 =	vld.msk [tilespmem:$0x1F0], $0xff;
	_ =	sdelay $0x4  }
0x379: {  	v62 =	vshll.u32 v3, $0x3  }
0x37a: {  	v3 =	vand.u32 $0x7, v3;
	v4 =	vand.u32 $0xFFFFFFC0, v62  }
0x37b: {  	v3 =	vor.u32 v3, v4  }
0x37c: {  	v3 =	vperm.xlane v3, v0;
	_ =	sdelay $0x1  }
0x37d: {  	v3 =	vadd.s32 v1, v3;
	_ =	sdelay $0x3  }
0x37e: {  	s21 =	simm.s32 $0x4200  }
0x37f: {  	[tilespmem:s21], [sflag:$0x1] =	stream.indirect_vreg.gather [hbm4b:s4+s2], $0x80, v3, vm0, $0xb8;
	[tilespmem:$0x18200] =	vst v63  }
0x380: {  	s22 =	simm.s32 $0x4A00  }
0x381: {  	[tilespmem:s22], [sflag:$0x1] =	stream.indirect_vreg.gather [hbm4b:s5+s2], $0x80, v3, vm0, $0xb8;
	[tilespmem:$0x18200] =	vst v63  }
0x382: {  	s23 =	simm.s32 $0x5200  }
0x383: {  	[tilespmem:s23], [sflag:$0x1] =	stream.indirect_vreg.gather [hbm4b:s6+s2], $0x80, v3, vm0, $0xb8;
	[tilespmem:$0x18200] =	vst v63  }
0x384: {  	s24 =	simm.s32 $0x5A00  }
0x385: {  	[tilespmem:s24], [sflag:$0x1] =	stream.indirect_vreg.gather [hbm4b:s7+s2], $0x80, v3, vm0, $0xb8;
	[tilespmem:$0x18200] =	vst v63  }
0x386: {  	_ =	swait.ge [sflag:s30], $0x6000  }
0x387: {  	[sflag:s30] =	ssyncset.done $0x0  }
0x388: {  	s25 =	rddreg [dreg:$0x16];
	[sflag:s30] =	ssyncadd.s32 $0xFFFFA000  }
0x389: {  	[hbm4b:s25+s2] =	stream.linear.scatter [tilespmem:s12], [sflag:$0x2], $0x6000, $0x38;
	[tilespmem:$0x18200] =	vst v63  }
0x38a: {  	_ =	swait.ge [sflag:s29], $0x6000  }
0x38b: {  	[sflag:s29] =	ssyncset.done $0x0  }
0x38c: {  	[sflag:s29] =	ssyncadd.s32 $0xFFFFA000  }
0x38d: {  	v3 =	vld.msk [tilespmem:$0x1F8], $0xff;
	_ =	sdelay $0x4  }
0x38e: {  	v63 =	vshll.u32 v3, $0x3  }
0x38f: {  	v3 =	vand.u32 $0x7, v3;
	v4 =	vand.u32 $0xFFFFFFC0, v63  }
0x390: {  	v3 =	vor.u32 v3, v4  }
0x391: {  	v3 =	vperm.xlane v3, v0;
	_ =	sdelay $0x1  }
0x392: {  	v3 =	vadd.s32 v1, v3;
	_ =	sdelay $0x4  }
0x393: {  	[tilespmem:s3], [sflag:$0x1] =	stream.indirect_vreg.gather [hbm4b:s4+s2], $0x80, v3, vm0, $0xb8;
	[tilespmem:$0x18200] =	vst v63  }
0x394: {  	s10 =	simm.s32 $0x6A00  }
0x395: {  	[tilespmem:s10], [sflag:$0x1] =	stream.indirect_vreg.gather [hbm4b:s5+s2], $0x80, v3, vm0, $0xb8;
	[tilespmem:$0x18200] =	vst v63  }
0x396: {  	s8 =	simm.s32 $0x7200  }
0x397: {  	[tilespmem:s8], [sflag:$0x1] =	stream.indirect_vreg.gather [hbm4b:s6+s2], $0x80, v3, vm0, $0xb8;
	[tilespmem:$0x18200] =	vst v63  }
0x398: {  	s9 =	simm.s32 $0x7A00  }
0x399: {  	[tilespmem:s9], [sflag:$0x1] =	stream.indirect_vreg.gather [hbm4b:s7+s2], $0x80, v3, vm0, $0xb8;
	[tilespmem:$0x18200] =	vst v63  }
0x39a: {  	_ =	swait.ge [sflag:s30], $0x6000  }
0x39b: {  	[sflag:s30] =	ssyncset.done $0x0  }
0x39c: {  	s26 =	rddreg [dreg:$0x17];
	[sflag:s30] =	ssyncadd.s32 $0xFFFFA000  }
0x39d: {  	[hbm4b:s26+s2] =	stream.linear.scatter [tilespmem:s16], [sflag:$0x2], $0x6000, $0x38;
	[tilespmem:$0x18200] =	vst v63  }
0x39e: {  	_ =	swait.ge [sflag:s30], $0x6000  }
0x39f: {  	[sflag:s30] =	ssyncset.done $0x0  }
0x3a0: {  	s28 =	rddreg [dreg:$0x18];
	[sflag:s30] =	ssyncadd.s32 $0xFFFFA000  }
0x3a1: {  	[hbm4b:s28+s2] =	stream.linear.scatter [tilespmem:s11], [sflag:$0x2], $0x6000, $0x38;
	[tilespmem:$0x18200] =	vst v63  }
0x3a2: {  	_ =	swait.ge [sflag:s30], $0x2000  }
0x3a3: {  	[sflag:s30] =	ssyncset.done $0x0  }
0x3a4: {  	s31 =	rddreg [dreg:$0x19];
	[sflag:s30] =	ssyncadd.s32 $0xFFFFE000  }
0x3a5: {  	[hbm4b:s31+s2] =	stream.linear.scatter [tilespmem:s3], [sflag:$0x2], $0x2000, $0x38;
	[tilespmem:$0x18200] =	vst v63  }
0x3a6: {  	_ =	swait.ge [sflag:s29], $0x6000  }
0x3a7: {  	[sflag:s29] =	ssyncset.done $0x0  }
0x3a8: {  	[sflag:s29] =	ssyncadd.s32 $0xFFFFA000  }
0x3a9: {  	_ =	swait.ge [sflag:s29], $0x6000  }
0x3aa: {  	[sflag:s29] =	ssyncset.done $0x0  }
0x3ab: {  	[sflag:s29] =	ssyncadd.s32 $0xFFFFA000  }
0x3ac: {  	p0 =	sne.s32 s0, $0x1;
	_ =	swait.ge [sflag:s29], $0x6000  }
.Ltmp0:
0x3ad: {  	[sflag:s29] =	ssyncset.done $0x0;
	(pc) =	sbr.rel @p0 .LBB2_1-.Ltmp0, $4  }
0x3ae: {  	[sflag:s29] =	ssyncadd.s32 $0xFFFFA000  }
0x3af: {  	_ =	swait.ge [sflag:s29], $0x2000  }
0x3b0: {  	[sflag:s29] =	ssyncset.done $0x0  }
0x3b1: {  	s0 =	sadd.s32 $0xFFFFFFFF, s0;
	[sflag:s29] =	ssyncadd.s32 $0xFFFFE000  }
0x3b2: {  	_ =	sfence.sel $0x180000  }
0x3b3: {  	[bflag:$0x0] =	sbarrier.arrive $0xFFFF  }
0x3b4: {  	_ =	strace $0x90000047  }
0x3b5: {  	s0 =	stileid.u32;
	[bflag:$0x2] =	sbarrier.arrive $0xFFFF  }
0x3b6: {  	p0 =	sne.s32 s0, $0x0;
	s0 =	rddreg [dreg:$0x3]  }
0x3b7: {  	s0 =	sadd.s32 @!p0 $0x100000, s0  }
0x3b8: {  	[sflag:s0] =	ssyncadd.tile.s32 @!p0 $0x1;
	_ =	shalt  }
.Lfunc_end2:
_tile_overlayer_lowered:
.L_overlay_start_2:
0x3b9: {  	(tag) =	ssettag $0x2  }
0x3ba: {  	s0 =	rddreg [dreg:$0x0];
	s2 =	stileid.u32  }
0x3bb: {  	s1 =	rddreg [dreg:$0x1];
	p0 =	sne.s32 s2, $0x0  }
0x3bc: {  	s3 =	rddreg [dreg:$0x2];
	[bflag:$0x3] =	sbarrier.arrive $0xFFFF;
	s2 =	simm.s32 @!p0 $0x1C03  }
0x3bd: {  	[timem:s3], [sflag:s2] =	dma.local @!p0 [hbm:s0], s1  }
0x3be: {  	s0 =	simm.s32 @!p0 $0x3  }
0x3bf: {  	_ =	swait.ge @!p0 [sflag:s0], s1  }
0x3c0: {  	s1 =	ssub.s32 @!p0 $0x0, s1;
	[sflag:s0] =	ssyncset.done @!p0 $0x0  }
0x3c1: {  	[sflag:s0] =	ssyncadd.s32 @!p0 s1  }
0x3c2: {  	[bflag:$0x3] =	sbarrier.arrive $0xFFFF  }
0x3c3: {  	_ =	shalt  }

</sc_bundles>
